<compile_context>
chip_gen: v7x
topology: tpu7x:2x2x1
jax: 0.10.2.dev20260603
libtpu: 0.0.44.dev20260713+nightly
codegen_flags: <defaults>
</compile_context>

<pallas_src>
import functools

import jax
import jax.numpy as jnp
from jax import lax
from jax.experimental import pallas as pl
from jax.experimental.pallas import tpu as pltpu
from jax.experimental.pallas import tpu_sc as plsc

W_S = 4
N_W = W_S * W_S
B, L, D = 32, 577, 768
CLS = L // 2
H = 24
HW = 6
NQ = 2 * L
QPT = 36
NK = 38


def _build_rot(r, epsilon=1e-08):
    norms = jnp.linalg.norm(r, axis=1, keepdims=True)
    r = r / (norms + epsilon)
    angles = jnp.arctan2(r[:, 0], r[:, 1])
    cos = jnp.cos(angles)
    sin = jnp.sin(angles)
    row0 = jnp.stack([cos, -sin], axis=-1)
    row1 = jnp.stack([sin, cos], axis=-1)
    return jnp.stack([row0, row1], axis=1)


def _row_tables(scale, rotation, mean_p):
    scale_e = jnp.exp(scale)
    left = jax.vmap(jnp.diag)(scale_e)
    right = _build_rot(rotation)
    transform = left @ right
    cov = transform @ jnp.swapaxes(transform, -2, -1)
    chol = jnp.linalg.cholesky(cov)
    inv_cov = jax.vmap(
        lambda c: jax.scipy.linalg.cho_solve((c, True), jnp.eye(2, dtype=c.dtype))
    )(chol)
    grid_y, grid_x = jnp.meshgrid(
        jnp.arange(HW, dtype=jnp.float32),
        jnp.arange(HW, dtype=jnp.float32),
        indexing="ij",
    )
    grid = jnp.stack([grid_x, grid_y], axis=-1)
    mean = jnp.exp(mean_p)
    mean_mean = jnp.mean(mean, axis=1, keepdims=True)
    mean_std = jnp.std(mean, axis=1, keepdims=True, ddof=1)
    mean = (mean - mean_mean) / (mean_std + 1e-05)
    mean = mean * (HW // 2) + HW // 2
    mean = jnp.clip(mean, 0.0, float(HW // 2))
    diff = grid[None, :, :, :] - mean[:, None, None, :]
    maha = jnp.einsum("nhwi,nij,nhwj->nhw", diff, inv_cov, diff)
    weights = jax.nn.sigmoid(jnp.exp(-0.5 * maha)).reshape(N_W, HW * HW)
    iota36 = lax.broadcasted_iota(jnp.int32, (N_W, HW * HW), 1)
    _, idx, sorted_w = lax.sort(
        (-weights, iota36, weights), dimension=1, num_keys=1, is_stable=True
    )

    n = jnp.arange(N_W)[:, None]
    wy, wx = n // W_S, n % W_S
    sy, sx = idx // HW, idx % HW
    rs = (wy * HW + sy) * H + wx * HW + sx
    srow = jnp.transpose(
        rs.astype(jnp.int32).reshape(W_S, W_S, HW, HW), (0, 2, 1, 3)
    ).reshape(H * H)
    wrow = jnp.transpose(
        sorted_w.reshape(W_S, W_S, HW, HW), (0, 2, 1, 3)
    ).reshape(H * H)
    src_sp = srow + (srow >= CLS).astype(jnp.int32)
    src = jnp.concatenate(
        [src_sp[:CLS], jnp.array([CLS], jnp.int32), src_sp[CLS:]]
    )
    wgt = jnp.concatenate(
        [wrow[:CLS], jnp.array([1.0], jnp.float32), wrow[CLS:]]
    )
    return src, wgt


def _tile_tables(src, wgt):
    s2q = (src * 2)[:, None] + jnp.arange(2, dtype=jnp.int32)[None, :]
    s2q = s2q.reshape(NQ)
    w2q = jnp.broadcast_to(wgt[:, None], (L, 2)).reshape(NQ)
    main_s = s2q[: 32 * QPT].reshape(32, QPT)
    main_w = w2q[: 32 * QPT].reshape(32, QPT)
    extra_s = jnp.concatenate(
        [s2q[32 * QPT:], jnp.zeros((30,), jnp.int32)]
    ).reshape(32, 1)
    extra_w = jnp.concatenate(
        [w2q[32 * QPT:], jnp.zeros((30,), jnp.float32)]
    ).reshape(32, 1)
    s2full = jnp.concatenate(
        [main_s, extra_s, jnp.zeros((32, 64 - QPT - 1), jnp.int32)], axis=1
    )
    wtbl = jnp.concatenate(
        [main_w, extra_w, jnp.zeros((32, 128 - QPT - 1), jnp.float32)], axis=1
    ).reshape(32, 1, 128)
    idx8 = jnp.concatenate(
        [s2full[..., None], jnp.zeros((32, 64, 7), jnp.int32)], axis=2
    ).reshape(32, 1, 512)
    return idx8, wtbl


def _sc_body(x_hbm, idx_hbm, wtbl_hbm, out_hbm,
             idx_v, wtb_v, wtab, in0, in1, out0, out1,
             gsem0, gsem1, ssem0, ssem1):
    info = plsc.get_sparse_core_info()
    nc = info.num_cores
    wid = lax.axis_index("s") * nc + lax.axis_index("c")
    nvalid = QPT + jnp.where(wid < 2, 1, 0)

    ins = (in0, in1)
    outs = (out0, out1)
    gsems = (gsem0, gsem1)
    ssems = (ssem0, ssem1)

    pltpu.sync_copy(idx_hbm.at[wid], idx_v)
    pltpu.sync_copy(wtbl_hbm.at[wid], wtb_v)
    for j in range(3):
        wv16 = wtb_v[0, pl.ds(16 * j, 16)]
        for r in range(16):
            wtab[16 * j + r, :] = jnp.full((16,), wv16[r], jnp.float32)

    def start_gather(kk, p):
        off = pl.multiple_of(8 * kk, 8)
        pltpu.async_copy(x_hbm.at[idx_v.at[0, pl.ds(off, 1)]], ins[p], gsems[p])

    def wait_gather(p):
        pltpu.make_async_copy(
            x_hbm.at[idx_v.at[0, pl.ds(0, 1)]], ins[p], gsems[p]).wait()

    def wait_scatter(p):
        pltpu.make_async_copy(
            outs[p], out_hbm.at[pl.ds(0, 1)], ssems[p]).wait()

    def scale(src_buf, dst_buf, kk):
        wv = wtab[kk, :]

        def body(r, _):
            for c in range(D // 16):
                cs = pl.ds(c * 16, 16)
                dst_buf[0, r, cs] = src_buf[0, r, cs] * wv
            return 0

        lax.fori_loop(0, 16, body, 0)

    start_gather(0, 0)
    start_gather(1, 1)

    def pair(g, _):
        for bb in range(2):
            kk = g * 2 + bb
            wait_gather(bb)

            @pl.when((kk >= 2) & (kk - 2 < nvalid))
            def _():
                wait_scatter(bb)

            @pl.when(kk < nvalid)
            def _():
                scale(ins[bb], outs[bb], kk)
                qo = jnp.where(kk == QPT, 1152 + wid, wid * QPT + kk)
                pltpu.async_copy(outs[bb], out_hbm.at[pl.ds(qo, 1)], ssems[bb])

            start_gather(kk + 2, bb)
        return 0

    lax.fori_loop(0, NK // 2, pair, 0)

    for bb in range(2):
        wait_gather(bb)

        @pl.when(NK - 2 + bb < nvalid)
        def _():
            wait_scatter(bb)


@jax.jit
def kernel(x, scale, rotation, mean):
    src, wgt = _row_tables(scale, rotation, mean)
    idx8, wtbl = _tile_tables(src, wgt)
    x2 = jnp.transpose(x, (1, 0, 2)).reshape(NQ, 16, D)

    mesh = plsc.VectorSubcoreMesh(core_axis_name="c", subcore_axis_name="s")
    run = functools.partial(
        pl.kernel,
        mesh=mesh,
        out_type=jax.ShapeDtypeStruct((NQ, 16, D), jnp.float32),
        scratch_types=[
            pltpu.VMEM((1, 512), jnp.int32),
            pltpu.VMEM((1, 128), jnp.float32),
            pltpu.VMEM((48, 16), jnp.float32),
            pltpu.VMEM((1, 16, D), jnp.float32),
            pltpu.VMEM((1, 16, D), jnp.float32),
            pltpu.VMEM((1, 16, D), jnp.float32),
            pltpu.VMEM((1, 16, D), jnp.float32),
            pltpu.SemaphoreType.DMA,
            pltpu.SemaphoreType.DMA,
            pltpu.SemaphoreType.DMA,
            pltpu.SemaphoreType.DMA,
        ],
    )(_sc_body)
    out2 = run(x2, idx8, wtbl)
    return jnp.transpose(out2.reshape(L, B, D), (1, 0, 2))

# --- scband reference (transcript-rebuilt; emitter-appended) ---
"""Pipeline reference for scband-gauss-model-49864570307219 (READ-ONLY COPY).

The authoritative reference and input builder live on the scoring server;
editing this copy changes nothing except your own understanding.
"""

import jax, jax.numpy as jnp
import numpy as np
import math

W_S = 4
N_W = W_S * W_S

def setup_inputs(seed: int = 0) -> dict:
    key = jax.random.key(seed)
    k1, k2, k3, k4 = jax.random.split(key, 4)
    B, L, D = 32, 577, 768
    x = jax.random.normal(k1, (B, L, D), dtype=jnp.float32)
    scale = 0.01 * jax.random.normal(k2, (N_W, 2), dtype=jnp.float32)
    rotation = jnp.zeros((N_W, 2), dtype=jnp.float32).at[:, 0].set(1.0) + 0.01 * jax.random.normal(k3, (N_W, 2), dtype=jnp.float32)
    mean = 0.01 * jax.random.normal(k4, (N_W, 2), dtype=jnp.float32)
    return {"x": x, "scale": scale, "rotation": rotation, "mean": mean}

def build_rotation_2d(r, epsilon=1e-08):
    norms = jnp.linalg.norm(r, axis=1, keepdims=True)
    r = r / (norms + epsilon)
    angles = jnp.arctan2(r[:, 0], r[:, 1])
    cos = jnp.cos(angles)
    sin = jnp.sin(angles)
    row0 = jnp.stack([cos, -sin], axis=-1)
    row1 = jnp.stack([sin, cos], axis=-1)
    return jnp.stack([row0, row1], axis=1)

def _forward(x, scale, rotation, mean_p):
    B, L, D = x.shape
    cls_pos = L // 2
    cls_token = x[:, cls_pos:cls_pos + 1, :]
    xr = jnp.concatenate([x[:, :cls_pos, :], x[:, cls_pos + 1:, :]], axis=1)
    l = L - 1
    H = W = int(math.isqrt(l))
    h_w = H // W_S
    w_w = W // W_S
    scale_e = jnp.exp(scale)
    left = jax.vmap(jnp.diag)(scale_e)
    right = build_rotation_2d(rotation)
    transform = left @ right
    cov = transform @ jnp.swapaxes(transform, -2, -1)
    chol = jnp.linalg.cholesky(cov)
    inv_cov = jax.vmap(lambda c: jax.scipy.linalg.cho_solve((c, True), jnp.eye(2, dtype=c.dtype)))(chol)
    grid_y, grid_x = jnp.meshgrid(jnp.arange(h_w, dtype=jnp.float32), jnp.arange(w_w, dtype=jnp.float32), indexing='ij')
    grid = jnp.stack([grid_x, grid_y], axis=-1)
    mean = jnp.exp(mean_p)
    mean_mean = jnp.mean(mean, axis=1, keepdims=True)
    mean_std = jnp.std(mean, axis=1, keepdims=True, ddof=1)
    mean = (mean - mean_mean) / (mean_std + 1e-05)
    mean = mean * (h_w // 2) + w_w // 2
    mean = jnp.clip(mean, 0.0, float(h_w // 2))
    diff = grid[None, :, :, :] - mean[:, None, None, :]
    maha = jnp.einsum('nhwi,nij,nhwj->nhw', diff, inv_cov, diff)
    weights = jax.nn.sigmoid(jnp.exp(-0.5 * maha)).reshape(N_W, h_w * w_w)
    weights = jnp.broadcast_to(weights[None], (B, N_W, h_w * w_w))
    idx = jnp.argsort(-weights, axis=2)
    sorted_w = jnp.take_along_axis(weights, idx, axis=2)
    n_s = int(N_W ** 0.5)
    xw = xr.reshape(B, H, W, D).reshape(B, n_s, h_w, n_s, w_w, D)
    xw = jnp.transpose(xw, (0, 1, 3, 2, 4, 5)).reshape(B, N_W, h_w * w_w, D)
    xg = jnp.take_along_axis(xw, idx[..., None], axis=2)
    x_new = xg * sorted_w[..., None]
    x_new = x_new.reshape(B, n_s, n_s, h_w, w_w, D)
    x_new = jnp.transpose(x_new, (0, 1, 3, 2, 4, 5)).reshape(B, H, W, D).reshape(B, l, D)
    out = jnp.concatenate([x_new[:, :cls_pos, :], cls_token, x_new[:, cls_pos:, :]], axis=1)
    return out

def reference(x, scale, rotation, mean):
    return _forward(x, scale, rotation, mean)

if __name__ == "__main__":
    import jax
    _d = setup_inputs()
    print(jax.jit(kernel)(*tuple(_d.values())))

</pallas_src>

<mosaic_0001>
#map = affine_map<(d0, d1) -> (0, 0, 0)>
module attributes {stable_mosaic.version = 14 : i64} {
  func.func @_sc_body(%arg0: i32, %arg1: i32, %arg2: memref<1154x16x768xf32, #tpu.memory_space<hbm>>, %arg3: memref<32x1x512xi32, #tpu.memory_space<hbm>>, %arg4: memref<32x1x128xf32, #tpu.memory_space<hbm>>, %arg5: memref<1154x16x768xf32, #tpu.memory_space<hbm>>, %arg6: memref<1x512xi32, #tpu.memory_space<vmem>>, %arg7: memref<1x128xf32, #tpu.memory_space<vmem>>, %arg8: memref<48x16xf32, #tpu.memory_space<vmem>>, %arg9: memref<1x16x768xf32, #tpu.memory_space<vmem>>, %arg10: memref<1x16x768xf32, #tpu.memory_space<vmem>>, %arg11: memref<1x16x768xf32, #tpu.memory_space<vmem>>, %arg12: memref<1x16x768xf32, #tpu.memory_space<vmem>>, %arg13: memref<!tpu.dma_semaphore, #tpu.memory_space<semaphore_mem>>, %arg14: memref<!tpu.dma_semaphore, #tpu.memory_space<semaphore_mem>>, %arg15: memref<!tpu.dma_semaphore, #tpu.memory_space<semaphore_mem>>, %arg16: memref<!tpu.dma_semaphore, #tpu.memory_space<semaphore_mem>>) attributes {dimension_semantics = [#tpu.dimension_semantics<core_parallel>, #tpu.dimension_semantics<subcore_parallel>], iteration_bounds = array<i64: 2, 16>, scalar_prefetch = 0 : i64, scratch_operands = 11 : i64, tpu.core_type = #tpu.core_type<sc_vector_subcore>, window_params = [{transform_indices = #map}, {transform_indices = #map}, {transform_indices = #map}, {transform_indices = #map}]} {
    %mul3A = arith.constant 2 : i32
    %mul3A_0 = arith.muli %arg1, %mul3A : i32
    %add3A = arith.addi %mul3A_0, %arg0 : i32
    %lt3A = arith.constant 2 : i32
    %lt3A_1 = arith.cmpi slt, %add3A, %lt3A : i32
    %jit3A = arith.constant 1 : i32
    %jit3A_2 = arith.constant 0 : i32
    %select_n3A = arith.select %lt3A_1, %jit3A, %jit3A_2 : i32
    %add3A_3 = arith.constant 36 : i32
    %add3A_4 = arith.addi %add3A_3, %select_n3A : i32
    "tpu.region"() ({
      %run_scoped3A = tpu.sem_alloc : memref<!tpu.dma_semaphore, #tpu.memory_space<semaphore_mem>>
      %dma_start3A_491 = arith.constant 0 : i32
      %dma_start3A_492 = arith.constant 0 : i32
      %dma_start3A_493 = tpu.memref_slice %arg3[%add3A, %dma_start3A_491, %dma_start3A_492] : memref<32x1x512xi32, #tpu.memory_space<hbm>> -> memref<1x1x512xi32, #tpu.memory_space<hbm>>
      %dma_start3A_494 = tpu.memref_squeeze %dma_start3A_493 : memref<1x1x512xi32, #tpu.memory_space<hbm>> -> memref<1x512xi32, #tpu.memory_space<hbm>>
      %dma_start3A_495 = arith.constant 0 : i32
      %dma_start3A_496 = arith.constant 0 : i32
      %dma_start3A_497 = tpu.memref_slice %arg3[%add3A, %dma_start3A_495, %dma_start3A_496] : memref<32x1x512xi32, #tpu.memory_space<hbm>> -> memref<1x1x512xi32, #tpu.memory_space<hbm>>
      %dma_start3A_498 = tpu.memref_squeeze %dma_start3A_497 : memref<1x1x512xi32, #tpu.memory_space<hbm>> -> memref<1x512xi32, #tpu.memory_space<hbm>>
      tpu.enqueue_dma source(%dma_start3A_498 : memref<1x512xi32, #tpu.memory_space<hbm>>) target(%arg6 : memref<1x512xi32, #tpu.memory_space<vmem>>) target_semaphore(%run_scoped3A : memref<!tpu.dma_semaphore, #tpu.memory_space<semaphore_mem>>)
      %dma_wait3A_499 = arith.constant 0 : i32
      %dma_wait3A_500 = arith.constant 0 : i32
      %dma_wait3A_501 = tpu.memref_slice %arg3[%add3A, %dma_wait3A_499, %dma_wait3A_500] : memref<32x1x512xi32, #tpu.memory_space<hbm>> -> memref<1x1x512xi32, #tpu.memory_space<hbm>>
      %dma_wait3A_502 = tpu.memref_squeeze %dma_wait3A_501 : memref<1x1x512xi32, #tpu.memory_space<hbm>> -> memref<1x512xi32, #tpu.memory_space<hbm>>
      %dma_wait3A_503 = arith.constant 0 : i32
      %dma_wait3A_504 = arith.constant 0 : i32
      %dma_wait3A_505 = tpu.memref_slice %arg3[%add3A, %dma_wait3A_503, %dma_wait3A_504] : memref<32x1x512xi32, #tpu.memory_space<hbm>> -> memref<1x1x512xi32, #tpu.memory_space<hbm>>
      %dma_wait3A_506 = tpu.memref_squeeze %dma_wait3A_505 : memref<1x1x512xi32, #tpu.memory_space<hbm>> -> memref<1x512xi32, #tpu.memory_space<hbm>>
      tpu.wait_dma2 semaphore(%run_scoped3A : memref<!tpu.dma_semaphore, #tpu.memory_space<semaphore_mem>>) src(%dma_wait3A_506 : memref<1x512xi32, #tpu.memory_space<hbm>>) dst(%arg6 : memref<1x512xi32, #tpu.memory_space<vmem>>)
      tpu.yield
    }) : () -> ()
    "tpu.region"() ({
      %run_scoped3A = tpu.sem_alloc : memref<!tpu.dma_semaphore, #tpu.memory_space<semaphore_mem>>
      %dma_start3A_491 = arith.constant 0 : i32
      %dma_start3A_492 = arith.constant 0 : i32
      %dma_start3A_493 = tpu.memref_slice %arg4[%add3A, %dma_start3A_491, %dma_start3A_492] : memref<32x1x128xf32, #tpu.memory_space<hbm>> -> memref<1x1x128xf32, #tpu.memory_space<hbm>>
      %dma_start3A_494 = tpu.memref_squeeze %dma_start3A_493 : memref<1x1x128xf32, #tpu.memory_space<hbm>> -> memref<1x128xf32, #tpu.memory_space<hbm>>
      %dma_start3A_495 = arith.constant 0 : i32
      %dma_start3A_496 = arith.constant 0 : i32
      %dma_start3A_497 = tpu.memref_slice %arg4[%add3A, %dma_start3A_495, %dma_start3A_496] : memref<32x1x128xf32, #tpu.memory_space<hbm>> -> memref<1x1x128xf32, #tpu.memory_space<hbm>>
      %dma_start3A_498 = tpu.memref_squeeze %dma_start3A_497 : memref<1x1x128xf32, #tpu.memory_space<hbm>> -> memref<1x128xf32, #tpu.memory_space<hbm>>
      tpu.enqueue_dma source(%dma_start3A_498 : memref<1x128xf32, #tpu.memory_space<hbm>>) target(%arg7 : memref<1x128xf32, #tpu.memory_space<vmem>>) target_semaphore(%run_scoped3A : memref<!tpu.dma_semaphore, #tpu.memory_space<semaphore_mem>>)
      %dma_wait3A_499 = arith.constant 0 : i32
      %dma_wait3A_500 = arith.constant 0 : i32
      %dma_wait3A_501 = tpu.memref_slice %arg4[%add3A, %dma_wait3A_499, %dma_wait3A_500] : memref<32x1x128xf32, #tpu.memory_space<hbm>> -> memref<1x1x128xf32, #tpu.memory_space<hbm>>
      %dma_wait3A_502 = tpu.memref_squeeze %dma_wait3A_501 : memref<1x1x128xf32, #tpu.memory_space<hbm>> -> memref<1x128xf32, #tpu.memory_space<hbm>>
      %dma_wait3A_503 = arith.constant 0 : i32
      %dma_wait3A_504 = arith.constant 0 : i32
      %dma_wait3A_505 = tpu.memref_slice %arg4[%add3A, %dma_wait3A_503, %dma_wait3A_504] : memref<32x1x128xf32, #tpu.memory_space<hbm>> -> memref<1x1x128xf32, #tpu.memory_space<hbm>>
      %dma_wait3A_506 = tpu.memref_squeeze %dma_wait3A_505 : memref<1x1x128xf32, #tpu.memory_space<hbm>> -> memref<1x128xf32, #tpu.memory_space<hbm>>
      tpu.wait_dma2 semaphore(%run_scoped3A : memref<!tpu.dma_semaphore, #tpu.memory_space<semaphore_mem>>) src(%dma_wait3A_506 : memref<1x128xf32, #tpu.memory_space<hbm>>) dst(%arg7 : memref<1x128xf32, #tpu.memory_space<vmem>>)
      tpu.yield
    }) : () -> ()
    %get3A = arith.constant 0 : i32
    %get3A_5 = arith.index_cast %get3A : i32 to index
    %get3A_6 = arith.constant 0 : index
    %get3A_7 = tpu.vector_load %arg7[%get3A_5, %get3A_6] {strides = array<i32>} : memref<1x128xf32, #tpu.memory_space<vmem>>, vector<1x16xf32>,
    %get3A_8 = vector.shape_cast %get3A_7 : vector<1x16xf32> to vector<16xf32>
    %slice3A = vector.extract_strided_slice %get3A_8 {offsets = [0], sizes = [1], strides = [1]} : vector<16xf32> to vector<1xf32>
    %squeeze3A = vector.extract %slice3A[0] : f32 from vector<1xf32>
    %broadcast_in_dim3A = vector.broadcast %squeeze3A : f32 to vector<16xf32>
    %swap3A = arith.constant 0 : i32
    %swap3A_9 = arith.index_cast %swap3A : i32 to index
    %swap3A_10 = arith.constant 0 : index
    %swap3A_11 = tpu.vector_load %arg8[%swap3A_9, %swap3A_10] {strides = array<i32>} : memref<48x16xf32, #tpu.memory_space<vmem>>, vector<1x16xf32>,
    %swap3A_12 = vector.shape_cast %swap3A_11 : vector<1x16xf32> to vector<16xf32>
    %swap3A_13 = vector.shape_cast %broadcast_in_dim3A : vector<16xf32> to vector<1x16xf32>
    tpu.vector_store %arg8[%swap3A_9, %swap3A_10], %swap3A_13 {strides = array<i32>} : memref<48x16xf32, #tpu.memory_space<vmem>>, vector<1x16xf32>,
    %slice3A_14 = vector.extract_strided_slice %get3A_8 {offsets = [1], sizes = [1], strides = [1]} : vector<16xf32> to vector<1xf32>
    %squeeze3A_15 = vector.extract %slice3A_14[0] : f32 from vector<1xf32>
    %broadcast_in_dim3A_16 = vector.broadcast %squeeze3A_15 : f32 to vector<16xf32>
    %swap3A_17 = arith.constant 1 : i32
    %swap3A_18 = arith.index_cast %swap3A_17 : i32 to index
    %swap3A_19 = arith.constant 0 : index
    %swap3A_20 = tpu.vector_load %arg8[%swap3A_18, %swap3A_19] {strides = array<i32>} : memref<48x16xf32, #tpu.memory_space<vmem>>, vector<1x16xf32>,
    %swap3A_21 = vector.shape_cast %swap3A_20 : vector<1x16xf32> to vector<16xf32>
    %swap3A_22 = vector.shape_cast %broadcast_in_dim3A_16 : vector<16xf32> to vector<1x16xf32>
    tpu.vector_store %arg8[%swap3A_18, %swap3A_19], %swap3A_22 {strides = array<i32>} : memref<48x16xf32, #tpu.memory_space<vmem>>, vector<1x16xf32>,
    %slice3A_23 = vector.extract_strided_slice %get3A_8 {offsets = [2], sizes = [1], strides = [1]} : vector<16xf32> to vector<1xf32>
    %squeeze3A_24 = vector.extract %slice3A_23[0] : f32 from vector<1xf32>
    %broadcast_in_dim3A_25 = vector.broadcast %squeeze3A_24 : f32 to vector<16xf32>
    %swap3A_26 = arith.constant 2 : i32
    %swap3A_27 = arith.index_cast %swap3A_26 : i32 to index
    %swap3A_28 = arith.constant 0 : index
    %swap3A_29 = tpu.vector_load %arg8[%swap3A_27, %swap3A_28] {strides = array<i32>} : memref<48x16xf32, #tpu.memory_space<vmem>>, vector<1x16xf32>,
    %swap3A_30 = vector.shape_cast %swap3A_29 : vector<1x16xf32> to vector<16xf32>
    %swap3A_31 = vector.shape_cast %broadcast_in_dim3A_25 : vector<16xf32> to vector<1x16xf32>
    tpu.vector_store %arg8[%swap3A_27, %swap3A_28], %swap3A_31 {strides = array<i32>} : memref<48x16xf32, #tpu.memory_space<vmem>>, vector<1x16xf32>,
    %slice3A_32 = vector.extract_strided_slice %get3A_8 {offsets = [3], sizes = [1], strides = [1]} : vector<16xf32> to vector<1xf32>
    %squeeze3A_33 = vector.extract %slice3A_32[0] : f32 from vector<1xf32>
    %broadcast_in_dim3A_34 = vector.broadcast %squeeze3A_33 : f32 to vector<16xf32>
    %swap3A_35 = arith.constant 3 : i32
    %swap3A_36 = arith.index_cast %swap3A_35 : i32 to index
    %swap3A_37 = arith.constant 0 : index
    %swap3A_38 = tpu.vector_load %arg8[%swap3A_36, %swap3A_37] {strides = array<i32>} : memref<48x16xf32, #tpu.memory_space<vmem>>, vector<1x16xf32>,
    %swap3A_39 = vector.shape_cast %swap3A_38 : vector<1x16xf32> to vector<16xf32>
    %swap3A_40 = vector.shape_cast %broadcast_in_dim3A_34 : vector<16xf32> to vector<1x16xf32>
    tpu.vector_store %arg8[%swap3A_36, %swap3A_37], %swap3A_40 {strides = array<i32>} : memref<48x16xf32, #tpu.memory_space<vmem>>, vector<1x16xf32>,
    %slice3A_41 = vector.extract_strided_slice %get3A_8 {offsets = [4], sizes = [1], strides = [1]} : vector<16xf32> to vector<1xf32>
    %squeeze3A_42 = vector.extract %slice3A_41[0] : f32 from vector<1xf32>
    %broadcast_in_dim3A_43 = vector.broadcast %squeeze3A_42 : f32 to vector<16xf32>
    %swap3A_44 = arith.constant 4 : i32
    %swap3A_45 = arith.index_cast %swap3A_44 : i32 to index
    %swap3A_46 = arith.constant 0 : index
    %swap3A_47 = tpu.vector_load %arg8[%swap3A_45, %swap3A_46] {strides = array<i32>} : memref<48x16xf32, #tpu.memory_space<vmem>>, vector<1x16xf32>,
    %swap3A_48 = vector.shape_cast %swap3A_47 : vector<1x16xf32> to vector<16xf32>
    %swap3A_49 = vector.shape_cast %broadcast_in_dim3A_43 : vector<16xf32> to vector<1x16xf32>
    tpu.vector_store %arg8[%swap3A_45, %swap3A_46], %swap3A_49 {strides = array<i32>} : memref<48x16xf32, #tpu.memory_space<vmem>>, vector<1x16xf32>,
    %slice3A_50 = vector.extract_strided_slice %get3A_8 {offsets = [5], sizes = [1], strides = [1]} : vector<16xf32> to vector<1xf32>
    %squeeze3A_51 = vector.extract %slice3A_50[0] : f32 from vector<1xf32>
    %broadcast_in_dim3A_52 = vector.broadcast %squeeze3A_51 : f32 to vector<16xf32>
    %swap3A_53 = arith.constant 5 : i32
    %swap3A_54 = arith.index_cast %swap3A_53 : i32 to index
    %swap3A_55 = arith.constant 0 : index
    %swap3A_56 = tpu.vector_load %arg8[%swap3A_54, %swap3A_55] {strides = array<i32>} : memref<48x16xf32, #tpu.memory_space<vmem>>, vector<1x16xf32>,
    %swap3A_57 = vector.shape_cast %swap3A_56 : vector<1x16xf32> to vector<16xf32>
    %swap3A_58 = vector.shape_cast %broadcast_in_dim3A_52 : vector<16xf32> to vector<1x16xf32>
    tpu.vector_store %arg8[%swap3A_54, %swap3A_55], %swap3A_58 {strides = array<i32>} : memref<48x16xf32, #tpu.memory_space<vmem>>, vector<1x16xf32>,
    %slice3A_59 = vector.extract_strided_slice %get3A_8 {offsets = [6], sizes = [1], strides = [1]} : vector<16xf32> to vector<1xf32>
    %squeeze3A_60 = vector.extract %slice3A_59[0] : f32 from vector<1xf32>
    %broadcast_in_dim3A_61 = vector.broadcast %squeeze3A_60 : f32 to vector<16xf32>
    %swap3A_62 = arith.constant 6 : i32
    %swap3A_63 = arith.index_cast %swap3A_62 : i32 to index
    %swap3A_64 = arith.constant 0 : index
    %swap3A_65 = tpu.vector_load %arg8[%swap3A_63, %swap3A_64] {strides = array<i32>} : memref<48x16xf32, #tpu.memory_space<vmem>>, vector<1x16xf32>,
    %swap3A_66 = vector.shape_cast %swap3A_65 : vector<1x16xf32> to vector<16xf32>
    %swap3A_67 = vector.shape_cast %broadcast_in_dim3A_61 : vector<16xf32> to vector<1x16xf32>
    tpu.vector_store %arg8[%swap3A_63, %swap3A_64], %swap3A_67 {strides = array<i32>} : memref<48x16xf32, #tpu.memory_space<vmem>>, vector<1x16xf32>,
    %slice3A_68 = vector.extract_strided_slice %get3A_8 {offsets = [7], sizes = [1], strides = [1]} : vector<16xf32> to vector<1xf32>
    %squeeze3A_69 = vector.extract %slice3A_68[0] : f32 from vector<1xf32>
    %broadcast_in_dim3A_70 = vector.broadcast %squeeze3A_69 : f32 to vector<16xf32>
    %swap3A_71 = arith.constant 7 : i32
    %swap3A_72 = arith.index_cast %swap3A_71 : i32 to index
    %swap3A_73 = arith.constant 0 : index
    %swap3A_74 = tpu.vector_load %arg8[%swap3A_72, %swap3A_73] {strides = array<i32>} : memref<48x16xf32, #tpu.memory_space<vmem>>, vector<1x16xf32>,
    %swap3A_75 = vector.shape_cast %swap3A_74 : vector<1x16xf32> to vector<16xf32>
    %swap3A_76 = vector.shape_cast %broadcast_in_dim3A_70 : vector<16xf32> to vector<1x16xf32>
    tpu.vector_store %arg8[%swap3A_72, %swap3A_73], %swap3A_76 {strides = array<i32>} : memref<48x16xf32, #tpu.memory_space<vmem>>, vector<1x16xf32>,
    %slice3A_77 = vector.extract_strided_slice %get3A_8 {offsets = [8], sizes = [1], strides = [1]} : vector<16xf32> to vector<1xf32>
    %squeeze3A_78 = vector.extract %slice3A_77[0] : f32 from vector<1xf32>
    %broadcast_in_dim3A_79 = vector.broadcast %squeeze3A_78 : f32 to vector<16xf32>
    %swap3A_80 = arith.constant 8 : i32
    %swap3A_81 = arith.index_cast %swap3A_80 : i32 to index
    %swap3A_82 = arith.constant 0 : index
    %swap3A_83 = tpu.vector_load %arg8[%swap3A_81, %swap3A_82] {strides = array<i32>} : memref<48x16xf32, #tpu.memory_space<vmem>>, vector<1x16xf32>,
    %swap3A_84 = vector.shape_cast %swap3A_83 : vector<1x16xf32> to vector<16xf32>
    %swap3A_85 = vector.shape_cast %broadcast_in_dim3A_79 : vector<16xf32> to vector<1x16xf32>
    tpu.vector_store %arg8[%swap3A_81, %swap3A_82], %swap3A_85 {strides = array<i32>} : memref<48x16xf32, #tpu.memory_space<vmem>>, vector<1x16xf32>,
    %slice3A_86 = vector.extract_strided_slice %get3A_8 {offsets = [9], sizes = [1], strides = [1]} : vector<16xf32> to vector<1xf32>
    %squeeze3A_87 = vector.extract %slice3A_86[0] : f32 from vector<1xf32>
    %broadcast_in_dim3A_88 = vector.broadcast %squeeze3A_87 : f32 to vector<16xf32>
    %swap3A_89 = arith.constant 9 : i32
    %swap3A_90 = arith.index_cast %swap3A_89 : i32 to index
    %swap3A_91 = arith.constant 0 : index
    %swap3A_92 = tpu.vector_load %arg8[%swap3A_90, %swap3A_91] {strides = array<i32>} : memref<48x16xf32, #tpu.memory_space<vmem>>, vector<1x16xf32>,
    %swap3A_93 = vector.shape_cast %swap3A_92 : vector<1x16xf32> to vector<16xf32>
    %swap3A_94 = vector.shape_cast %broadcast_in_dim3A_88 : vector<16xf32> to vector<1x16xf32>
    tpu.vector_store %arg8[%swap3A_90, %swap3A_91], %swap3A_94 {strides = array<i32>} : memref<48x16xf32, #tpu.memory_space<vmem>>, vector<1x16xf32>,
    %slice3A_95 = vector.extract_strided_slice %get3A_8 {offsets = [10], sizes = [1], strides = [1]} : vector<16xf32> to vector<1xf32>
    %squeeze3A_96 = vector.extract %slice3A_95[0] : f32 from vector<1xf32>
    %broadcast_in_dim3A_97 = vector.broadcast %squeeze3A_96 : f32 to vector<16xf32>
    %swap3A_98 = arith.constant 10 : i32
    %swap3A_99 = arith.index_cast %swap3A_98 : i32 to index
    %swap3A_100 = arith.constant 0 : index
    %swap3A_101 = tpu.vector_load %arg8[%swap3A_99, %swap3A_100] {strides = array<i32>} : memref<48x16xf32, #tpu.memory_space<vmem>>, vector<1x16xf32>,
    %swap3A_102 = vector.shape_cast %swap3A_101 : vector<1x16xf32> to vector<16xf32>
    %swap3A_103 = vector.shape_cast %broadcast_in_dim3A_97 : vector<16xf32> to vector<1x16xf32>
    tpu.vector_store %arg8[%swap3A_99, %swap3A_100], %swap3A_103 {strides = array<i32>} : memref<48x16xf32, #tpu.memory_space<vmem>>, vector<1x16xf32>,
    %slice3A_104 = vector.extract_strided_slice %get3A_8 {offsets = [11], sizes = [1], strides = [1]} : vector<16xf32> to vector<1xf32>
    %squeeze3A_105 = vector.extract %slice3A_104[0] : f32 from vector<1xf32>
    %broadcast_in_dim3A_106 = vector.broadcast %squeeze3A_105 : f32 to vector<16xf32>
    %swap3A_107 = arith.constant 11 : i32
    %swap3A_108 = arith.index_cast %swap3A_107 : i32 to index
    %swap3A_109 = arith.constant 0 : index
    %swap3A_110 = tpu.vector_load %arg8[%swap3A_108, %swap3A_109] {strides = array<i32>} : memref<48x16xf32, #tpu.memory_space<vmem>>, vector<1x16xf32>,
    %swap3A_111 = vector.shape_cast %swap3A_110 : vector<1x16xf32> to vector<16xf32>
    %swap3A_112 = vector.shape_cast %broadcast_in_dim3A_106 : vector<16xf32> to vector<1x16xf32>
    tpu.vector_store %arg8[%swap3A_108, %swap3A_109], %swap3A_112 {strides = array<i32>} : memref<48x16xf32, #tpu.memory_space<vmem>>, vector<1x16xf32>,
    %slice3A_113 = vector.extract_strided_slice %get3A_8 {offsets = [12], sizes = [1], strides = [1]} : vector<16xf32> to vector<1xf32>
    %squeeze3A_114 = vector.extract %slice3A_113[0] : f32 from vector<1xf32>
    %broadcast_in_dim3A_115 = vector.broadcast %squeeze3A_114 : f32 to vector<16xf32>
    %swap3A_116 = arith.constant 12 : i32
    %swap3A_117 = arith.index_cast %swap3A_116 : i32 to index
    %swap3A_118 = arith.constant 0 : index
    %swap3A_119 = tpu.vector_load %arg8[%swap3A_117, %swap3A_118] {strides = array<i32>} : memref<48x16xf32, #tpu.memory_space<vmem>>, vector<1x16xf32>,
    %swap3A_120 = vector.shape_cast %swap3A_119 : vector<1x16xf32> to vector<16xf32>
    %swap3A_121 = vector.shape_cast %broadcast_in_dim3A_115 : vector<16xf32> to vector<1x16xf32>
    tpu.vector_store %arg8[%swap3A_117, %swap3A_118], %swap3A_121 {strides = array<i32>} : memref<48x16xf32, #tpu.memory_space<vmem>>, vector<1x16xf32>,
    %slice3A_122 = vector.extract_strided_slice %get3A_8 {offsets = [13], sizes = [1], strides = [1]} : vector<16xf32> to vector<1xf32>
    %squeeze3A_123 = vector.extract %slice3A_122[0] : f32 from vector<1xf32>
    %broadcast_in_dim3A_124 = vector.broadcast %squeeze3A_123 : f32 to vector<16xf32>
    %swap3A_125 = arith.constant 13 : i32
    %swap3A_126 = arith.index_cast %swap3A_125 : i32 to index
    %swap3A_127 = arith.constant 0 : index
    %swap3A_128 = tpu.vector_load %arg8[%swap3A_126, %swap3A_127] {strides = array<i32>} : memref<48x16xf32, #tpu.memory_space<vmem>>, vector<1x16xf32>,
    %swap3A_129 = vector.shape_cast %swap3A_128 : vector<1x16xf32> to vector<16xf32>
    %swap3A_130 = vector.shape_cast %broadcast_in_dim3A_124 : vector<16xf32> to vector<1x16xf32>
    tpu.vector_store %arg8[%swap3A_126, %swap3A_127], %swap3A_130 {strides = array<i32>} : memref<48x16xf32, #tpu.memory_space<vmem>>, vector<1x16xf32>,
    %slice3A_131 = vector.extract_strided_slice %get3A_8 {offsets = [14], sizes = [1], strides = [1]} : vector<16xf32> to vector<1xf32>
    %squeeze3A_132 = vector.extract %slice3A_131[0] : f32 from vector<1xf32>
    %broadcast_in_dim3A_133 = vector.broadcast %squeeze3A_132 : f32 to vector<16xf32>
    %swap3A_134 = arith.constant 14 : i32
    %swap3A_135 = arith.index_cast %swap3A_134 : i32 to index
    %swap3A_136 = arith.constant 0 : index
    %swap3A_137 = tpu.vector_load %arg8[%swap3A_135, %swap3A_136] {strides = array<i32>} : memref<48x16xf32, #tpu.memory_space<vmem>>, vector<1x16xf32>,
    %swap3A_138 = vector.shape_cast %swap3A_137 : vector<1x16xf32> to vector<16xf32>
    %swap3A_139 = vector.shape_cast %broadcast_in_dim3A_133 : vector<16xf32> to vector<1x16xf32>
    tpu.vector_store %arg8[%swap3A_135, %swap3A_136], %swap3A_139 {strides = array<i32>} : memref<48x16xf32, #tpu.memory_space<vmem>>, vector<1x16xf32>,
    %slice3A_140 = vector.extract_strided_slice %get3A_8 {offsets = [15], sizes = [1], strides = [1]} : vector<16xf32> to vector<1xf32>
    %squeeze3A_141 = vector.extract %slice3A_140[0] : f32 from vector<1xf32>
    %broadcast_in_dim3A_142 = vector.broadcast %squeeze3A_141 : f32 to vector<16xf32>
    %swap3A_143 = arith.constant 15 : i32
    %swap3A_144 = arith.index_cast %swap3A_143 : i32 to index
    %swap3A_145 = arith.constant 0 : index
    %swap3A_146 = tpu.vector_load %arg8[%swap3A_144, %swap3A_145] {strides = array<i32>} : memref<48x16xf32, #tpu.memory_space<vmem>>, vector<1x16xf32>,
    %swap3A_147 = vector.shape_cast %swap3A_146 : vector<1x16xf32> to vector<16xf32>
    %swap3A_148 = vector.shape_cast %broadcast_in_dim3A_142 : vector<16xf32> to vector<1x16xf32>
    tpu.vector_store %arg8[%swap3A_144, %swap3A_145], %swap3A_148 {strides = array<i32>} : memref<48x16xf32, #tpu.memory_space<vmem>>, vector<1x16xf32>,
    %get3A_149 = arith.constant 0 : i32
    %get3A_150 = arith.index_cast %get3A_149 : i32 to index
    %get3A_151 = arith.constant 16 : index
    %get3A_152 = tpu.vector_load %arg7[%get3A_150, %get3A_151] {strides = array<i32>} : memref<1x128xf32, #tpu.memory_space<vmem>>, vector<1x16xf32>,
    %get3A_153 = vector.shape_cast %get3A_152 : vector<1x16xf32> to vector<16xf32>
    %slice3A_154 = vector.extract_strided_slice %get3A_153 {offsets = [0], sizes = [1], strides = [1]} : vector<16xf32> to vector<1xf32>
    %squeeze3A_155 = vector.extract %slice3A_154[0] : f32 from vector<1xf32>
    %broadcast_in_dim3A_156 = vector.broadcast %squeeze3A_155 : f32 to vector<16xf32>
    %swap3A_157 = arith.constant 16 : i32
    %swap3A_158 = arith.index_cast %swap3A_157 : i32 to index
    %swap3A_159 = arith.constant 0 : index
    %swap3A_160 = tpu.vector_load %arg8[%swap3A_158, %swap3A_159] {strides = array<i32>} : memref<48x16xf32, #tpu.memory_space<vmem>>, vector<1x16xf32>,
    %swap3A_161 = vector.shape_cast %swap3A_160 : vector<1x16xf32> to vector<16xf32>
    %swap3A_162 = vector.shape_cast %broadcast_in_dim3A_156 : vector<16xf32> to vector<1x16xf32>
    tpu.vector_store %arg8[%swap3A_158, %swap3A_159], %swap3A_162 {strides = array<i32>} : memref<48x16xf32, #tpu.memory_space<vmem>>, vector<1x16xf32>,
    %slice3A_163 = vector.extract_strided_slice %get3A_153 {offsets = [1], sizes = [1], strides = [1]} : vector<16xf32> to vector<1xf32>
    %squeeze3A_164 = vector.extract %slice3A_163[0] : f32 from vector<1xf32>
    %broadcast_in_dim3A_165 = vector.broadcast %squeeze3A_164 : f32 to vector<16xf32>
    %swap3A_166 = arith.constant 17 : i32
    %swap3A_167 = arith.index_cast %swap3A_166 : i32 to index
    %swap3A_168 = arith.constant 0 : index
    %swap3A_169 = tpu.vector_load %arg8[%swap3A_167, %swap3A_168] {strides = array<i32>} : memref<48x16xf32, #tpu.memory_space<vmem>>, vector<1x16xf32>,
    %swap3A_170 = vector.shape_cast %swap3A_169 : vector<1x16xf32> to vector<16xf32>
    %swap3A_171 = vector.shape_cast %broadcast_in_dim3A_165 : vector<16xf32> to vector<1x16xf32>
    tpu.vector_store %arg8[%swap3A_167, %swap3A_168], %swap3A_171 {strides = array<i32>} : memref<48x16xf32, #tpu.memory_space<vmem>>, vector<1x16xf32>,
    %slice3A_172 = vector.extract_strided_slice %get3A_153 {offsets = [2], sizes = [1], strides = [1]} : vector<16xf32> to vector<1xf32>
    %squeeze3A_173 = vector.extract %slice3A_172[0] : f32 from vector<1xf32>
    %broadcast_in_dim3A_174 = vector.broadcast %squeeze3A_173 : f32 to vector<16xf32>
    %swap3A_175 = arith.constant 18 : i32
    %swap3A_176 = arith.index_cast %swap3A_175 : i32 to index
    %swap3A_177 = arith.constant 0 : index
    %swap3A_178 = tpu.vector_load %arg8[%swap3A_176, %swap3A_177] {strides = array<i32>} : memref<48x16xf32, #tpu.memory_space<vmem>>, vector<1x16xf32>,
    %swap3A_179 = vector.shape_cast %swap3A_178 : vector<1x16xf32> to vector<16xf32>
    %swap3A_180 = vector.shape_cast %broadcast_in_dim3A_174 : vector<16xf32> to vector<1x16xf32>
    tpu.vector_store %arg8[%swap3A_176, %swap3A_177], %swap3A_180 {strides = array<i32>} : memref<48x16xf32, #tpu.memory_space<vmem>>, vector<1x16xf32>,
    %slice3A_181 = vector.extract_strided_slice %get3A_153 {offsets = [3], sizes = [1], strides = [1]} : vector<16xf32> to vector<1xf32>
    %squeeze3A_182 = vector.extract %slice3A_181[0] : f32 from vector<1xf32>
    %broadcast_in_dim3A_183 = vector.broadcast %squeeze3A_182 : f32 to vector<16xf32>
    %swap3A_184 = arith.constant 19 : i32
    %swap3A_185 = arith.index_cast %swap3A_184 : i32 to index
    %swap3A_186 = arith.constant 0 : index
    %swap3A_187 = tpu.vector_load %arg8[%swap3A_185, %swap3A_186] {strides = array<i32>} : memref<48x16xf32, #tpu.memory_space<vmem>>, vector<1x16xf32>,
    %swap3A_188 = vector.shape_cast %swap3A_187 : vector<1x16xf32> to vector<16xf32>
    %swap3A_189 = vector.shape_cast %broadcast_in_dim3A_183 : vector<16xf32> to vector<1x16xf32>
    tpu.vector_store %arg8[%swap3A_185, %swap3A_186], %swap3A_189 {strides = array<i32>} : memref<48x16xf32, #tpu.memory_space<vmem>>, vector<1x16xf32>,
    %slice3A_190 = vector.extract_strided_slice %get3A_153 {offsets = [4], sizes = [1], strides = [1]} : vector<16xf32> to vector<1xf32>
    %squeeze3A_191 = vector.extract %slice3A_190[0] : f32 from vector<1xf32>
    %broadcast_in_dim3A_192 = vector.broadcast %squeeze3A_191 : f32 to vector<16xf32>
    %swap3A_193 = arith.constant 20 : i32
    %swap3A_194 = arith.index_cast %swap3A_193 : i32 to index
    %swap3A_195 = arith.constant 0 : index
    %swap3A_196 = tpu.vector_load %arg8[%swap3A_194, %swap3A_195] {strides = array<i32>} : memref<48x16xf32, #tpu.memory_space<vmem>>, vector<1x16xf32>,
    %swap3A_197 = vector.shape_cast %swap3A_196 : vector<1x16xf32> to vector<16xf32>
    %swap3A_198 = vector.shape_cast %broadcast_in_dim3A_192 : vector<16xf32> to vector<1x16xf32>
    tpu.vector_store %arg8[%swap3A_194, %swap3A_195], %swap3A_198 {strides = array<i32>} : memref<48x16xf32, #tpu.memory_space<vmem>>, vector<1x16xf32>,
    %slice3A_199 = vector.extract_strided_slice %get3A_153 {offsets = [5], sizes = [1], strides = [1]} : vector<16xf32> to vector<1xf32>
    %squeeze3A_200 = vector.extract %slice3A_199[0] : f32 from vector<1xf32>
    %broadcast_in_dim3A_201 = vector.broadcast %squeeze3A_200 : f32 to vector<16xf32>
    %swap3A_202 = arith.constant 21 : i32
    %swap3A_203 = arith.index_cast %swap3A_202 : i32 to index
    %swap3A_204 = arith.constant 0 : index
    %swap3A_205 = tpu.vector_load %arg8[%swap3A_203, %swap3A_204] {strides = array<i32>} : memref<48x16xf32, #tpu.memory_space<vmem>>, vector<1x16xf32>,
    %swap3A_206 = vector.shape_cast %swap3A_205 : vector<1x16xf32> to vector<16xf32>
    %swap3A_207 = vector.shape_cast %broadcast_in_dim3A_201 : vector<16xf32> to vector<1x16xf32>
    tpu.vector_store %arg8[%swap3A_203, %swap3A_204], %swap3A_207 {strides = array<i32>} : memref<48x16xf32, #tpu.memory_space<vmem>>, vector<1x16xf32>,
    %slice3A_208 = vector.extract_strided_slice %get3A_153 {offsets = [6], sizes = [1], strides = [1]} : vector<16xf32> to vector<1xf32>
    %squeeze3A_209 = vector.extract %slice3A_208[0] : f32 from vector<1xf32>
    %broadcast_in_dim3A_210 = vector.broadcast %squeeze3A_209 : f32 to vector<16xf32>
    %swap3A_211 = arith.constant 22 : i32
    %swap3A_212 = arith.index_cast %swap3A_211 : i32 to index
    %swap3A_213 = arith.constant 0 : index
    %swap3A_214 = tpu.vector_load %arg8[%swap3A_212, %swap3A_213] {strides = array<i32>} : memref<48x16xf32, #tpu.memory_space<vmem>>, vector<1x16xf32>,
    %swap3A_215 = vector.shape_cast %swap3A_214 : vector<1x16xf32> to vector<16xf32>
    %swap3A_216 = vector.shape_cast %broadcast_in_dim3A_210 : vector<16xf32> to vector<1x16xf32>
    tpu.vector_store %arg8[%swap3A_212, %swap3A_213], %swap3A_216 {strides = array<i32>} : memref<48x16xf32, #tpu.memory_space<vmem>>, vector<1x16xf32>,
    %slice3A_217 = vector.extract_strided_slice %get3A_153 {offsets = [7], sizes = [1], strides = [1]} : vector<16xf32> to vector<1xf32>
    %squeeze3A_218 = vector.extract %slice3A_217[0] : f32 from vector<1xf32>
    %broadcast_in_dim3A_219 = vector.broadcast %squeeze3A_218 : f32 to vector<16xf32>
    %swap3A_220 = arith.constant 23 : i32
    %swap3A_221 = arith.index_cast %swap3A_220 : i32 to index
    %swap3A_222 = arith.constant 0 : index
    %swap3A_223 = tpu.vector_load %arg8[%swap3A_221, %swap3A_222] {strides = array<i32>} : memref<48x16xf32, #tpu.memory_space<vmem>>, vector<1x16xf32>,
    %swap3A_224 = vector.shape_cast %swap3A_223 : vector<1x16xf32> to vector<16xf32>
    %swap3A_225 = vector.shape_cast %broadcast_in_dim3A_219 : vector<16xf32> to vector<1x16xf32>
    tpu.vector_store %arg8[%swap3A_221, %swap3A_222], %swap3A_225 {strides = array<i32>} : memref<48x16xf32, #tpu.memory_space<vmem>>, vector<1x16xf32>,
    %slice3A_226 = vector.extract_strided_slice %get3A_153 {offsets = [8], sizes = [1], strides = [1]} : vector<16xf32> to vector<1xf32>
    %squeeze3A_227 = vector.extract %slice3A_226[0] : f32 from vector<1xf32>
    %broadcast_in_dim3A_228 = vector.broadcast %squeeze3A_227 : f32 to vector<16xf32>
    %swap3A_229 = arith.constant 24 : i32
    %swap3A_230 = arith.index_cast %swap3A_229 : i32 to index
    %swap3A_231 = arith.constant 0 : index
    %swap3A_232 = tpu.vector_load %arg8[%swap3A_230, %swap3A_231] {strides = array<i32>} : memref<48x16xf32, #tpu.memory_space<vmem>>, vector<1x16xf32>,
    %swap3A_233 = vector.shape_cast %swap3A_232 : vector<1x16xf32> to vector<16xf32>
    %swap3A_234 = vector.shape_cast %broadcast_in_dim3A_228 : vector<16xf32> to vector<1x16xf32>
    tpu.vector_store %arg8[%swap3A_230, %swap3A_231], %swap3A_234 {strides = array<i32>} : memref<48x16xf32, #tpu.memory_space<vmem>>, vector<1x16xf32>,
    %slice3A_235 = vector.extract_strided_slice %get3A_153 {offsets = [9], sizes = [1], strides = [1]} : vector<16xf32> to vector<1xf32>
    %squeeze3A_236 = vector.extract %slice3A_235[0] : f32 from vector<1xf32>
    %broadcast_in_dim3A_237 = vector.broadcast %squeeze3A_236 : f32 to vector<16xf32>
    %swap3A_238 = arith.constant 25 : i32
    %swap3A_239 = arith.index_cast %swap3A_238 : i32 to index
    %swap3A_240 = arith.constant 0 : index
    %swap3A_241 = tpu.vector_load %arg8[%swap3A_239, %swap3A_240] {strides = array<i32>} : memref<48x16xf32, #tpu.memory_space<vmem>>, vector<1x16xf32>,
    %swap3A_242 = vector.shape_cast %swap3A_241 : vector<1x16xf32> to vector<16xf32>
    %swap3A_243 = vector.shape_cast %broadcast_in_dim3A_237 : vector<16xf32> to vector<1x16xf32>
    tpu.vector_store %arg8[%swap3A_239, %swap3A_240], %swap3A_243 {strides = array<i32>} : memref<48x16xf32, #tpu.memory_space<vmem>>, vector<1x16xf32>,
    %slice3A_244 = vector.extract_strided_slice %get3A_153 {offsets = [10], sizes = [1], strides = [1]} : vector<16xf32> to vector<1xf32>
    %squeeze3A_245 = vector.extract %slice3A_244[0] : f32 from vector<1xf32>
    %broadcast_in_dim3A_246 = vector.broadcast %squeeze3A_245 : f32 to vector<16xf32>
    %swap3A_247 = arith.constant 26 : i32
    %swap3A_248 = arith.index_cast %swap3A_247 : i32 to index
    %swap3A_249 = arith.constant 0 : index
    %swap3A_250 = tpu.vector_load %arg8[%swap3A_248, %swap3A_249] {strides = array<i32>} : memref<48x16xf32, #tpu.memory_space<vmem>>, vector<1x16xf32>,
    %swap3A_251 = vector.shape_cast %swap3A_250 : vector<1x16xf32> to vector<16xf32>
    %swap3A_252 = vector.shape_cast %broadcast_in_dim3A_246 : vector<16xf32> to vector<1x16xf32>
    tpu.vector_store %arg8[%swap3A_248, %swap3A_249], %swap3A_252 {strides = array<i32>} : memref<48x16xf32, #tpu.memory_space<vmem>>, vector<1x16xf32>,
    %slice3A_253 = vector.extract_strided_slice %get3A_153 {offsets = [11], sizes = [1], strides = [1]} : vector<16xf32> to vector<1xf32>
    %squeeze3A_254 = vector.extract %slice3A_253[0] : f32 from vector<1xf32>
    %broadcast_in_dim3A_255 = vector.broadcast %squeeze3A_254 : f32 to vector<16xf32>
    %swap3A_256 = arith.constant 27 : i32
    %swap3A_257 = arith.index_cast %swap3A_256 : i32 to index
    %swap3A_258 = arith.constant 0 : index
    %swap3A_259 = tpu.vector_load %arg8[%swap3A_257, %swap3A_258] {strides = array<i32>} : memref<48x16xf32, #tpu.memory_space<vmem>>, vector<1x16xf32>,
    %swap3A_260 = vector.shape_cast %swap3A_259 : vector<1x16xf32> to vector<16xf32>
    %swap3A_261 = vector.shape_cast %broadcast_in_dim3A_255 : vector<16xf32> to vector<1x16xf32>
    tpu.vector_store %arg8[%swap3A_257, %swap3A_258], %swap3A_261 {strides = array<i32>} : memref<48x16xf32, #tpu.memory_space<vmem>>, vector<1x16xf32>,
    %slice3A_262 = vector.extract_strided_slice %get3A_153 {offsets = [12], sizes = [1], strides = [1]} : vector<16xf32> to vector<1xf32>
    %squeeze3A_263 = vector.extract %slice3A_262[0] : f32 from vector<1xf32>
    %broadcast_in_dim3A_264 = vector.broadcast %squeeze3A_263 : f32 to vector<16xf32>
    %swap3A_265 = arith.constant 28 : i32
    %swap3A_266 = arith.index_cast %swap3A_265 : i32 to index
    %swap3A_267 = arith.constant 0 : index
    %swap3A_268 = tpu.vector_load %arg8[%swap3A_266, %swap3A_267] {strides = array<i32>} : memref<48x16xf32, #tpu.memory_space<vmem>>, vector<1x16xf32>,
    %swap3A_269 = vector.shape_cast %swap3A_268 : vector<1x16xf32> to vector<16xf32>
    %swap3A_270 = vector.shape_cast %broadcast_in_dim3A_264 : vector<16xf32> to vector<1x16xf32>
    tpu.vector_store %arg8[%swap3A_266, %swap3A_267], %swap3A_270 {strides = array<i32>} : memref<48x16xf32, #tpu.memory_space<vmem>>, vector<1x16xf32>,
    %slice3A_271 = vector.extract_strided_slice %get3A_153 {offsets = [13], sizes = [1], strides = [1]} : vector<16xf32> to vector<1xf32>
    %squeeze3A_272 = vector.extract %slice3A_271[0] : f32 from vector<1xf32>
    %broadcast_in_dim3A_273 = vector.broadcast %squeeze3A_272 : f32 to vector<16xf32>
    %swap3A_274 = arith.constant 29 : i32
    %swap3A_275 = arith.index_cast %swap3A_274 : i32 to index
    %swap3A_276 = arith.constant 0 : index
    %swap3A_277 = tpu.vector_load %arg8[%swap3A_275, %swap3A_276] {strides = array<i32>} : memref<48x16xf32, #tpu.memory_space<vmem>>, vector<1x16xf32>,
    %swap3A_278 = vector.shape_cast %swap3A_277 : vector<1x16xf32> to vector<16xf32>
    %swap3A_279 = vector.shape_cast %broadcast_in_dim3A_273 : vector<16xf32> to vector<1x16xf32>
    tpu.vector_store %arg8[%swap3A_275, %swap3A_276], %swap3A_279 {strides = array<i32>} : memref<48x16xf32, #tpu.memory_space<vmem>>, vector<1x16xf32>,
    %slice3A_280 = vector.extract_strided_slice %get3A_153 {offsets = [14], sizes = [1], strides = [1]} : vector<16xf32> to vector<1xf32>
    %squeeze3A_281 = vector.extract %slice3A_280[0] : f32 from vector<1xf32>
    %broadcast_in_dim3A_282 = vector.broadcast %squeeze3A_281 : f32 to vector<16xf32>
    %swap3A_283 = arith.constant 30 : i32
    %swap3A_284 = arith.index_cast %swap3A_283 : i32 to index
    %swap3A_285 = arith.constant 0 : index
    %swap3A_286 = tpu.vector_load %arg8[%swap3A_284, %swap3A_285] {strides = array<i32>} : memref<48x16xf32, #tpu.memory_space<vmem>>, vector<1x16xf32>,
    %swap3A_287 = vector.shape_cast %swap3A_286 : vector<1x16xf32> to vector<16xf32>
    %swap3A_288 = vector.shape_cast %broadcast_in_dim3A_282 : vector<16xf32> to vector<1x16xf32>
    tpu.vector_store %arg8[%swap3A_284, %swap3A_285], %swap3A_288 {strides = array<i32>} : memref<48x16xf32, #tpu.memory_space<vmem>>, vector<1x16xf32>,
    %slice3A_289 = vector.extract_strided_slice %get3A_153 {offsets = [15], sizes = [1], strides = [1]} : vector<16xf32> to vector<1xf32>
    %squeeze3A_290 = vector.extract %slice3A_289[0] : f32 from vector<1xf32>
    %broadcast_in_dim3A_291 = vector.broadcast %squeeze3A_290 : f32 to vector<16xf32>
    %swap3A_292 = arith.constant 31 : i32
    %swap3A_293 = arith.index_cast %swap3A_292 : i32 to index
    %swap3A_294 = arith.constant 0 : index
    %swap3A_295 = tpu.vector_load %arg8[%swap3A_293, %swap3A_294] {strides = array<i32>} : memref<48x16xf32, #tpu.memory_space<vmem>>, vector<1x16xf32>,
    %swap3A_296 = vector.shape_cast %swap3A_295 : vector<1x16xf32> to vector<16xf32>
    %swap3A_297 = vector.shape_cast %broadcast_in_dim3A_291 : vector<16xf32> to vector<1x16xf32>
    tpu.vector_store %arg8[%swap3A_293, %swap3A_294], %swap3A_297 {strides = array<i32>} : memref<48x16xf32, #tpu.memory_space<vmem>>, vector<1x16xf32>,
    %get3A_298 = arith.constant 0 : i32
    %get3A_299 = arith.index_cast %get3A_298 : i32 to index
    %get3A_300 = arith.constant 32 : index
    %get3A_301 = tpu.vector_load %arg7[%get3A_299, %get3A_300] {strides = array<i32>} : memref<1x128xf32, #tpu.memory_space<vmem>>, vector<1x16xf32>,
    %get3A_302 = vector.shape_cast %get3A_301 : vector<1x16xf32> to vector<16xf32>
    %slice3A_303 = vector.extract_strided_slice %get3A_302 {offsets = [0], sizes = [1], strides = [1]} : vector<16xf32> to vector<1xf32>
    %squeeze3A_304 = vector.extract %slice3A_303[0] : f32 from vector<1xf32>
    %broadcast_in_dim3A_305 = vector.broadcast %squeeze3A_304 : f32 to vector<16xf32>
    %swap3A_306 = arith.constant 32 : i32
    %swap3A_307 = arith.index_cast %swap3A_306 : i32 to index
    %swap3A_308 = arith.constant 0 : index
    %swap3A_309 = tpu.vector_load %arg8[%swap3A_307, %swap3A_308] {strides = array<i32>} : memref<48x16xf32, #tpu.memory_space<vmem>>, vector<1x16xf32>,
    %swap3A_310 = vector.shape_cast %swap3A_309 : vector<1x16xf32> to vector<16xf32>
    %swap3A_311 = vector.shape_cast %broadcast_in_dim3A_305 : vector<16xf32> to vector<1x16xf32>
    tpu.vector_store %arg8[%swap3A_307, %swap3A_308], %swap3A_311 {strides = array<i32>} : memref<48x16xf32, #tpu.memory_space<vmem>>, vector<1x16xf32>,
    %slice3A_312 = vector.extract_strided_slice %get3A_302 {offsets = [1], sizes = [1], strides = [1]} : vector<16xf32> to vector<1xf32>
    %squeeze3A_313 = vector.extract %slice3A_312[0] : f32 from vector<1xf32>
    %broadcast_in_dim3A_314 = vector.broadcast %squeeze3A_313 : f32 to vector<16xf32>
    %swap3A_315 = arith.constant 33 : i32
    %swap3A_316 = arith.index_cast %swap3A_315 : i32 to index
    %swap3A_317 = arith.constant 0 : index
    %swap3A_318 = tpu.vector_load %arg8[%swap3A_316, %swap3A_317] {strides = array<i32>} : memref<48x16xf32, #tpu.memory_space<vmem>>, vector<1x16xf32>,
    %swap3A_319 = vector.shape_cast %swap3A_318 : vector<1x16xf32> to vector<16xf32>
    %swap3A_320 = vector.shape_cast %broadcast_in_dim3A_314 : vector<16xf32> to vector<1x16xf32>
    tpu.vector_store %arg8[%swap3A_316, %swap3A_317], %swap3A_320 {strides = array<i32>} : memref<48x16xf32, #tpu.memory_space<vmem>>, vector<1x16xf32>,
    %slice3A_321 = vector.extract_strided_slice %get3A_302 {offsets = [2], sizes = [1], strides = [1]} : vector<16xf32> to vector<1xf32>
    %squeeze3A_322 = vector.extract %slice3A_321[0] : f32 from vector<1xf32>
    %broadcast_in_dim3A_323 = vector.broadcast %squeeze3A_322 : f32 to vector<16xf32>
    %swap3A_324 = arith.constant 34 : i32
    %swap3A_325 = arith.index_cast %swap3A_324 : i32 to index
    %swap3A_326 = arith.constant 0 : index
    %swap3A_327 = tpu.vector_load %arg8[%swap3A_325, %swap3A_326] {strides = array<i32>} : memref<48x16xf32, #tpu.memory_space<vmem>>, vector<1x16xf32>,
    %swap3A_328 = vector.shape_cast %swap3A_327 : vector<1x16xf32> to vector<16xf32>
    %swap3A_329 = vector.shape_cast %broadcast_in_dim3A_323 : vector<16xf32> to vector<1x16xf32>
    tpu.vector_store %arg8[%swap3A_325, %swap3A_326], %swap3A_329 {strides = array<i32>} : memref<48x16xf32, #tpu.memory_space<vmem>>, vector<1x16xf32>,
    %slice3A_330 = vector.extract_strided_slice %get3A_302 {offsets = [3], sizes = [1], strides = [1]} : vector<16xf32> to vector<1xf32>
    %squeeze3A_331 = vector.extract %slice3A_330[0] : f32 from vector<1xf32>
    %broadcast_in_dim3A_332 = vector.broadcast %squeeze3A_331 : f32 to vector<16xf32>
    %swap3A_333 = arith.constant 35 : i32
    %swap3A_334 = arith.index_cast %swap3A_333 : i32 to index
    %swap3A_335 = arith.constant 0 : index
    %swap3A_336 = tpu.vector_load %arg8[%swap3A_334, %swap3A_335] {strides = array<i32>} : memref<48x16xf32, #tpu.memory_space<vmem>>, vector<1x16xf32>,
    %swap3A_337 = vector.shape_cast %swap3A_336 : vector<1x16xf32> to vector<16xf32>
    %swap3A_338 = vector.shape_cast %broadcast_in_dim3A_332 : vector<16xf32> to vector<1x16xf32>
    tpu.vector_store %arg8[%swap3A_334, %swap3A_335], %swap3A_338 {strides = array<i32>} : memref<48x16xf32, #tpu.memory_space<vmem>>, vector<1x16xf32>,
    %slice3A_339 = vector.extract_strided_slice %get3A_302 {offsets = [4], sizes = [1], strides = [1]} : vector<16xf32> to vector<1xf32>
    %squeeze3A_340 = vector.extract %slice3A_339[0] : f32 from vector<1xf32>
    %broadcast_in_dim3A_341 = vector.broadcast %squeeze3A_340 : f32 to vector<16xf32>
    %swap3A_342 = arith.constant 36 : i32
    %swap3A_343 = arith.index_cast %swap3A_342 : i32 to index
    %swap3A_344 = arith.constant 0 : index
    %swap3A_345 = tpu.vector_load %arg8[%swap3A_343, %swap3A_344] {strides = array<i32>} : memref<48x16xf32, #tpu.memory_space<vmem>>, vector<1x16xf32>,
    %swap3A_346 = vector.shape_cast %swap3A_345 : vector<1x16xf32> to vector<16xf32>
    %swap3A_347 = vector.shape_cast %broadcast_in_dim3A_341 : vector<16xf32> to vector<1x16xf32>
    tpu.vector_store %arg8[%swap3A_343, %swap3A_344], %swap3A_347 {strides = array<i32>} : memref<48x16xf32, #tpu.memory_space<vmem>>, vector<1x16xf32>,
    %slice3A_348 = vector.extract_strided_slice %get3A_302 {offsets = [5], sizes = [1], strides = [1]} : vector<16xf32> to vector<1xf32>
    %squeeze3A_349 = vector.extract %slice3A_348[0] : f32 from vector<1xf32>
    %broadcast_in_dim3A_350 = vector.broadcast %squeeze3A_349 : f32 to vector<16xf32>
    %swap3A_351 = arith.constant 37 : i32
    %swap3A_352 = arith.index_cast %swap3A_351 : i32 to index
    %swap3A_353 = arith.constant 0 : index
    %swap3A_354 = tpu.vector_load %arg8[%swap3A_352, %swap3A_353] {strides = array<i32>} : memref<48x16xf32, #tpu.memory_space<vmem>>, vector<1x16xf32>,
    %swap3A_355 = vector.shape_cast %swap3A_354 : vector<1x16xf32> to vector<16xf32>
    %swap3A_356 = vector.shape_cast %broadcast_in_dim3A_350 : vector<16xf32> to vector<1x16xf32>
    tpu.vector_store %arg8[%swap3A_352, %swap3A_353], %swap3A_356 {strides = array<i32>} : memref<48x16xf32, #tpu.memory_space<vmem>>, vector<1x16xf32>,
    %slice3A_357 = vector.extract_strided_slice %get3A_302 {offsets = [6], sizes = [1], strides = [1]} : vector<16xf32> to vector<1xf32>
    %squeeze3A_358 = vector.extract %slice3A_357[0] : f32 from vector<1xf32>
    %broadcast_in_dim3A_359 = vector.broadcast %squeeze3A_358 : f32 to vector<16xf32>
    %swap3A_360 = arith.constant 38 : i32
    %swap3A_361 = arith.index_cast %swap3A_360 : i32 to index
    %swap3A_362 = arith.constant 0 : index
    %swap3A_363 = tpu.vector_load %arg8[%swap3A_361, %swap3A_362] {strides = array<i32>} : memref<48x16xf32, #tpu.memory_space<vmem>>, vector<1x16xf32>,
    %swap3A_364 = vector.shape_cast %swap3A_363 : vector<1x16xf32> to vector<16xf32>
    %swap3A_365 = vector.shape_cast %broadcast_in_dim3A_359 : vector<16xf32> to vector<1x16xf32>
    tpu.vector_store %arg8[%swap3A_361, %swap3A_362], %swap3A_365 {strides = array<i32>} : memref<48x16xf32, #tpu.memory_space<vmem>>, vector<1x16xf32>,
    %slice3A_366 = vector.extract_strided_slice %get3A_302 {offsets = [7], sizes = [1], strides = [1]} : vector<16xf32> to vector<1xf32>
    %squeeze3A_367 = vector.extract %slice3A_366[0] : f32 from vector<1xf32>
    %broadcast_in_dim3A_368 = vector.broadcast %squeeze3A_367 : f32 to vector<16xf32>
    %swap3A_369 = arith.constant 39 : i32
    %swap3A_370 = arith.index_cast %swap3A_369 : i32 to index
    %swap3A_371 = arith.constant 0 : index
    %swap3A_372 = tpu.vector_load %arg8[%swap3A_370, %swap3A_371] {strides = array<i32>} : memref<48x16xf32, #tpu.memory_space<vmem>>, vector<1x16xf32>,
    %swap3A_373 = vector.shape_cast %swap3A_372 : vector<1x16xf32> to vector<16xf32>
    %swap3A_374 = vector.shape_cast %broadcast_in_dim3A_368 : vector<16xf32> to vector<1x16xf32>
    tpu.vector_store %arg8[%swap3A_370, %swap3A_371], %swap3A_374 {strides = array<i32>} : memref<48x16xf32, #tpu.memory_space<vmem>>, vector<1x16xf32>,
    %slice3A_375 = vector.extract_strided_slice %get3A_302 {offsets = [8], sizes = [1], strides = [1]} : vector<16xf32> to vector<1xf32>
    %squeeze3A_376 = vector.extract %slice3A_375[0] : f32 from vector<1xf32>
    %broadcast_in_dim3A_377 = vector.broadcast %squeeze3A_376 : f32 to vector<16xf32>
    %swap3A_378 = arith.constant 40 : i32
    %swap3A_379 = arith.index_cast %swap3A_378 : i32 to index
    %swap3A_380 = arith.constant 0 : index
    %swap3A_381 = tpu.vector_load %arg8[%swap3A_379, %swap3A_380] {strides = array<i32>} : memref<48x16xf32, #tpu.memory_space<vmem>>, vector<1x16xf32>,
    %swap3A_382 = vector.shape_cast %swap3A_381 : vector<1x16xf32> to vector<16xf32>
    %swap3A_383 = vector.shape_cast %broadcast_in_dim3A_377 : vector<16xf32> to vector<1x16xf32>
    tpu.vector_store %arg8[%swap3A_379, %swap3A_380], %swap3A_383 {strides = array<i32>} : memref<48x16xf32, #tpu.memory_space<vmem>>, vector<1x16xf32>,
    %slice3A_384 = vector.extract_strided_slice %get3A_302 {offsets = [9], sizes = [1], strides = [1]} : vector<16xf32> to vector<1xf32>
    %squeeze3A_385 = vector.extract %slice3A_384[0] : f32 from vector<1xf32>
    %broadcast_in_dim3A_386 = vector.broadcast %squeeze3A_385 : f32 to vector<16xf32>
    %swap3A_387 = arith.constant 41 : i32
    %swap3A_388 = arith.index_cast %swap3A_387 : i32 to index
    %swap3A_389 = arith.constant 0 : index
    %swap3A_390 = tpu.vector_load %arg8[%swap3A_388, %swap3A_389] {strides = array<i32>} : memref<48x16xf32, #tpu.memory_space<vmem>>, vector<1x16xf32>,
    %swap3A_391 = vector.shape_cast %swap3A_390 : vector<1x16xf32> to vector<16xf32>
    %swap3A_392 = vector.shape_cast %broadcast_in_dim3A_386 : vector<16xf32> to vector<1x16xf32>
    tpu.vector_store %arg8[%swap3A_388, %swap3A_389], %swap3A_392 {strides = array<i32>} : memref<48x16xf32, #tpu.memory_space<vmem>>, vector<1x16xf32>,
    %slice3A_393 = vector.extract_strided_slice %get3A_302 {offsets = [10], sizes = [1], strides = [1]} : vector<16xf32> to vector<1xf32>
    %squeeze3A_394 = vector.extract %slice3A_393[0] : f32 from vector<1xf32>
    %broadcast_in_dim3A_395 = vector.broadcast %squeeze3A_394 : f32 to vector<16xf32>
    %swap3A_396 = arith.constant 42 : i32
    %swap3A_397 = arith.index_cast %swap3A_396 : i32 to index
    %swap3A_398 = arith.constant 0 : index
    %swap3A_399 = tpu.vector_load %arg8[%swap3A_397, %swap3A_398] {strides = array<i32>} : memref<48x16xf32, #tpu.memory_space<vmem>>, vector<1x16xf32>,
    %swap3A_400 = vector.shape_cast %swap3A_399 : vector<1x16xf32> to vector<16xf32>
    %swap3A_401 = vector.shape_cast %broadcast_in_dim3A_395 : vector<16xf32> to vector<1x16xf32>
    tpu.vector_store %arg8[%swap3A_397, %swap3A_398], %swap3A_401 {strides = array<i32>} : memref<48x16xf32, #tpu.memory_space<vmem>>, vector<1x16xf32>,
    %slice3A_402 = vector.extract_strided_slice %get3A_302 {offsets = [11], sizes = [1], strides = [1]} : vector<16xf32> to vector<1xf32>
    %squeeze3A_403 = vector.extract %slice3A_402[0] : f32 from vector<1xf32>
    %broadcast_in_dim3A_404 = vector.broadcast %squeeze3A_403 : f32 to vector<16xf32>
    %swap3A_405 = arith.constant 43 : i32
    %swap3A_406 = arith.index_cast %swap3A_405 : i32 to index
    %swap3A_407 = arith.constant 0 : index
    %swap3A_408 = tpu.vector_load %arg8[%swap3A_406, %swap3A_407] {strides = array<i32>} : memref<48x16xf32, #tpu.memory_space<vmem>>, vector<1x16xf32>,
    %swap3A_409 = vector.shape_cast %swap3A_408 : vector<1x16xf32> to vector<16xf32>
    %swap3A_410 = vector.shape_cast %broadcast_in_dim3A_404 : vector<16xf32> to vector<1x16xf32>
    tpu.vector_store %arg8[%swap3A_406, %swap3A_407], %swap3A_410 {strides = array<i32>} : memref<48x16xf32, #tpu.memory_space<vmem>>, vector<1x16xf32>,
    %slice3A_411 = vector.extract_strided_slice %get3A_302 {offsets = [12], sizes = [1], strides = [1]} : vector<16xf32> to vector<1xf32>
    %squeeze3A_412 = vector.extract %slice3A_411[0] : f32 from vector<1xf32>
    %broadcast_in_dim3A_413 = vector.broadcast %squeeze3A_412 : f32 to vector<16xf32>
    %swap3A_414 = arith.constant 44 : i32
    %swap3A_415 = arith.index_cast %swap3A_414 : i32 to index
    %swap3A_416 = arith.constant 0 : index
    %swap3A_417 = tpu.vector_load %arg8[%swap3A_415, %swap3A_416] {strides = array<i32>} : memref<48x16xf32, #tpu.memory_space<vmem>>, vector<1x16xf32>,
    %swap3A_418 = vector.shape_cast %swap3A_417 : vector<1x16xf32> to vector<16xf32>
    %swap3A_419 = vector.shape_cast %broadcast_in_dim3A_413 : vector<16xf32> to vector<1x16xf32>
    tpu.vector_store %arg8[%swap3A_415, %swap3A_416], %swap3A_419 {strides = array<i32>} : memref<48x16xf32, #tpu.memory_space<vmem>>, vector<1x16xf32>,
    %slice3A_420 = vector.extract_strided_slice %get3A_302 {offsets = [13], sizes = [1], strides = [1]} : vector<16xf32> to vector<1xf32>
    %squeeze3A_421 = vector.extract %slice3A_420[0] : f32 from vector<1xf32>
    %broadcast_in_dim3A_422 = vector.broadcast %squeeze3A_421 : f32 to vector<16xf32>
    %swap3A_423 = arith.constant 45 : i32
    %swap3A_424 = arith.index_cast %swap3A_423 : i32 to index
    %swap3A_425 = arith.constant 0 : index
    %swap3A_426 = tpu.vector_load %arg8[%swap3A_424, %swap3A_425] {strides = array<i32>} : memref<48x16xf32, #tpu.memory_space<vmem>>, vector<1x16xf32>,
    %swap3A_427 = vector.shape_cast %swap3A_426 : vector<1x16xf32> to vector<16xf32>
    %swap3A_428 = vector.shape_cast %broadcast_in_dim3A_422 : vector<16xf32> to vector<1x16xf32>
    tpu.vector_store %arg8[%swap3A_424, %swap3A_425], %swap3A_428 {strides = array<i32>} : memref<48x16xf32, #tpu.memory_space<vmem>>, vector<1x16xf32>,
    %slice3A_429 = vector.extract_strided_slice %get3A_302 {offsets = [14], sizes = [1], strides = [1]} : vector<16xf32> to vector<1xf32>
    %squeeze3A_430 = vector.extract %slice3A_429[0] : f32 from vector<1xf32>
    %broadcast_in_dim3A_431 = vector.broadcast %squeeze3A_430 : f32 to vector<16xf32>
    %swap3A_432 = arith.constant 46 : i32
    %swap3A_433 = arith.index_cast %swap3A_432 : i32 to index
    %swap3A_434 = arith.constant 0 : index
    %swap3A_435 = tpu.vector_load %arg8[%swap3A_433, %swap3A_434] {strides = array<i32>} : memref<48x16xf32, #tpu.memory_space<vmem>>, vector<1x16xf32>,
    %swap3A_436 = vector.shape_cast %swap3A_435 : vector<1x16xf32> to vector<16xf32>
    %swap3A_437 = vector.shape_cast %broadcast_in_dim3A_431 : vector<16xf32> to vector<1x16xf32>
    tpu.vector_store %arg8[%swap3A_433, %swap3A_434], %swap3A_437 {strides = array<i32>} : memref<48x16xf32, #tpu.memory_space<vmem>>, vector<1x16xf32>,
    %slice3A_438 = vector.extract_strided_slice %get3A_302 {offsets = [15], sizes = [1], strides = [1]} : vector<16xf32> to vector<1xf32>
    %squeeze3A_439 = vector.extract %slice3A_438[0] : f32 from vector<1xf32>
    %broadcast_in_dim3A_440 = vector.broadcast %squeeze3A_439 : f32 to vector<16xf32>
    %swap3A_441 = arith.constant 47 : i32
    %swap3A_442 = arith.index_cast %swap3A_441 : i32 to index
    %swap3A_443 = arith.constant 0 : index
    %swap3A_444 = tpu.vector_load %arg8[%swap3A_442, %swap3A_443] {strides = array<i32>} : memref<48x16xf32, #tpu.memory_space<vmem>>, vector<1x16xf32>,
    %swap3A_445 = vector.shape_cast %swap3A_444 : vector<1x16xf32> to vector<16xf32>
    %swap3A_446 = vector.shape_cast %broadcast_in_dim3A_440 : vector<16xf32> to vector<1x16xf32>
    tpu.vector_store %arg8[%swap3A_442, %swap3A_443], %swap3A_446 {strides = array<i32>} : memref<48x16xf32, #tpu.memory_space<vmem>>, vector<1x16xf32>,
    %multiple_of3A = arith.constant 0 : i32
    %multiple_of3A_447 = tpu.assume_multiple %multiple_of3A, 8 : i32
    %dma_start3A = arith.constant 0 : i32
    %dma_start3A_448 = tpu.memref_slice %arg6[%dma_start3A, %multiple_of3A_447] : memref<1x512xi32, #tpu.memory_space<vmem>> -> memref<1x1xi32, #tpu.memory_space<vmem>>
    %dma_start3A_449 = tpu.memref_squeeze %dma_start3A_448 : memref<1x1xi32, #tpu.memory_space<vmem>> -> memref<1xi32, #tpu.memory_space<vmem>>
    %dma_start3A_450 = arith.constant 0 : i32
    %dma_start3A_451 = arith.constant 0 : i32
    %dma_start3A_452 = arith.constant 0 : i32
    %dma_start3A_453 = tpu.memref_slice %arg2[%dma_start3A_450, %dma_start3A_451, %dma_start3A_452] : memref<1154x16x768xf32, #tpu.memory_space<hbm>> -> memref<1154x16x768xf32, #tpu.memory_space<hbm>>
    tpu.enqueue_indirect_dma source(%dma_start3A_453 : memref<1154x16x768xf32, #tpu.memory_space<hbm>>) target(%arg9 : memref<1x16x768xf32, #tpu.memory_space<vmem>>) offsets(%dma_start3A_449 : memref<1xi32, #tpu.memory_space<vmem>>) semaphore(%arg13 : memref<!tpu.dma_semaphore, #tpu.memory_space<semaphore_mem>>)
    %multiple_of3A_454 = arith.constant 8 : i32
    %multiple_of3A_455 = tpu.assume_multiple %multiple_of3A_454, 8 : i32
    %dma_start3A_456 = arith.constant 0 : i32
    %dma_start3A_457 = tpu.memref_slice %arg6[%dma_start3A_456, %multiple_of3A_455] : memref<1x512xi32, #tpu.memory_space<vmem>> -> memref<1x1xi32, #tpu.memory_space<vmem>>
    %dma_start3A_458 = tpu.memref_squeeze %dma_start3A_457 : memref<1x1xi32, #tpu.memory_space<vmem>> -> memref<1xi32, #tpu.memory_space<vmem>>
    %dma_start3A_459 = arith.constant 0 : i32
    %dma_start3A_460 = arith.constant 0 : i32
    %dma_start3A_461 = arith.constant 0 : i32
    %dma_start3A_462 = tpu.memref_slice %arg2[%dma_start3A_459, %dma_start3A_460, %dma_start3A_461] : memref<1154x16x768xf32, #tpu.memory_space<hbm>> -> memref<1154x16x768xf32, #tpu.memory_space<hbm>>
    tpu.enqueue_indirect_dma source(%dma_start3A_462 : memref<1154x16x768xf32, #tpu.memory_space<hbm>>) target(%arg10 : memref<1x16x768xf32, #tpu.memory_space<vmem>>) offsets(%dma_start3A_458 : memref<1xi32, #tpu.memory_space<vmem>>) semaphore(%arg14 : memref<!tpu.dma_semaphore, #tpu.memory_space<semaphore_mem>>)
    %scan3A = arith.constant 0 : i32
    %scan3A_463 = arith.constant 0 : i32
    %scan3A_464 = arith.constant 19 : i32
    %scan3A_465 = arith.addi %scan3A_463, %scan3A_464 : i32
    %scan3A_466 = arith.constant 1 : i32
    %scan3A_467 = scf.for %scan3A_491 = %scan3A_463 to %scan3A_465 step %scan3A_466 iter_args(%scan3A_492 = %scan3A) -> (i32)  : i32 {
      %mul3A_493 = arith.constant 2 : i32
      %mul3A_494 = arith.muli %scan3A_491, %mul3A_493 : i32
      %add3A_495 = arith.constant 0 : i32
      %add3A_496 = arith.addi %mul3A_494, %add3A_495 : i32
      %dma_wait3A_497 = arith.constant 0 : i32
      %dma_wait3A_498 = arith.constant 0 : i32
      %dma_wait3A_499 = tpu.memref_slice %arg6[%dma_wait3A_497, %dma_wait3A_498] : memref<1x512xi32, #tpu.memory_space<vmem>> -> memref<1x1xi32, #tpu.memory_space<vmem>>
      %dma_wait3A_500 = tpu.memref_squeeze %dma_wait3A_499 : memref<1x1xi32, #tpu.memory_space<vmem>> -> memref<1xi32, #tpu.memory_space<vmem>>
      %dma_wait3A_501 = arith.constant 0 : i32
      %dma_wait3A_502 = arith.constant 0 : i32
      %dma_wait3A_503 = arith.constant 0 : i32
      %dma_wait3A_504 = tpu.memref_slice %arg2[%dma_wait3A_501, %dma_wait3A_502, %dma_wait3A_503] : memref<1154x16x768xf32, #tpu.memory_space<hbm>> -> memref<1154x16x768xf32, #tpu.memory_space<hbm>>
      tpu.wait_indirect_dma semaphore(%arg13 : memref<!tpu.dma_semaphore, #tpu.memory_space<semaphore_mem>>) src(%dma_wait3A_504 : memref<1154x16x768xf32, #tpu.memory_space<hbm>>) dst(%arg9 : memref<1x16x768xf32, #tpu.memory_space<vmem>>)
      %ge3A = arith.constant 2 : i32
      %ge3A_505 = arith.cmpi sge, %add3A_496, %ge3A : i32
      %sub3A = arith.constant 2 : i32
      %sub3A_506 = arith.subi %add3A_496, %sub3A : i32
      %lt3A_507 = arith.cmpi slt, %sub3A_506, %add3A_4 : i32
      %and3A = arith.andi %ge3A_505, %lt3A_507 : i1
      %convert_element_type3A_508 = arith.extui %and3A : i1 to i32
      %cond3A_509 = arith.constant 0 : i32
      %cond3A_510 = arith.cmpi ne, %convert_element_type3A_508, %cond3A_509 : i32
      scf.if %cond3A_510 {
        %dma_wait3A_565 = arith.constant 0 : i32
        %dma_wait3A_566 = arith.constant 0 : i32
        %dma_wait3A_567 = arith.constant 0 : i32
        %dma_wait3A_568 = tpu.memref_slice %arg5[%dma_wait3A_565, %dma_wait3A_566, %dma_wait3A_567] : memref<1154x16x768xf32, #tpu.memory_space<hbm>> -> memref<1x16x768xf32, #tpu.memory_space<hbm>>
        %dma_wait3A_569 = arith.constant 0 : i32
        %dma_wait3A_570 = arith.constant 0 : i32
        %dma_wait3A_571 = arith.constant 0 : i32
        %dma_wait3A_572 = tpu.memref_slice %arg5[%dma_wait3A_569, %dma_wait3A_570, %dma_wait3A_571] : memref<1154x16x768xf32, #tpu.memory_space<hbm>> -> memref<1x16x768xf32, #tpu.memory_space<hbm>>
        tpu.wait_dma2 semaphore(%arg15 : memref<!tpu.dma_semaphore, #tpu.memory_space<semaphore_mem>>) src(%arg11 : memref<1x16x768xf32, #tpu.memory_space<vmem>>) dst(%dma_wait3A_572 : memref<1x16x768xf32, #tpu.memory_space<hbm>>)
      } else {
      }
      %lt3A_511 = arith.cmpi slt, %add3A_496, %add3A_4 : i32
      %convert_element_type3A_512 = arith.extui %lt3A_511 : i1 to i32
      %cond3A_513 = arith.constant 0 : i32
      %cond3A_514 = arith.cmpi ne, %convert_element_type3A_512, %cond3A_513 : i32
      scf.if %cond3A_514 {
        %get3A_565 = arith.index_cast %add3A_496 : i32 to index
        %get3A_566 = arith.constant 0 : index
        %get3A_567 = tpu.vector_load %arg8[%get3A_565, %get3A_566] {strides = array<i32>} : memref<48x16xf32, #tpu.memory_space<vmem>>, vector<1x16xf32>,
        %get3A_568 = vector.shape_cast %get3A_567 : vector<1x16xf32> to vector<16xf32>
        %scan3A_569 = arith.constant 0 : i32
        %scan3A_570 = arith.constant 0 : i32
        %scan3A_571 = arith.constant 16 : i32
        %scan3A_572 = arith.addi %scan3A_570, %scan3A_571 : i32
        %scan3A_573 = arith.constant 1 : i32
        %scan3A_574 = scf.for %scan3A_589 = %scan3A_570 to %scan3A_572 step %scan3A_573 iter_args(%scan3A_590 = %scan3A_569) -> (i32)  : i32 {
          %get3A_591 = arith.constant 0 : i32
          %get3A_592 = arith.index_cast %get3A_591 : i32 to index
          %get3A_593 = arith.index_cast %scan3A_589 : i32 to index
          %get3A_594 = arith.constant 0 : index
          %get3A_595 = tpu.vector_load %arg9[%get3A_592, %get3A_593, %get3A_594] {strides = array<i32>} : memref<1x16x768xf32, #tpu.memory_space<vmem>>, vector<1x1x16xf32>,
          %get3A_596 = vector.shape_cast %get3A_595 : vector<1x1x16xf32> to vector<16xf32>
          %mul3A_597 = arith.mulf %get3A_596, %get3A_568 : vector<16xf32>
          %swap3A_598 = arith.constant 0 : i32
          %swap3A_599 = arith.index_cast %swap3A_598 : i32 to index
          %swap3A_600 = arith.index_cast %scan3A_589 : i32 to index
          %swap3A_601 = arith.constant 0 : index
          %swap3A_602 = tpu.vector_load %arg11[%swap3A_599, %swap3A_600, %swap3A_601] {strides = array<i32>} : memref<1x16x768xf32, #tpu.memory_space<vmem>>, vector<1x1x16xf32>,
          %swap3A_603 = vector.shape_cast %swap3A_602 : vector<1x1x16xf32> to vector<16xf32>
          %swap3A_604 = vector.shape_cast %mul3A_597 : vector<16xf32> to vector<1x1x16xf32>
          tpu.vector_store %arg11[%swap3A_599, %swap3A_600, %swap3A_601], %swap3A_604 {strides = array<i32>} : memref<1x16x768xf32, #tpu.memory_space<vmem>>, vector<1x1x16xf32>,
          %get3A_605 = arith.constant 0 : i32
          %get3A_606 = arith.index_cast %get3A_605 : i32 to index
          %get3A_607 = arith.index_cast %scan3A_589 : i32 to index
          %get3A_608 = arith.constant 16 : index
          %get3A_609 = tpu.vector_load %arg9[%get3A_606, %get3A_607, %get3A_608] {strides = array<i32>} : memref<1x16x768xf32, #tpu.memory_space<vmem>>, vector<1x1x16xf32>,
          %get3A_610 = vector.shape_cast %get3A_609 : vector<1x1x16xf32> to vector<16xf32>
          %mul3A_611 = arith.mulf %get3A_610, %get3A_568 : vector<16xf32>
          %swap3A_612 = arith.constant 0 : i32
          %swap3A_613 = arith.index_cast %swap3A_612 : i32 to index
          %swap3A_614 = arith.index_cast %scan3A_589 : i32 to index
          %swap3A_615 = arith.constant 16 : index
          %swap3A_616 = tpu.vector_load %arg11[%swap3A_613, %swap3A_614, %swap3A_615] {strides = array<i32>} : memref<1x16x768xf32, #tpu.memory_space<vmem>>, vector<1x1x16xf32>,
          %swap3A_617 = vector.shape_cast %swap3A_616 : vector<1x1x16xf32> to vector<16xf32>
          %swap3A_618 = vector.shape_cast %mul3A_611 : vector<16xf32> to vector<1x1x16xf32>
          tpu.vector_store %arg11[%swap3A_613, %swap3A_614, %swap3A_615], %swap3A_618 {strides = array<i32>} : memref<1x16x768xf32, #tpu.memory_space<vmem>>, vector<1x1x16xf32>,
          %get3A_619 = arith.constant 0 : i32
          %get3A_620 = arith.index_cast %get3A_619 : i32 to index
          %get3A_621 = arith.index_cast %scan3A_589 : i32 to index
          %get3A_622 = arith.constant 32 : index
          %get3A_623 = tpu.vector_load %arg9[%get3A_620, %get3A_621, %get3A_622] {strides = array<i32>} : memref<1x16x768xf32, #tpu.memory_space<vmem>>, vector<1x1x16xf32>,
          %get3A_624 = vector.shape_cast %get3A_623 : vector<1x1x16xf32> to vector<16xf32>
          %mul3A_625 = arith.mulf %get3A_624, %get3A_568 : vector<16xf32>
          %swap3A_626 = arith.constant 0 : i32
          %swap3A_627 = arith.index_cast %swap3A_626 : i32 to index
          %swap3A_628 = arith.index_cast %scan3A_589 : i32 to index
          %swap3A_629 = arith.constant 32 : index
          %swap3A_630 = tpu.vector_load %arg11[%swap3A_627, %swap3A_628, %swap3A_629] {strides = array<i32>} : memref<1x16x768xf32, #tpu.memory_space<vmem>>, vector<1x1x16xf32>,
          %swap3A_631 = vector.shape_cast %swap3A_630 : vector<1x1x16xf32> to vector<16xf32>
          %swap3A_632 = vector.shape_cast %mul3A_625 : vector<16xf32> to vector<1x1x16xf32>
          tpu.vector_store %arg11[%swap3A_627, %swap3A_628, %swap3A_629], %swap3A_632 {strides = array<i32>} : memref<1x16x768xf32, #tpu.memory_space<vmem>>, vector<1x1x16xf32>,
          %get3A_633 = arith.constant 0 : i32
          %get3A_634 = arith.index_cast %get3A_633 : i32 to index
          %get3A_635 = arith.index_cast %scan3A_589 : i32 to index
          %get3A_636 = arith.constant 48 : index
          %get3A_637 = tpu.vector_load %arg9[%get3A_634, %get3A_635, %get3A_636] {strides = array<i32>} : memref<1x16x768xf32, #tpu.memory_space<vmem>>, vector<1x1x16xf32>,
          %get3A_638 = vector.shape_cast %get3A_637 : vector<1x1x16xf32> to vector<16xf32>
          %mul3A_639 = arith.mulf %get3A_638, %get3A_568 : vector<16xf32>
          %swap3A_640 = arith.constant 0 : i32
          %swap3A_641 = arith.index_cast %swap3A_640 : i32 to index
          %swap3A_642 = arith.index_cast %scan3A_589 : i32 to index
          %swap3A_643 = arith.constant 48 : index
          %swap3A_644 = tpu.vector_load %arg11[%swap3A_641, %swap3A_642, %swap3A_643] {strides = array<i32>} : memref<1x16x768xf32, #tpu.memory_space<vmem>>, vector<1x1x16xf32>,
          %swap3A_645 = vector.shape_cast %swap3A_644 : vector<1x1x16xf32> to vector<16xf32>
          %swap3A_646 = vector.shape_cast %mul3A_639 : vector<16xf32> to vector<1x1x16xf32>
          tpu.vector_store %arg11[%swap3A_641, %swap3A_642, %swap3A_643], %swap3A_646 {strides = array<i32>} : memref<1x16x768xf32, #tpu.memory_space<vmem>>, vector<1x1x16xf32>,
          %get3A_647 = arith.constant 0 : i32
          %get3A_648 = arith.index_cast %get3A_647 : i32 to index
          %get3A_649 = arith.index_cast %scan3A_589 : i32 to index
          %get3A_650 = arith.constant 64 : index
          %get3A_651 = tpu.vector_load %arg9[%get3A_648, %get3A_649, %get3A_650] {strides = array<i32>} : memref<1x16x768xf32, #tpu.memory_space<vmem>>, vector<1x1x16xf32>,
          %get3A_652 = vector.shape_cast %get3A_651 : vector<1x1x16xf32> to vector<16xf32>
          %mul3A_653 = arith.mulf %get3A_652, %get3A_568 : vector<16xf32>
          %swap3A_654 = arith.constant 0 : i32
          %swap3A_655 = arith.index_cast %swap3A_654 : i32 to index
          %swap3A_656 = arith.index_cast %scan3A_589 : i32 to index
          %swap3A_657 = arith.constant 64 : index
          %swap3A_658 = tpu.vector_load %arg11[%swap3A_655, %swap3A_656, %swap3A_657] {strides = array<i32>} : memref<1x16x768xf32, #tpu.memory_space<vmem>>, vector<1x1x16xf32>,
          %swap3A_659 = vector.shape_cast %swap3A_658 : vector<1x1x16xf32> to vector<16xf32>
          %swap3A_660 = vector.shape_cast %mul3A_653 : vector<16xf32> to vector<1x1x16xf32>
          tpu.vector_store %arg11[%swap3A_655, %swap3A_656, %swap3A_657], %swap3A_660 {strides = array<i32>} : memref<1x16x768xf32, #tpu.memory_space<vmem>>, vector<1x1x16xf32>,
          %get3A_661 = arith.constant 0 : i32
          %get3A_662 = arith.index_cast %get3A_661 : i32 to index
          %get3A_663 = arith.index_cast %scan3A_589 : i32 to index
          %get3A_664 = arith.constant 80 : index
          %get3A_665 = tpu.vector_load %arg9[%get3A_662, %get3A_663, %get3A_664] {strides = array<i32>} : memref<1x16x768xf32, #tpu.memory_space<vmem>>, vector<1x1x16xf32>,
          %get3A_666 = vector.shape_cast %get3A_665 : vector<1x1x16xf32> to vector<16xf32>
          %mul3A_667 = arith.mulf %get3A_666, %get3A_568 : vector<16xf32>
          %swap3A_668 = arith.constant 0 : i32
          %swap3A_669 = arith.index_cast %swap3A_668 : i32 to index
          %swap3A_670 = arith.index_cast %scan3A_589 : i32 to index
          %swap3A_671 = arith.constant 80 : index
          %swap3A_672 = tpu.vector_load %arg11[%swap3A_669, %swap3A_670, %swap3A_671] {strides = array<i32>} : memref<1x16x768xf32, #tpu.memory_space<vmem>>, vector<1x1x16xf32>,
          %swap3A_673 = vector.shape_cast %swap3A_672 : vector<1x1x16xf32> to vector<16xf32>
          %swap3A_674 = vector.shape_cast %mul3A_667 : vector<16xf32> to vector<1x1x16xf32>
          tpu.vector_store %arg11[%swap3A_669, %swap3A_670, %swap3A_671], %swap3A_674 {strides = array<i32>} : memref<1x16x768xf32, #tpu.memory_space<vmem>>, vector<1x1x16xf32>,
          %get3A_675 = arith.constant 0 : i32
          %get3A_676 = arith.index_cast %get3A_675 : i32 to index
          %get3A_677 = arith.index_cast %scan3A_589 : i32 to index
          %get3A_678 = arith.constant 96 : index
          %get3A_679 = tpu.vector_load %arg9[%get3A_676, %get3A_677, %get3A_678] {strides = array<i32>} : memref<1x16x768xf32, #tpu.memory_space<vmem>>, vector<1x1x16xf32>,
          %get3A_680 = vector.shape_cast %get3A_679 : vector<1x1x16xf32> to vector<16xf32>
          %mul3A_681 = arith.mulf %get3A_680, %get3A_568 : vector<16xf32>
          %swap3A_682 = arith.constant 0 : i32
          %swap3A_683 = arith.index_cast %swap3A_682 : i32 to index
          %swap3A_684 = arith.index_cast %scan3A_589 : i32 to index
          %swap3A_685 = arith.constant 96 : index
          %swap3A_686 = tpu.vector_load %arg11[%swap3A_683, %swap3A_684, %swap3A_685] {strides = array<i32>} : memref<1x16x768xf32, #tpu.memory_space<vmem>>, vector<1x1x16xf32>,
          %swap3A_687 = vector.shape_cast %swap3A_686 : vector<1x1x16xf32> to vector<16xf32>
          %swap3A_688 = vector.shape_cast %mul3A_681 : vector<16xf32> to vector<1x1x16xf32>
          tpu.vector_store %arg11[%swap3A_683, %swap3A_684, %swap3A_685], %swap3A_688 {strides = array<i32>} : memref<1x16x768xf32, #tpu.memory_space<vmem>>, vector<1x1x16xf32>,
          %get3A_689 = arith.constant 0 : i32
          %get3A_690 = arith.index_cast %get3A_689 : i32 to index
          %get3A_691 = arith.index_cast %scan3A_589 : i32 to index
          %get3A_692 = arith.constant 112 : index
          %get3A_693 = tpu.vector_load %arg9[%get3A_690, %get3A_691, %get3A_692] {strides = array<i32>} : memref<1x16x768xf32, #tpu.memory_space<vmem>>, vector<1x1x16xf32>,
          %get3A_694 = vector.shape_cast %get3A_693 : vector<1x1x16xf32> to vector<16xf32>
          %mul3A_695 = arith.mulf %get3A_694, %get3A_568 : vector<16xf32>
          %swap3A_696 = arith.constant 0 : i32
          %swap3A_697 = arith.index_cast %swap3A_696 : i32 to index
          %swap3A_698 = arith.index_cast %scan3A_589 : i32 to index
          %swap3A_699 = arith.constant 112 : index
          %swap3A_700 = tpu.vector_load %arg11[%swap3A_697, %swap3A_698, %swap3A_699] {strides = array<i32>} : memref<1x16x768xf32, #tpu.memory_space<vmem>>, vector<1x1x16xf32>,
          %swap3A_701 = vector.shape_cast %swap3A_700 : vector<1x1x16xf32> to vector<16xf32>
          %swap3A_702 = vector.shape_cast %mul3A_695 : vector<16xf32> to vector<1x1x16xf32>
          tpu.vector_store %arg11[%swap3A_697, %swap3A_698, %swap3A_699], %swap3A_702 {strides = array<i32>} : memref<1x16x768xf32, #tpu.memory_space<vmem>>, vector<1x1x16xf32>,
          %get3A_703 = arith.constant 0 : i32
          %get3A_704 = arith.index_cast %get3A_703 : i32 to index
          %get3A_705 = arith.index_cast %scan3A_589 : i32 to index
          %get3A_706 = arith.constant 128 : index
          %get3A_707 = tpu.vector_load %arg9[%get3A_704, %get3A_705, %get3A_706] {strides = array<i32>} : memref<1x16x768xf32, #tpu.memory_space<vmem>>, vector<1x1x16xf32>,
          %get3A_708 = vector.shape_cast %get3A_707 : vector<1x1x16xf32> to vector<16xf32>
          %mul3A_709 = arith.mulf %get3A_708, %get3A_568 : vector<16xf32>
          %swap3A_710 = arith.constant 0 : i32
          %swap3A_711 = arith.index_cast %swap3A_710 : i32 to index
          %swap3A_712 = arith.index_cast %scan3A_589 : i32 to index
          %swap3A_713 = arith.constant 128 : index
          %swap3A_714 = tpu.vector_load %arg11[%swap3A_711, %swap3A_712, %swap3A_713] {strides = array<i32>} : memref<1x16x768xf32, #tpu.memory_space<vmem>>, vector<1x1x16xf32>,
          %swap3A_715 = vector.shape_cast %swap3A_714 : vector<1x1x16xf32> to vector<16xf32>
          %swap3A_716 = vector.shape_cast %mul3A_709 : vector<16xf32> to vector<1x1x16xf32>
          tpu.vector_store %arg11[%swap3A_711, %swap3A_712, %swap3A_713], %swap3A_716 {strides = array<i32>} : memref<1x16x768xf32, #tpu.memory_space<vmem>>, vector<1x1x16xf32>,
          %get3A_717 = arith.constant 0 : i32
          %get3A_718 = arith.index_cast %get3A_717 : i32 to index
          %get3A_719 = arith.index_cast %scan3A_589 : i32 to index
          %get3A_720 = arith.constant 144 : index
          %get3A_721 = tpu.vector_load %arg9[%get3A_718, %get3A_719, %get3A_720] {strides = array<i32>} : memref<1x16x768xf32, #tpu.memory_space<vmem>>, vector<1x1x16xf32>,
          %get3A_722 = vector.shape_cast %get3A_721 : vector<1x1x16xf32> to vector<16xf32>
          %mul3A_723 = arith.mulf %get3A_722, %get3A_568 : vector<16xf32>
          %swap3A_724 = arith.constant 0 : i32
          %swap3A_725 = arith.index_cast %swap3A_724 : i32 to index
          %swap3A_726 = arith.index_cast %scan3A_589 : i32 to index
          %swap3A_727 = arith.constant 144 : index
          %swap3A_728 = tpu.vector_load %arg11[%swap3A_725, %swap3A_726, %swap3A_727] {strides = array<i32>} : memref<1x16x768xf32, #tpu.memory_space<vmem>>, vector<1x1x16xf32>,
          %swap3A_729 = vector.shape_cast %swap3A_728 : vector<1x1x16xf32> to vector<16xf32>
          %swap3A_730 = vector.shape_cast %mul3A_723 : vector<16xf32> to vector<1x1x16xf32>
          tpu.vector_store %arg11[%swap3A_725, %swap3A_726, %swap3A_727], %swap3A_730 {strides = array<i32>} : memref<1x16x768xf32, #tpu.memory_space<vmem>>, vector<1x1x16xf32>,
          %get3A_731 = arith.constant 0 : i32
          %get3A_732 = arith.index_cast %get3A_731 : i32 to index
          %get3A_733 = arith.index_cast %scan3A_589 : i32 to index
          %get3A_734 = arith.constant 160 : index
          %get3A_735 = tpu.vector_load %arg9[%get3A_732, %get3A_733, %get3A_734] {strides = array<i32>} : memref<1x16x768xf32, #tpu.memory_space<vmem>>, vector<1x1x16xf32>,
          %get3A_736 = vector.shape_cast %get3A_735 : vector<1x1x16xf32> to vector<16xf32>
          %mul3A_737 = arith.mulf %get3A_736, %get3A_568 : vector<16xf32>
          %swap3A_738 = arith.constant 0 : i32
          %swap3A_739 = arith.index_cast %swap3A_738 : i32 to index
          %swap3A_740 = arith.index_cast %scan3A_589 : i32 to index
          %swap3A_741 = arith.constant 160 : index
          %swap3A_742 = tpu.vector_load %arg11[%swap3A_739, %swap3A_740, %swap3A_741] {strides = array<i32>} : memref<1x16x768xf32, #tpu.memory_space<vmem>>, vector<1x1x16xf32>,
          %swap3A_743 = vector.shape_cast %swap3A_742 : vector<1x1x16xf32> to vector<16xf32>
          %swap3A_744 = vector.shape_cast %mul3A_737 : vector<16xf32> to vector<1x1x16xf32>
          tpu.vector_store %arg11[%swap3A_739, %swap3A_740, %swap3A_741], %swap3A_744 {strides = array<i32>} : memref<1x16x768xf32, #tpu.memory_space<vmem>>, vector<1x1x16xf32>,
          %get3A_745 = arith.constant 0 : i32
          %get3A_746 = arith.index_cast %get3A_745 : i32 to index
          %get3A_747 = arith.index_cast %scan3A_589 : i32 to index
          %get3A_748 = arith.constant 176 : index
          %get3A_749 = tpu.vector_load %arg9[%get3A_746, %get3A_747, %get3A_748] {strides = array<i32>} : memref<1x16x768xf32, #tpu.memory_space<vmem>>, vector<1x1x16xf32>,
          %get3A_750 = vector.shape_cast %get3A_749 : vector<1x1x16xf32> to vector<16xf32>
          %mul3A_751 = arith.mulf %get3A_750, %get3A_568 : vector<16xf32>
          %swap3A_752 = arith.constant 0 : i32
          %swap3A_753 = arith.index_cast %swap3A_752 : i32 to index
          %swap3A_754 = arith.index_cast %scan3A_589 : i32 to index
          %swap3A_755 = arith.constant 176 : index
          %swap3A_756 = tpu.vector_load %arg11[%swap3A_753, %swap3A_754, %swap3A_755] {strides = array<i32>} : memref<1x16x768xf32, #tpu.memory_space<vmem>>, vector<1x1x16xf32>,
          %swap3A_757 = vector.shape_cast %swap3A_756 : vector<1x1x16xf32> to vector<16xf32>
          %swap3A_758 = vector.shape_cast %mul3A_751 : vector<16xf32> to vector<1x1x16xf32>
          tpu.vector_store %arg11[%swap3A_753, %swap3A_754, %swap3A_755], %swap3A_758 {strides = array<i32>} : memref<1x16x768xf32, #tpu.memory_space<vmem>>, vector<1x1x16xf32>,
          %get3A_759 = arith.constant 0 : i32
          %get3A_760 = arith.index_cast %get3A_759 : i32 to index
          %get3A_761 = arith.index_cast %scan3A_589 : i32 to index
          %get3A_762 = arith.constant 192 : index
          %get3A_763 = tpu.vector_load %arg9[%get3A_760, %get3A_761, %get3A_762] {strides = array<i32>} : memref<1x16x768xf32, #tpu.memory_space<vmem>>, vector<1x1x16xf32>,
          %get3A_764 = vector.shape_cast %get3A_763 : vector<1x1x16xf32> to vector<16xf32>
          %mul3A_765 = arith.mulf %get3A_764, %get3A_568 : vector<16xf32>
          %swap3A_766 = arith.constant 0 : i32
          %swap3A_767 = arith.index_cast %swap3A_766 : i32 to index
          %swap3A_768 = arith.index_cast %scan3A_589 : i32 to index
          %swap3A_769 = arith.constant 192 : index
          %swap3A_770 = tpu.vector_load %arg11[%swap3A_767, %swap3A_768, %swap3A_769] {strides = array<i32>} : memref<1x16x768xf32, #tpu.memory_space<vmem>>, vector<1x1x16xf32>,
          %swap3A_771 = vector.shape_cast %swap3A_770 : vector<1x1x16xf32> to vector<16xf32>
          %swap3A_772 = vector.shape_cast %mul3A_765 : vector<16xf32> to vector<1x1x16xf32>
          tpu.vector_store %arg11[%swap3A_767, %swap3A_768, %swap3A_769], %swap3A_772 {strides = array<i32>} : memref<1x16x768xf32, #tpu.memory_space<vmem>>, vector<1x1x16xf32>,
          %get3A_773 = arith.constant 0 : i32
          %get3A_774 = arith.index_cast %get3A_773 : i32 to index
          %get3A_775 = arith.index_cast %scan3A_589 : i32 to index
          %get3A_776 = arith.constant 208 : index
          %get3A_777 = tpu.vector_load %arg9[%get3A_774, %get3A_775, %get3A_776] {strides = array<i32>} : memref<1x16x768xf32, #tpu.memory_space<vmem>>, vector<1x1x16xf32>,
          %get3A_778 = vector.shape_cast %get3A_777 : vector<1x1x16xf32> to vector<16xf32>
          %mul3A_779 = arith.mulf %get3A_778, %get3A_568 : vector<16xf32>
          %swap3A_780 = arith.constant 0 : i32
          %swap3A_781 = arith.index_cast %swap3A_780 : i32 to index
          %swap3A_782 = arith.index_cast %scan3A_589 : i32 to index
          %swap3A_783 = arith.constant 208 : index
          %swap3A_784 = tpu.vector_load %arg11[%swap3A_781, %swap3A_782, %swap3A_783] {strides = array<i32>} : memref<1x16x768xf32, #tpu.memory_space<vmem>>, vector<1x1x16xf32>,
          %swap3A_785 = vector.shape_cast %swap3A_784 : vector<1x1x16xf32> to vector<16xf32>
          %swap3A_786 = vector.shape_cast %mul3A_779 : vector<16xf32> to vector<1x1x16xf32>
          tpu.vector_store %arg11[%swap3A_781, %swap3A_782, %swap3A_783], %swap3A_786 {strides = array<i32>} : memref<1x16x768xf32, #tpu.memory_space<vmem>>, vector<1x1x16xf32>,
          %get3A_787 = arith.constant 0 : i32
          %get3A_788 = arith.index_cast %get3A_787 : i32 to index
          %get3A_789 = arith.index_cast %scan3A_589 : i32 to index
          %get3A_790 = arith.constant 224 : index
          %get3A_791 = tpu.vector_load %arg9[%get3A_788, %get3A_789, %get3A_790] {strides = array<i32>} : memref<1x16x768xf32, #tpu.memory_space<vmem>>, vector<1x1x16xf32>,
          %get3A_792 = vector.shape_cast %get3A_791 : vector<1x1x16xf32> to vector<16xf32>
          %mul3A_793 = arith.mulf %get3A_792, %get3A_568 : vector<16xf32>
          %swap3A_794 = arith.constant 0 : i32
          %swap3A_795 = arith.index_cast %swap3A_794 : i32 to index
          %swap3A_796 = arith.index_cast %scan3A_589 : i32 to index
          %swap3A_797 = arith.constant 224 : index
          %swap3A_798 = tpu.vector_load %arg11[%swap3A_795, %swap3A_796, %swap3A_797] {strides = array<i32>} : memref<1x16x768xf32, #tpu.memory_space<vmem>>, vector<1x1x16xf32>,
          %swap3A_799 = vector.shape_cast %swap3A_798 : vector<1x1x16xf32> to vector<16xf32>
          %swap3A_800 = vector.shape_cast %mul3A_793 : vector<16xf32> to vector<1x1x16xf32>
          tpu.vector_store %arg11[%swap3A_795, %swap3A_796, %swap3A_797], %swap3A_800 {strides = array<i32>} : memref<1x16x768xf32, #tpu.memory_space<vmem>>, vector<1x1x16xf32>,
          %get3A_801 = arith.constant 0 : i32
          %get3A_802 = arith.index_cast %get3A_801 : i32 to index
          %get3A_803 = arith.index_cast %scan3A_589 : i32 to index
          %get3A_804 = arith.constant 240 : index
          %get3A_805 = tpu.vector_load %arg9[%get3A_802, %get3A_803, %get3A_804] {strides = array<i32>} : memref<1x16x768xf32, #tpu.memory_space<vmem>>, vector<1x1x16xf32>,
          %get3A_806 = vector.shape_cast %get3A_805 : vector<1x1x16xf32> to vector<16xf32>
          %mul3A_807 = arith.mulf %get3A_806, %get3A_568 : vector<16xf32>
          %swap3A_808 = arith.constant 0 : i32
          %swap3A_809 = arith.index_cast %swap3A_808 : i32 to index
          %swap3A_810 = arith.index_cast %scan3A_589 : i32 to index
          %swap3A_811 = arith.constant 240 : index
          %swap3A_812 = tpu.vector_load %arg11[%swap3A_809, %swap3A_810, %swap3A_811] {strides = array<i32>} : memref<1x16x768xf32, #tpu.memory_space<vmem>>, vector<1x1x16xf32>,
          %swap3A_813 = vector.shape_cast %swap3A_812 : vector<1x1x16xf32> to vector<16xf32>
          %swap3A_814 = vector.shape_cast %mul3A_807 : vector<16xf32> to vector<1x1x16xf32>
          tpu.vector_store %arg11[%swap3A_809, %swap3A_810, %swap3A_811], %swap3A_814 {strides = array<i32>} : memref<1x16x768xf32, #tpu.memory_space<vmem>>, vector<1x1x16xf32>,
          %get3A_815 = arith.constant 0 : i32
          %get3A_816 = arith.index_cast %get3A_815 : i32 to index
          %get3A_817 = arith.index_cast %scan3A_589 : i32 to index
          %get3A_818 = arith.constant 256 : index
          %get3A_819 = tpu.vector_load %arg9[%get3A_816, %get3A_817, %get3A_818] {strides = array<i32>} : memref<1x16x768xf32, #tpu.memory_space<vmem>>, vector<1x1x16xf32>,
          %get3A_820 = vector.shape_cast %get3A_819 : vector<1x1x16xf32> to vector<16xf32>
          %mul3A_821 = arith.mulf %get3A_820, %get3A_568 : vector<16xf32>
          %swap3A_822 = arith.constant 0 : i32
          %swap3A_823 = arith.index_cast %swap3A_822 : i32 to index
          %swap3A_824 = arith.index_cast %scan3A_589 : i32 to index
          %swap3A_825 = arith.constant 256 : index
          %swap3A_826 = tpu.vector_load %arg11[%swap3A_823, %swap3A_824, %swap3A_825] {strides = array<i32>} : memref<1x16x768xf32, #tpu.memory_space<vmem>>, vector<1x1x16xf32>,
          %swap3A_827 = vector.shape_cast %swap3A_826 : vector<1x1x16xf32> to vector<16xf32>
          %swap3A_828 = vector.shape_cast %mul3A_821 : vector<16xf32> to vector<1x1x16xf32>
          tpu.vector_store %arg11[%swap3A_823, %swap3A_824, %swap3A_825], %swap3A_828 {strides = array<i32>} : memref<1x16x768xf32, #tpu.memory_space<vmem>>, vector<1x1x16xf32>,
          %get3A_829 = arith.constant 0 : i32
          %get3A_830 = arith.index_cast %get3A_829 : i32 to index
          %get3A_831 = arith.index_cast %scan3A_589 : i32 to index
          %get3A_832 = arith.constant 272 : index
          %get3A_833 = tpu.vector_load %arg9[%get3A_830, %get3A_831, %get3A_832] {strides = array<i32>} : memref<1x16x768xf32, #tpu.memory_space<vmem>>, vector<1x1x16xf32>,
          %get3A_834 = vector.shape_cast %get3A_833 : vector<1x1x16xf32> to vector<16xf32>
          %mul3A_835 = arith.mulf %get3A_834, %get3A_568 : vector<16xf32>
          %swap3A_836 = arith.constant 0 : i32
          %swap3A_837 = arith.index_cast %swap3A_836 : i32 to index
          %swap3A_838 = arith.index_cast %scan3A_589 : i32 to index
          %swap3A_839 = arith.constant 272 : index
          %swap3A_840 = tpu.vector_load %arg11[%swap3A_837, %swap3A_838, %swap3A_839] {strides = array<i32>} : memref<1x16x768xf32, #tpu.memory_space<vmem>>, vector<1x1x16xf32>,
          %swap3A_841 = vector.shape_cast %swap3A_840 : vector<1x1x16xf32> to vector<16xf32>
          %swap3A_842 = vector.shape_cast %mul3A_835 : vector<16xf32> to vector<1x1x16xf32>
          tpu.vector_store %arg11[%swap3A_837, %swap3A_838, %swap3A_839], %swap3A_842 {strides = array<i32>} : memref<1x16x768xf32, #tpu.memory_space<vmem>>, vector<1x1x16xf32>,
          %get3A_843 = arith.constant 0 : i32
          %get3A_844 = arith.index_cast %get3A_843 : i32 to index
          %get3A_845 = arith.index_cast %scan3A_589 : i32 to index
          %get3A_846 = arith.constant 288 : index
          %get3A_847 = tpu.vector_load %arg9[%get3A_844, %get3A_845, %get3A_846] {strides = array<i32>} : memref<1x16x768xf32, #tpu.memory_space<vmem>>, vector<1x1x16xf32>,
          %get3A_848 = vector.shape_cast %get3A_847 : vector<1x1x16xf32> to vector<16xf32>
          %mul3A_849 = arith.mulf %get3A_848, %get3A_568 : vector<16xf32>
          %swap3A_850 = arith.constant 0 : i32
          %swap3A_851 = arith.index_cast %swap3A_850 : i32 to index
          %swap3A_852 = arith.index_cast %scan3A_589 : i32 to index
          %swap3A_853 = arith.constant 288 : index
          %swap3A_854 = tpu.vector_load %arg11[%swap3A_851, %swap3A_852, %swap3A_853] {strides = array<i32>} : memref<1x16x768xf32, #tpu.memory_space<vmem>>, vector<1x1x16xf32>,
          %swap3A_855 = vector.shape_cast %swap3A_854 : vector<1x1x16xf32> to vector<16xf32>
          %swap3A_856 = vector.shape_cast %mul3A_849 : vector<16xf32> to vector<1x1x16xf32>
          tpu.vector_store %arg11[%swap3A_851, %swap3A_852, %swap3A_853], %swap3A_856 {strides = array<i32>} : memref<1x16x768xf32, #tpu.memory_space<vmem>>, vector<1x1x16xf32>,
          %get3A_857 = arith.constant 0 : i32
          %get3A_858 = arith.index_cast %get3A_857 : i32 to index
          %get3A_859 = arith.index_cast %scan3A_589 : i32 to index
          %get3A_860 = arith.constant 304 : index
          %get3A_861 = tpu.vector_load %arg9[%get3A_858, %get3A_859, %get3A_860] {strides = array<i32>} : memref<1x16x768xf32, #tpu.memory_space<vmem>>, vector<1x1x16xf32>,
          %get3A_862 = vector.shape_cast %get3A_861 : vector<1x1x16xf32> to vector<16xf32>
          %mul3A_863 = arith.mulf %get3A_862, %get3A_568 : vector<16xf32>
          %swap3A_864 = arith.constant 0 : i32
          %swap3A_865 = arith.index_cast %swap3A_864 : i32 to index
          %swap3A_866 = arith.index_cast %scan3A_589 : i32 to index
          %swap3A_867 = arith.constant 304 : index
          %swap3A_868 = tpu.vector_load %arg11[%swap3A_865, %swap3A_866, %swap3A_867] {strides = array<i32>} : memref<1x16x768xf32, #tpu.memory_space<vmem>>, vector<1x1x16xf32>,
          %swap3A_869 = vector.shape_cast %swap3A_868 : vector<1x1x16xf32> to vector<16xf32>
          %swap3A_870 = vector.shape_cast %mul3A_863 : vector<16xf32> to vector<1x1x16xf32>
          tpu.vector_store %arg11[%swap3A_865, %swap3A_866, %swap3A_867], %swap3A_870 {strides = array<i32>} : memref<1x16x768xf32, #tpu.memory_space<vmem>>, vector<1x1x16xf32>,
          %get3A_871 = arith.constant 0 : i32
          %get3A_872 = arith.index_cast %get3A_871 : i32 to index
          %get3A_873 = arith.index_cast %scan3A_589 : i32 to index
          %get3A_874 = arith.constant 320 : index
          %get3A_875 = tpu.vector_load %arg9[%get3A_872, %get3A_873, %get3A_874] {strides = array<i32>} : memref<1x16x768xf32, #tpu.memory_space<vmem>>, vector<1x1x16xf32>,
          %get3A_876 = vector.shape_cast %get3A_875 : vector<1x1x16xf32> to vector<16xf32>
          %mul3A_877 = arith.mulf %get3A_876, %get3A_568 : vector<16xf32>
          %swap3A_878 = arith.constant 0 : i32
          %swap3A_879 = arith.index_cast %swap3A_878 : i32 to index
          %swap3A_880 = arith.index_cast %scan3A_589 : i32 to index
          %swap3A_881 = arith.constant 320 : index
          %swap3A_882 = tpu.vector_load %arg11[%swap3A_879, %swap3A_880, %swap3A_881] {strides = array<i32>} : memref<1x16x768xf32, #tpu.memory_space<vmem>>, vector<1x1x16xf32>,
          %swap3A_883 = vector.shape_cast %swap3A_882 : vector<1x1x16xf32> to vector<16xf32>
          %swap3A_884 = vector.shape_cast %mul3A_877 : vector<16xf32> to vector<1x1x16xf32>
          tpu.vector_store %arg11[%swap3A_879, %swap3A_880, %swap3A_881], %swap3A_884 {strides = array<i32>} : memref<1x16x768xf32, #tpu.memory_space<vmem>>, vector<1x1x16xf32>,
          %get3A_885 = arith.constant 0 : i32
          %get3A_886 = arith.index_cast %get3A_885 : i32 to index
          %get3A_887 = arith.index_cast %scan3A_589 : i32 to index
          %get3A_888 = arith.constant 336 : index
          %get3A_889 = tpu.vector_load %arg9[%get3A_886, %get3A_887, %get3A_888] {strides = array<i32>} : memref<1x16x768xf32, #tpu.memory_space<vmem>>, vector<1x1x16xf32>,
          %get3A_890 = vector.shape_cast %get3A_889 : vector<1x1x16xf32> to vector<16xf32>
          %mul3A_891 = arith.mulf %get3A_890, %get3A_568 : vector<16xf32>
          %swap3A_892 = arith.constant 0 : i32
          %swap3A_893 = arith.index_cast %swap3A_892 : i32 to index
          %swap3A_894 = arith.index_cast %scan3A_589 : i32 to index
          %swap3A_895 = arith.constant 336 : index
          %swap3A_896 = tpu.vector_load %arg11[%swap3A_893, %swap3A_894, %swap3A_895] {strides = array<i32>} : memref<1x16x768xf32, #tpu.memory_space<vmem>>, vector<1x1x16xf32>,
          %swap3A_897 = vector.shape_cast %swap3A_896 : vector<1x1x16xf32> to vector<16xf32>
          %swap3A_898 = vector.shape_cast %mul3A_891 : vector<16xf32> to vector<1x1x16xf32>
          tpu.vector_store %arg11[%swap3A_893, %swap3A_894, %swap3A_895], %swap3A_898 {strides = array<i32>} : memref<1x16x768xf32, #tpu.memory_space<vmem>>, vector<1x1x16xf32>,
          %get3A_899 = arith.constant 0 : i32
          %get3A_900 = arith.index_cast %get3A_899 : i32 to index
          %get3A_901 = arith.index_cast %scan3A_589 : i32 to index
          %get3A_902 = arith.constant 352 : index
          %get3A_903 = tpu.vector_load %arg9[%get3A_900, %get3A_901, %get3A_902] {strides = array<i32>} : memref<1x16x768xf32, #tpu.memory_space<vmem>>, vector<1x1x16xf32>,
          %get3A_904 = vector.shape_cast %get3A_903 : vector<1x1x16xf32> to vector<16xf32>
          %mul3A_905 = arith.mulf %get3A_904, %get3A_568 : vector<16xf32>
          %swap3A_906 = arith.constant 0 : i32
          %swap3A_907 = arith.index_cast %swap3A_906 : i32 to index
          %swap3A_908 = arith.index_cast %scan3A_589 : i32 to index
          %swap3A_909 = arith.constant 352 : index
          %swap3A_910 = tpu.vector_load %arg11[%swap3A_907, %swap3A_908, %swap3A_909] {strides = array<i32>} : memref<1x16x768xf32, #tpu.memory_space<vmem>>, vector<1x1x16xf32>,
          %swap3A_911 = vector.shape_cast %swap3A_910 : vector<1x1x16xf32> to vector<16xf32>
          %swap3A_912 = vector.shape_cast %mul3A_905 : vector<16xf32> to vector<1x1x16xf32>
          tpu.vector_store %arg11[%swap3A_907, %swap3A_908, %swap3A_909], %swap3A_912 {strides = array<i32>} : memref<1x16x768xf32, #tpu.memory_space<vmem>>, vector<1x1x16xf32>,
          %get3A_913 = arith.constant 0 : i32
          %get3A_914 = arith.index_cast %get3A_913 : i32 to index
          %get3A_915 = arith.index_cast %scan3A_589 : i32 to index
          %get3A_916 = arith.constant 368 : index
          %get3A_917 = tpu.vector_load %arg9[%get3A_914, %get3A_915, %get3A_916] {strides = array<i32>} : memref<1x16x768xf32, #tpu.memory_space<vmem>>, vector<1x1x16xf32>,
          %get3A_918 = vector.shape_cast %get3A_917 : vector<1x1x16xf32> to vector<16xf32>
          %mul3A_919 = arith.mulf %get3A_918, %get3A_568 : vector<16xf32>
          %swap3A_920 = arith.constant 0 : i32
          %swap3A_921 = arith.index_cast %swap3A_920 : i32 to index
          %swap3A_922 = arith.index_cast %scan3A_589 : i32 to index
          %swap3A_923 = arith.constant 368 : index
          %swap3A_924 = tpu.vector_load %arg11[%swap3A_921, %swap3A_922, %swap3A_923] {strides = array<i32>} : memref<1x16x768xf32, #tpu.memory_space<vmem>>, vector<1x1x16xf32>,
          %swap3A_925 = vector.shape_cast %swap3A_924 : vector<1x1x16xf32> to vector<16xf32>
          %swap3A_926 = vector.shape_cast %mul3A_919 : vector<16xf32> to vector<1x1x16xf32>
          tpu.vector_store %arg11[%swap3A_921, %swap3A_922, %swap3A_923], %swap3A_926 {strides = array<i32>} : memref<1x16x768xf32, #tpu.memory_space<vmem>>, vector<1x1x16xf32>,
          %get3A_927 = arith.constant 0 : i32
          %get3A_928 = arith.index_cast %get3A_927 : i32 to index
          %get3A_929 = arith.index_cast %scan3A_589 : i32 to index
          %get3A_930 = arith.constant 384 : index
          %get3A_931 = tpu.vector_load %arg9[%get3A_928, %get3A_929, %get3A_930] {strides = array<i32>} : memref<1x16x768xf32, #tpu.memory_space<vmem>>, vector<1x1x16xf32>,
          %get3A_932 = vector.shape_cast %get3A_931 : vector<1x1x16xf32> to vector<16xf32>
          %mul3A_933 = arith.mulf %get3A_932, %get3A_568 : vector<16xf32>
          %swap3A_934 = arith.constant 0 : i32
          %swap3A_935 = arith.index_cast %swap3A_934 : i32 to index
          %swap3A_936 = arith.index_cast %scan3A_589 : i32 to index
          %swap3A_937 = arith.constant 384 : index
          %swap3A_938 = tpu.vector_load %arg11[%swap3A_935, %swap3A_936, %swap3A_937] {strides = array<i32>} : memref<1x16x768xf32, #tpu.memory_space<vmem>>, vector<1x1x16xf32>,
          %swap3A_939 = vector.shape_cast %swap3A_938 : vector<1x1x16xf32> to vector<16xf32>
          %swap3A_940 = vector.shape_cast %mul3A_933 : vector<16xf32> to vector<1x1x16xf32>
          tpu.vector_store %arg11[%swap3A_935, %swap3A_936, %swap3A_937], %swap3A_940 {strides = array<i32>} : memref<1x16x768xf32, #tpu.memory_space<vmem>>, vector<1x1x16xf32>,
          %get3A_941 = arith.constant 0 : i32
          %get3A_942 = arith.index_cast %get3A_941 : i32 to index
          %get3A_943 = arith.index_cast %scan3A_589 : i32 to index
          %get3A_944 = arith.constant 400 : index
          %get3A_945 = tpu.vector_load %arg9[%get3A_942, %get3A_943, %get3A_944] {strides = array<i32>} : memref<1x16x768xf32, #tpu.memory_space<vmem>>, vector<1x1x16xf32>,
          %get3A_946 = vector.shape_cast %get3A_945 : vector<1x1x16xf32> to vector<16xf32>
          %mul3A_947 = arith.mulf %get3A_946, %get3A_568 : vector<16xf32>
          %swap3A_948 = arith.constant 0 : i32
          %swap3A_949 = arith.index_cast %swap3A_948 : i32 to index
          %swap3A_950 = arith.index_cast %scan3A_589 : i32 to index
          %swap3A_951 = arith.constant 400 : index
          %swap3A_952 = tpu.vector_load %arg11[%swap3A_949, %swap3A_950, %swap3A_951] {strides = array<i32>} : memref<1x16x768xf32, #tpu.memory_space<vmem>>, vector<1x1x16xf32>,
          %swap3A_953 = vector.shape_cast %swap3A_952 : vector<1x1x16xf32> to vector<16xf32>
          %swap3A_954 = vector.shape_cast %mul3A_947 : vector<16xf32> to vector<1x1x16xf32>
          tpu.vector_store %arg11[%swap3A_949, %swap3A_950, %swap3A_951], %swap3A_954 {strides = array<i32>} : memref<1x16x768xf32, #tpu.memory_space<vmem>>, vector<1x1x16xf32>,
          %get3A_955 = arith.constant 0 : i32
          %get3A_956 = arith.index_cast %get3A_955 : i32 to index
          %get3A_957 = arith.index_cast %scan3A_589 : i32 to index
          %get3A_958 = arith.constant 416 : index
          %get3A_959 = tpu.vector_load %arg9[%get3A_956, %get3A_957, %get3A_958] {strides = array<i32>} : memref<1x16x768xf32, #tpu.memory_space<vmem>>, vector<1x1x16xf32>,
          %get3A_960 = vector.shape_cast %get3A_959 : vector<1x1x16xf32> to vector<16xf32>
          %mul3A_961 = arith.mulf %get3A_960, %get3A_568 : vector<16xf32>
          %swap3A_962 = arith.constant 0 : i32
          %swap3A_963 = arith.index_cast %swap3A_962 : i32 to index
          %swap3A_964 = arith.index_cast %scan3A_589 : i32 to index
          %swap3A_965 = arith.constant 416 : index
          %swap3A_966 = tpu.vector_load %arg11[%swap3A_963, %swap3A_964, %swap3A_965] {strides = array<i32>} : memref<1x16x768xf32, #tpu.memory_space<vmem>>, vector<1x1x16xf32>,
          %swap3A_967 = vector.shape_cast %swap3A_966 : vector<1x1x16xf32> to vector<16xf32>
          %swap3A_968 = vector.shape_cast %mul3A_961 : vector<16xf32> to vector<1x1x16xf32>
          tpu.vector_store %arg11[%swap3A_963, %swap3A_964, %swap3A_965], %swap3A_968 {strides = array<i32>} : memref<1x16x768xf32, #tpu.memory_space<vmem>>, vector<1x1x16xf32>,
          %get3A_969 = arith.constant 0 : i32
          %get3A_970 = arith.index_cast %get3A_969 : i32 to index
          %get3A_971 = arith.index_cast %scan3A_589 : i32 to index
          %get3A_972 = arith.constant 432 : index
          %get3A_973 = tpu.vector_load %arg9[%get3A_970, %get3A_971, %get3A_972] {strides = array<i32>} : memref<1x16x768xf32, #tpu.memory_space<vmem>>, vector<1x1x16xf32>,
          %get3A_974 = vector.shape_cast %get3A_973 : vector<1x1x16xf32> to vector<16xf32>
          %mul3A_975 = arith.mulf %get3A_974, %get3A_568 : vector<16xf32>
          %swap3A_976 = arith.constant 0 : i32
          %swap3A_977 = arith.index_cast %swap3A_976 : i32 to index
          %swap3A_978 = arith.index_cast %scan3A_589 : i32 to index
          %swap3A_979 = arith.constant 432 : index
          %swap3A_980 = tpu.vector_load %arg11[%swap3A_977, %swap3A_978, %swap3A_979] {strides = array<i32>} : memref<1x16x768xf32, #tpu.memory_space<vmem>>, vector<1x1x16xf32>,
          %swap3A_981 = vector.shape_cast %swap3A_980 : vector<1x1x16xf32> to vector<16xf32>
          %swap3A_982 = vector.shape_cast %mul3A_975 : vector<16xf32> to vector<1x1x16xf32>
          tpu.vector_store %arg11[%swap3A_977, %swap3A_978, %swap3A_979], %swap3A_982 {strides = array<i32>} : memref<1x16x768xf32, #tpu.memory_space<vmem>>, vector<1x1x16xf32>,
          %get3A_983 = arith.constant 0 : i32
          %get3A_984 = arith.index_cast %get3A_983 : i32 to index
          %get3A_985 = arith.index_cast %scan3A_589 : i32 to index
          %get3A_986 = arith.constant 448 : index
          %get3A_987 = tpu.vector_load %arg9[%get3A_984, %get3A_985, %get3A_986] {strides = array<i32>} : memref<1x16x768xf32, #tpu.memory_space<vmem>>, vector<1x1x16xf32>,
          %get3A_988 = vector.shape_cast %get3A_987 : vector<1x1x16xf32> to vector<16xf32>
          %mul3A_989 = arith.mulf %get3A_988, %get3A_568 : vector<16xf32>
          %swap3A_990 = arith.constant 0 : i32
          %swap3A_991 = arith.index_cast %swap3A_990 : i32 to index
          %swap3A_992 = arith.index_cast %scan3A_589 : i32 to index
          %swap3A_993 = arith.constant 448 : index
          %swap3A_994 = tpu.vector_load %arg11[%swap3A_991, %swap3A_992, %swap3A_993] {strides = array<i32>} : memref<1x16x768xf32, #tpu.memory_space<vmem>>, vector<1x1x16xf32>,
          %swap3A_995 = vector.shape_cast %swap3A_994 : vector<1x1x16xf32> to vector<16xf32>
          %swap3A_996 = vector.shape_cast %mul3A_989 : vector<16xf32> to vector<1x1x16xf32>
          tpu.vector_store %arg11[%swap3A_991, %swap3A_992, %swap3A_993], %swap3A_996 {strides = array<i32>} : memref<1x16x768xf32, #tpu.memory_space<vmem>>, vector<1x1x16xf32>,
          %get3A_997 = arith.constant 0 : i32
          %get3A_998 = arith.index_cast %get3A_997 : i32 to index
          %get3A_999 = arith.index_cast %scan3A_589 : i32 to index
          %get3A_1000 = arith.constant 464 : index
          %get3A_1001 = tpu.vector_load %arg9[%get3A_998, %get3A_999, %get3A_1000] {strides = array<i32>} : memref<1x16x768xf32, #tpu.memory_space<vmem>>, vector<1x1x16xf32>,
          %get3A_1002 = vector.shape_cast %get3A_1001 : vector<1x1x16xf32> to vector<16xf32>
          %mul3A_1003 = arith.mulf %get3A_1002, %get3A_568 : vector<16xf32>
          %swap3A_1004 = arith.constant 0 : i32
          %swap3A_1005 = arith.index_cast %swap3A_1004 : i32 to index
          %swap3A_1006 = arith.index_cast %scan3A_589 : i32 to index
          %swap3A_1007 = arith.constant 464 : index
          %swap3A_1008 = tpu.vector_load %arg11[%swap3A_1005, %swap3A_1006, %swap3A_1007] {strides = array<i32>} : memref<1x16x768xf32, #tpu.memory_space<vmem>>, vector<1x1x16xf32>,
          %swap3A_1009 = vector.shape_cast %swap3A_1008 : vector<1x1x16xf32> to vector<16xf32>
          %swap3A_1010 = vector.shape_cast %mul3A_1003 : vector<16xf32> to vector<1x1x16xf32>
          tpu.vector_store %arg11[%swap3A_1005, %swap3A_1006, %swap3A_1007], %swap3A_1010 {strides = array<i32>} : memref<1x16x768xf32, #tpu.memory_space<vmem>>, vector<1x1x16xf32>,
          %get3A_1011 = arith.constant 0 : i32
          %get3A_1012 = arith.index_cast %get3A_1011 : i32 to index
          %get3A_1013 = arith.index_cast %scan3A_589 : i32 to index
          %get3A_1014 = arith.constant 480 : index
          %get3A_1015 = tpu.vector_load %arg9[%get3A_1012, %get3A_1013, %get3A_1014] {strides = array<i32>} : memref<1x16x768xf32, #tpu.memory_space<vmem>>, vector<1x1x16xf32>,
          %get3A_1016 = vector.shape_cast %get3A_1015 : vector<1x1x16xf32> to vector<16xf32>
          %mul3A_1017 = arith.mulf %get3A_1016, %get3A_568 : vector<16xf32>
          %swap3A_1018 = arith.constant 0 : i32
          %swap3A_1019 = arith.index_cast %swap3A_1018 : i32 to index
          %swap3A_1020 = arith.index_cast %scan3A_589 : i32 to index
          %swap3A_1021 = arith.constant 480 : index
          %swap3A_1022 = tpu.vector_load %arg11[%swap3A_1019, %swap3A_1020, %swap3A_1021] {strides = array<i32>} : memref<1x16x768xf32, #tpu.memory_space<vmem>>, vector<1x1x16xf32>,
          %swap3A_1023 = vector.shape_cast %swap3A_1022 : vector<1x1x16xf32> to vector<16xf32>
          %swap3A_1024 = vector.shape_cast %mul3A_1017 : vector<16xf32> to vector<1x1x16xf32>
          tpu.vector_store %arg11[%swap3A_1019, %swap3A_1020, %swap3A_1021], %swap3A_1024 {strides = array<i32>} : memref<1x16x768xf32, #tpu.memory_space<vmem>>, vector<1x1x16xf32>,
          %get3A_1025 = arith.constant 0 : i32
          %get3A_1026 = arith.index_cast %get3A_1025 : i32 to index
          %get3A_1027 = arith.index_cast %scan3A_589 : i32 to index
          %get3A_1028 = arith.constant 496 : index
          %get3A_1029 = tpu.vector_load %arg9[%get3A_1026, %get3A_1027, %get3A_1028] {strides = array<i32>} : memref<1x16x768xf32, #tpu.memory_space<vmem>>, vector<1x1x16xf32>,
          %get3A_1030 = vector.shape_cast %get3A_1029 : vector<1x1x16xf32> to vector<16xf32>
          %mul3A_1031 = arith.mulf %get3A_1030, %get3A_568 : vector<16xf32>
          %swap3A_1032 = arith.constant 0 : i32
          %swap3A_1033 = arith.index_cast %swap3A_1032 : i32 to index
          %swap3A_1034 = arith.index_cast %scan3A_589 : i32 to index
          %swap3A_1035 = arith.constant 496 : index
          %swap3A_1036 = tpu.vector_load %arg11[%swap3A_1033, %swap3A_1034, %swap3A_1035] {strides = array<i32>} : memref<1x16x768xf32, #tpu.memory_space<vmem>>, vector<1x1x16xf32>,
          %swap3A_1037 = vector.shape_cast %swap3A_1036 : vector<1x1x16xf32> to vector<16xf32>
          %swap3A_1038 = vector.shape_cast %mul3A_1031 : vector<16xf32> to vector<1x1x16xf32>
          tpu.vector_store %arg11[%swap3A_1033, %swap3A_1034, %swap3A_1035], %swap3A_1038 {strides = array<i32>} : memref<1x16x768xf32, #tpu.memory_space<vmem>>, vector<1x1x16xf32>,
          %get3A_1039 = arith.constant 0 : i32
          %get3A_1040 = arith.index_cast %get3A_1039 : i32 to index
          %get3A_1041 = arith.index_cast %scan3A_589 : i32 to index
          %get3A_1042 = arith.constant 512 : index
          %get3A_1043 = tpu.vector_load %arg9[%get3A_1040, %get3A_1041, %get3A_1042] {strides = array<i32>} : memref<1x16x768xf32, #tpu.memory_space<vmem>>, vector<1x1x16xf32>,
          %get3A_1044 = vector.shape_cast %get3A_1043 : vector<1x1x16xf32> to vector<16xf32>
          %mul3A_1045 = arith.mulf %get3A_1044, %get3A_568 : vector<16xf32>
          %swap3A_1046 = arith.constant 0 : i32
          %swap3A_1047 = arith.index_cast %swap3A_1046 : i32 to index
          %swap3A_1048 = arith.index_cast %scan3A_589 : i32 to index
          %swap3A_1049 = arith.constant 512 : index
          %swap3A_1050 = tpu.vector_load %arg11[%swap3A_1047, %swap3A_1048, %swap3A_1049] {strides = array<i32>} : memref<1x16x768xf32, #tpu.memory_space<vmem>>, vector<1x1x16xf32>,
          %swap3A_1051 = vector.shape_cast %swap3A_1050 : vector<1x1x16xf32> to vector<16xf32>
          %swap3A_1052 = vector.shape_cast %mul3A_1045 : vector<16xf32> to vector<1x1x16xf32>
          tpu.vector_store %arg11[%swap3A_1047, %swap3A_1048, %swap3A_1049], %swap3A_1052 {strides = array<i32>} : memref<1x16x768xf32, #tpu.memory_space<vmem>>, vector<1x1x16xf32>,
          %get3A_1053 = arith.constant 0 : i32
          %get3A_1054 = arith.index_cast %get3A_1053 : i32 to index
          %get3A_1055 = arith.index_cast %scan3A_589 : i32 to index
          %get3A_1056 = arith.constant 528 : index
          %get3A_1057 = tpu.vector_load %arg9[%get3A_1054, %get3A_1055, %get3A_1056] {strides = array<i32>} : memref<1x16x768xf32, #tpu.memory_space<vmem>>, vector<1x1x16xf32>,
          %get3A_1058 = vector.shape_cast %get3A_1057 : vector<1x1x16xf32> to vector<16xf32>
          %mul3A_1059 = arith.mulf %get3A_1058, %get3A_568 : vector<16xf32>
          %swap3A_1060 = arith.constant 0 : i32
          %swap3A_1061 = arith.index_cast %swap3A_1060 : i32 to index
          %swap3A_1062 = arith.index_cast %scan3A_589 : i32 to index
          %swap3A_1063 = arith.constant 528 : index
          %swap3A_1064 = tpu.vector_load %arg11[%swap3A_1061, %swap3A_1062, %swap3A_1063] {strides = array<i32>} : memref<1x16x768xf32, #tpu.memory_space<vmem>>, vector<1x1x16xf32>,
          %swap3A_1065 = vector.shape_cast %swap3A_1064 : vector<1x1x16xf32> to vector<16xf32>
          %swap3A_1066 = vector.shape_cast %mul3A_1059 : vector<16xf32> to vector<1x1x16xf32>
          tpu.vector_store %arg11[%swap3A_1061, %swap3A_1062, %swap3A_1063], %swap3A_1066 {strides = array<i32>} : memref<1x16x768xf32, #tpu.memory_space<vmem>>, vector<1x1x16xf32>,
          %get3A_1067 = arith.constant 0 : i32
          %get3A_1068 = arith.index_cast %get3A_1067 : i32 to index
          %get3A_1069 = arith.index_cast %scan3A_589 : i32 to index
          %get3A_1070 = arith.constant 544 : index
          %get3A_1071 = tpu.vector_load %arg9[%get3A_1068, %get3A_1069, %get3A_1070] {strides = array<i32>} : memref<1x16x768xf32, #tpu.memory_space<vmem>>, vector<1x1x16xf32>,
          %get3A_1072 = vector.shape_cast %get3A_1071 : vector<1x1x16xf32> to vector<16xf32>
          %mul3A_1073 = arith.mulf %get3A_1072, %get3A_568 : vector<16xf32>
          %swap3A_1074 = arith.constant 0 : i32
          %swap3A_1075 = arith.index_cast %swap3A_1074 : i32 to index
          %swap3A_1076 = arith.index_cast %scan3A_589 : i32 to index
          %swap3A_1077 = arith.constant 544 : index
          %swap3A_1078 = tpu.vector_load %arg11[%swap3A_1075, %swap3A_1076, %swap3A_1077] {strides = array<i32>} : memref<1x16x768xf32, #tpu.memory_space<vmem>>, vector<1x1x16xf32>,
          %swap3A_1079 = vector.shape_cast %swap3A_1078 : vector<1x1x16xf32> to vector<16xf32>
          %swap3A_1080 = vector.shape_cast %mul3A_1073 : vector<16xf32> to vector<1x1x16xf32>
          tpu.vector_store %arg11[%swap3A_1075, %swap3A_1076, %swap3A_1077], %swap3A_1080 {strides = array<i32>} : memref<1x16x768xf32, #tpu.memory_space<vmem>>, vector<1x1x16xf32>,
          %get3A_1081 = arith.constant 0 : i32
          %get3A_1082 = arith.index_cast %get3A_1081 : i32 to index
          %get3A_1083 = arith.index_cast %scan3A_589 : i32 to index
          %get3A_1084 = arith.constant 560 : index
          %get3A_1085 = tpu.vector_load %arg9[%get3A_1082, %get3A_1083, %get3A_1084] {strides = array<i32>} : memref<1x16x768xf32, #tpu.memory_space<vmem>>, vector<1x1x16xf32>,
          %get3A_1086 = vector.shape_cast %get3A_1085 : vector<1x1x16xf32> to vector<16xf32>
          %mul3A_1087 = arith.mulf %get3A_1086, %get3A_568 : vector<16xf32>
          %swap3A_1088 = arith.constant 0 : i32
          %swap3A_1089 = arith.index_cast %swap3A_1088 : i32 to index
          %swap3A_1090 = arith.index_cast %scan3A_589 : i32 to index
          %swap3A_1091 = arith.constant 560 : index
          %swap3A_1092 = tpu.vector_load %arg11[%swap3A_1089, %swap3A_1090, %swap3A_1091] {strides = array<i32>} : memref<1x16x768xf32, #tpu.memory_space<vmem>>, vector<1x1x16xf32>,
          %swap3A_1093 = vector.shape_cast %swap3A_1092 : vector<1x1x16xf32> to vector<16xf32>
          %swap3A_1094 = vector.shape_cast %mul3A_1087 : vector<16xf32> to vector<1x1x16xf32>
          tpu.vector_store %arg11[%swap3A_1089, %swap3A_1090, %swap3A_1091], %swap3A_1094 {strides = array<i32>} : memref<1x16x768xf32, #tpu.memory_space<vmem>>, vector<1x1x16xf32>,
          %get3A_1095 = arith.constant 0 : i32
          %get3A_1096 = arith.index_cast %get3A_1095 : i32 to index
          %get3A_1097 = arith.index_cast %scan3A_589 : i32 to index
          %get3A_1098 = arith.constant 576 : index
          %get3A_1099 = tpu.vector_load %arg9[%get3A_1096, %get3A_1097, %get3A_1098] {strides = array<i32>} : memref<1x16x768xf32, #tpu.memory_space<vmem>>, vector<1x1x16xf32>,
          %get3A_1100 = vector.shape_cast %get3A_1099 : vector<1x1x16xf32> to vector<16xf32>
          %mul3A_1101 = arith.mulf %get3A_1100, %get3A_568 : vector<16xf32>
          %swap3A_1102 = arith.constant 0 : i32
          %swap3A_1103 = arith.index_cast %swap3A_1102 : i32 to index
          %swap3A_1104 = arith.index_cast %scan3A_589 : i32 to index
          %swap3A_1105 = arith.constant 576 : index
          %swap3A_1106 = tpu.vector_load %arg11[%swap3A_1103, %swap3A_1104, %swap3A_1105] {strides = array<i32>} : memref<1x16x768xf32, #tpu.memory_space<vmem>>, vector<1x1x16xf32>,
          %swap3A_1107 = vector.shape_cast %swap3A_1106 : vector<1x1x16xf32> to vector<16xf32>
          %swap3A_1108 = vector.shape_cast %mul3A_1101 : vector<16xf32> to vector<1x1x16xf32>
          tpu.vector_store %arg11[%swap3A_1103, %swap3A_1104, %swap3A_1105], %swap3A_1108 {strides = array<i32>} : memref<1x16x768xf32, #tpu.memory_space<vmem>>, vector<1x1x16xf32>,
          %get3A_1109 = arith.constant 0 : i32
          %get3A_1110 = arith.index_cast %get3A_1109 : i32 to index
          %get3A_1111 = arith.index_cast %scan3A_589 : i32 to index
          %get3A_1112 = arith.constant 592 : index
          %get3A_1113 = tpu.vector_load %arg9[%get3A_1110, %get3A_1111, %get3A_1112] {strides = array<i32>} : memref<1x16x768xf32, #tpu.memory_space<vmem>>, vector<1x1x16xf32>,
          %get3A_1114 = vector.shape_cast %get3A_1113 : vector<1x1x16xf32> to vector<16xf32>
          %mul3A_1115 = arith.mulf %get3A_1114, %get3A_568 : vector<16xf32>
          %swap3A_1116 = arith.constant 0 : i32
          %swap3A_1117 = arith.index_cast %swap3A_1116 : i32 to index
          %swap3A_1118 = arith.index_cast %scan3A_589 : i32 to index
          %swap3A_1119 = arith.constant 592 : index
          %swap3A_1120 = tpu.vector_load %arg11[%swap3A_1117, %swap3A_1118, %swap3A_1119] {strides = array<i32>} : memref<1x16x768xf32, #tpu.memory_space<vmem>>, vector<1x1x16xf32>,
          %swap3A_1121 = vector.shape_cast %swap3A_1120 : vector<1x1x16xf32> to vector<16xf32>
          %swap3A_1122 = vector.shape_cast %mul3A_1115 : vector<16xf32> to vector<1x1x16xf32>
          tpu.vector_store %arg11[%swap3A_1117, %swap3A_1118, %swap3A_1119], %swap3A_1122 {strides = array<i32>} : memref<1x16x768xf32, #tpu.memory_space<vmem>>, vector<1x1x16xf32>,
          %get3A_1123 = arith.constant 0 : i32
          %get3A_1124 = arith.index_cast %get3A_1123 : i32 to index
          %get3A_1125 = arith.index_cast %scan3A_589 : i32 to index
          %get3A_1126 = arith.constant 608 : index
          %get3A_1127 = tpu.vector_load %arg9[%get3A_1124, %get3A_1125, %get3A_1126] {strides = array<i32>} : memref<1x16x768xf32, #tpu.memory_space<vmem>>, vector<1x1x16xf32>,
          %get3A_1128 = vector.shape_cast %get3A_1127 : vector<1x1x16xf32> to vector<16xf32>
          %mul3A_1129 = arith.mulf %get3A_1128, %get3A_568 : vector<16xf32>
          %swap3A_1130 = arith.constant 0 : i32
          %swap3A_1131 = arith.index_cast %swap3A_1130 : i32 to index
          %swap3A_1132 = arith.index_cast %scan3A_589 : i32 to index
          %swap3A_1133 = arith.constant 608 : index
          %swap3A_1134 = tpu.vector_load %arg11[%swap3A_1131, %swap3A_1132, %swap3A_1133] {strides = array<i32>} : memref<1x16x768xf32, #tpu.memory_space<vmem>>, vector<1x1x16xf32>,
          %swap3A_1135 = vector.shape_cast %swap3A_1134 : vector<1x1x16xf32> to vector<16xf32>
          %swap3A_1136 = vector.shape_cast %mul3A_1129 : vector<16xf32> to vector<1x1x16xf32>
          tpu.vector_store %arg11[%swap3A_1131, %swap3A_1132, %swap3A_1133], %swap3A_1136 {strides = array<i32>} : memref<1x16x768xf32, #tpu.memory_space<vmem>>, vector<1x1x16xf32>,
          %get3A_1137 = arith.constant 0 : i32
          %get3A_1138 = arith.index_cast %get3A_1137 : i32 to index
          %get3A_1139 = arith.index_cast %scan3A_589 : i32 to index
          %get3A_1140 = arith.constant 624 : index
          %get3A_1141 = tpu.vector_load %arg9[%get3A_1138, %get3A_1139, %get3A_1140] {strides = array<i32>} : memref<1x16x768xf32, #tpu.memory_space<vmem>>, vector<1x1x16xf32>,
          %get3A_1142 = vector.shape_cast %get3A_1141 : vector<1x1x16xf32> to vector<16xf32>
          %mul3A_1143 = arith.mulf %get3A_1142, %get3A_568 : vector<16xf32>
          %swap3A_1144 = arith.constant 0 : i32
          %swap3A_1145 = arith.index_cast %swap3A_1144 : i32 to index
          %swap3A_1146 = arith.index_cast %scan3A_589 : i32 to index
          %swap3A_1147 = arith.constant 624 : index
          %swap3A_1148 = tpu.vector_load %arg11[%swap3A_1145, %swap3A_1146, %swap3A_1147] {strides = array<i32>} : memref<1x16x768xf32, #tpu.memory_space<vmem>>, vector<1x1x16xf32>,
          %swap3A_1149 = vector.shape_cast %swap3A_1148 : vector<1x1x16xf32> to vector<16xf32>
          %swap3A_1150 = vector.shape_cast %mul3A_1143 : vector<16xf32> to vector<1x1x16xf32>
          tpu.vector_store %arg11[%swap3A_1145, %swap3A_1146, %swap3A_1147], %swap3A_1150 {strides = array<i32>} : memref<1x16x768xf32, #tpu.memory_space<vmem>>, vector<1x1x16xf32>,
          %get3A_1151 = arith.constant 0 : i32
          %get3A_1152 = arith.index_cast %get3A_1151 : i32 to index
          %get3A_1153 = arith.index_cast %scan3A_589 : i32 to index
          %get3A_1154 = arith.constant 640 : index
          %get3A_1155 = tpu.vector_load %arg9[%get3A_1152, %get3A_1153, %get3A_1154] {strides = array<i32>} : memref<1x16x768xf32, #tpu.memory_space<vmem>>, vector<1x1x16xf32>,
          %get3A_1156 = vector.shape_cast %get3A_1155 : vector<1x1x16xf32> to vector<16xf32>
          %mul3A_1157 = arith.mulf %get3A_1156, %get3A_568 : vector<16xf32>
          %swap3A_1158 = arith.constant 0 : i32
          %swap3A_1159 = arith.index_cast %swap3A_1158 : i32 to index
          %swap3A_1160 = arith.index_cast %scan3A_589 : i32 to index
          %swap3A_1161 = arith.constant 640 : index
          %swap3A_1162 = tpu.vector_load %arg11[%swap3A_1159, %swap3A_1160, %swap3A_1161] {strides = array<i32>} : memref<1x16x768xf32, #tpu.memory_space<vmem>>, vector<1x1x16xf32>,
          %swap3A_1163 = vector.shape_cast %swap3A_1162 : vector<1x1x16xf32> to vector<16xf32>
          %swap3A_1164 = vector.shape_cast %mul3A_1157 : vector<16xf32> to vector<1x1x16xf32>
          tpu.vector_store %arg11[%swap3A_1159, %swap3A_1160, %swap3A_1161], %swap3A_1164 {strides = array<i32>} : memref<1x16x768xf32, #tpu.memory_space<vmem>>, vector<1x1x16xf32>,
          %get3A_1165 = arith.constant 0 : i32
          %get3A_1166 = arith.index_cast %get3A_1165 : i32 to index
          %get3A_1167 = arith.index_cast %scan3A_589 : i32 to index
          %get3A_1168 = arith.constant 656 : index
          %get3A_1169 = tpu.vector_load %arg9[%get3A_1166, %get3A_1167, %get3A_1168] {strides = array<i32>} : memref<1x16x768xf32, #tpu.memory_space<vmem>>, vector<1x1x16xf32>,
          %get3A_1170 = vector.shape_cast %get3A_1169 : vector<1x1x16xf32> to vector<16xf32>
          %mul3A_1171 = arith.mulf %get3A_1170, %get3A_568 : vector<16xf32>
          %swap3A_1172 = arith.constant 0 : i32
          %swap3A_1173 = arith.index_cast %swap3A_1172 : i32 to index
          %swap3A_1174 = arith.index_cast %scan3A_589 : i32 to index
          %swap3A_1175 = arith.constant 656 : index
          %swap3A_1176 = tpu.vector_load %arg11[%swap3A_1173, %swap3A_1174, %swap3A_1175] {strides = array<i32>} : memref<1x16x768xf32, #tpu.memory_space<vmem>>, vector<1x1x16xf32>,
          %swap3A_1177 = vector.shape_cast %swap3A_1176 : vector<1x1x16xf32> to vector<16xf32>
          %swap3A_1178 = vector.shape_cast %mul3A_1171 : vector<16xf32> to vector<1x1x16xf32>
          tpu.vector_store %arg11[%swap3A_1173, %swap3A_1174, %swap3A_1175], %swap3A_1178 {strides = array<i32>} : memref<1x16x768xf32, #tpu.memory_space<vmem>>, vector<1x1x16xf32>,
          %get3A_1179 = arith.constant 0 : i32
          %get3A_1180 = arith.index_cast %get3A_1179 : i32 to index
          %get3A_1181 = arith.index_cast %scan3A_589 : i32 to index
          %get3A_1182 = arith.constant 672 : index
          %get3A_1183 = tpu.vector_load %arg9[%get3A_1180, %get3A_1181, %get3A_1182] {strides = array<i32>} : memref<1x16x768xf32, #tpu.memory_space<vmem>>, vector<1x1x16xf32>,
          %get3A_1184 = vector.shape_cast %get3A_1183 : vector<1x1x16xf32> to vector<16xf32>
          %mul3A_1185 = arith.mulf %get3A_1184, %get3A_568 : vector<16xf32>
          %swap3A_1186 = arith.constant 0 : i32
          %swap3A_1187 = arith.index_cast %swap3A_1186 : i32 to index
          %swap3A_1188 = arith.index_cast %scan3A_589 : i32 to index
          %swap3A_1189 = arith.constant 672 : index
          %swap3A_1190 = tpu.vector_load %arg11[%swap3A_1187, %swap3A_1188, %swap3A_1189] {strides = array<i32>} : memref<1x16x768xf32, #tpu.memory_space<vmem>>, vector<1x1x16xf32>,
          %swap3A_1191 = vector.shape_cast %swap3A_1190 : vector<1x1x16xf32> to vector<16xf32>
          %swap3A_1192 = vector.shape_cast %mul3A_1185 : vector<16xf32> to vector<1x1x16xf32>
          tpu.vector_store %arg11[%swap3A_1187, %swap3A_1188, %swap3A_1189], %swap3A_1192 {strides = array<i32>} : memref<1x16x768xf32, #tpu.memory_space<vmem>>, vector<1x1x16xf32>,
          %get3A_1193 = arith.constant 0 : i32
          %get3A_1194 = arith.index_cast %get3A_1193 : i32 to index
          %get3A_1195 = arith.index_cast %scan3A_589 : i32 to index
          %get3A_1196 = arith.constant 688 : index
          %get3A_1197 = tpu.vector_load %arg9[%get3A_1194, %get3A_1195, %get3A_1196] {strides = array<i32>} : memref<1x16x768xf32, #tpu.memory_space<vmem>>, vector<1x1x16xf32>,
          %get3A_1198 = vector.shape_cast %get3A_1197 : vector<1x1x16xf32> to vector<16xf32>
          %mul3A_1199 = arith.mulf %get3A_1198, %get3A_568 : vector<16xf32>
          %swap3A_1200 = arith.constant 0 : i32
          %swap3A_1201 = arith.index_cast %swap3A_1200 : i32 to index
          %swap3A_1202 = arith.index_cast %scan3A_589 : i32 to index
          %swap3A_1203 = arith.constant 688 : index
          %swap3A_1204 = tpu.vector_load %arg11[%swap3A_1201, %swap3A_1202, %swap3A_1203] {strides = array<i32>} : memref<1x16x768xf32, #tpu.memory_space<vmem>>, vector<1x1x16xf32>,
          %swap3A_1205 = vector.shape_cast %swap3A_1204 : vector<1x1x16xf32> to vector<16xf32>
          %swap3A_1206 = vector.shape_cast %mul3A_1199 : vector<16xf32> to vector<1x1x16xf32>
          tpu.vector_store %arg11[%swap3A_1201, %swap3A_1202, %swap3A_1203], %swap3A_1206 {strides = array<i32>} : memref<1x16x768xf32, #tpu.memory_space<vmem>>, vector<1x1x16xf32>,
          %get3A_1207 = arith.constant 0 : i32
          %get3A_1208 = arith.index_cast %get3A_1207 : i32 to index
          %get3A_1209 = arith.index_cast %scan3A_589 : i32 to index
          %get3A_1210 = arith.constant 704 : index
          %get3A_1211 = tpu.vector_load %arg9[%get3A_1208, %get3A_1209, %get3A_1210] {strides = array<i32>} : memref<1x16x768xf32, #tpu.memory_space<vmem>>, vector<1x1x16xf32>,
          %get3A_1212 = vector.shape_cast %get3A_1211 : vector<1x1x16xf32> to vector<16xf32>
          %mul3A_1213 = arith.mulf %get3A_1212, %get3A_568 : vector<16xf32>
          %swap3A_1214 = arith.constant 0 : i32
          %swap3A_1215 = arith.index_cast %swap3A_1214 : i32 to index
          %swap3A_1216 = arith.index_cast %scan3A_589 : i32 to index
          %swap3A_1217 = arith.constant 704 : index
          %swap3A_1218 = tpu.vector_load %arg11[%swap3A_1215, %swap3A_1216, %swap3A_1217] {strides = array<i32>} : memref<1x16x768xf32, #tpu.memory_space<vmem>>, vector<1x1x16xf32>,
          %swap3A_1219 = vector.shape_cast %swap3A_1218 : vector<1x1x16xf32> to vector<16xf32>
          %swap3A_1220 = vector.shape_cast %mul3A_1213 : vector<16xf32> to vector<1x1x16xf32>
          tpu.vector_store %arg11[%swap3A_1215, %swap3A_1216, %swap3A_1217], %swap3A_1220 {strides = array<i32>} : memref<1x16x768xf32, #tpu.memory_space<vmem>>, vector<1x1x16xf32>,
          %get3A_1221 = arith.constant 0 : i32
          %get3A_1222 = arith.index_cast %get3A_1221 : i32 to index
          %get3A_1223 = arith.index_cast %scan3A_589 : i32 to index
          %get3A_1224 = arith.constant 720 : index
          %get3A_1225 = tpu.vector_load %arg9[%get3A_1222, %get3A_1223, %get3A_1224] {strides = array<i32>} : memref<1x16x768xf32, #tpu.memory_space<vmem>>, vector<1x1x16xf32>,
          %get3A_1226 = vector.shape_cast %get3A_1225 : vector<1x1x16xf32> to vector<16xf32>
          %mul3A_1227 = arith.mulf %get3A_1226, %get3A_568 : vector<16xf32>
          %swap3A_1228 = arith.constant 0 : i32
          %swap3A_1229 = arith.index_cast %swap3A_1228 : i32 to index
          %swap3A_1230 = arith.index_cast %scan3A_589 : i32 to index
          %swap3A_1231 = arith.constant 720 : index
          %swap3A_1232 = tpu.vector_load %arg11[%swap3A_1229, %swap3A_1230, %swap3A_1231] {strides = array<i32>} : memref<1x16x768xf32, #tpu.memory_space<vmem>>, vector<1x1x16xf32>,
          %swap3A_1233 = vector.shape_cast %swap3A_1232 : vector<1x1x16xf32> to vector<16xf32>
          %swap3A_1234 = vector.shape_cast %mul3A_1227 : vector<16xf32> to vector<1x1x16xf32>
          tpu.vector_store %arg11[%swap3A_1229, %swap3A_1230, %swap3A_1231], %swap3A_1234 {strides = array<i32>} : memref<1x16x768xf32, #tpu.memory_space<vmem>>, vector<1x1x16xf32>,
          %get3A_1235 = arith.constant 0 : i32
          %get3A_1236 = arith.index_cast %get3A_1235 : i32 to index
          %get3A_1237 = arith.index_cast %scan3A_589 : i32 to index
          %get3A_1238 = arith.constant 736 : index
          %get3A_1239 = tpu.vector_load %arg9[%get3A_1236, %get3A_1237, %get3A_1238] {strides = array<i32>} : memref<1x16x768xf32, #tpu.memory_space<vmem>>, vector<1x1x16xf32>,
          %get3A_1240 = vector.shape_cast %get3A_1239 : vector<1x1x16xf32> to vector<16xf32>
          %mul3A_1241 = arith.mulf %get3A_1240, %get3A_568 : vector<16xf32>
          %swap3A_1242 = arith.constant 0 : i32
          %swap3A_1243 = arith.index_cast %swap3A_1242 : i32 to index
          %swap3A_1244 = arith.index_cast %scan3A_589 : i32 to index
          %swap3A_1245 = arith.constant 736 : index
          %swap3A_1246 = tpu.vector_load %arg11[%swap3A_1243, %swap3A_1244, %swap3A_1245] {strides = array<i32>} : memref<1x16x768xf32, #tpu.memory_space<vmem>>, vector<1x1x16xf32>,
          %swap3A_1247 = vector.shape_cast %swap3A_1246 : vector<1x1x16xf32> to vector<16xf32>
          %swap3A_1248 = vector.shape_cast %mul3A_1241 : vector<16xf32> to vector<1x1x16xf32>
          tpu.vector_store %arg11[%swap3A_1243, %swap3A_1244, %swap3A_1245], %swap3A_1248 {strides = array<i32>} : memref<1x16x768xf32, #tpu.memory_space<vmem>>, vector<1x1x16xf32>,
          %get3A_1249 = arith.constant 0 : i32
          %get3A_1250 = arith.index_cast %get3A_1249 : i32 to index
          %get3A_1251 = arith.index_cast %scan3A_589 : i32 to index
          %get3A_1252 = arith.constant 752 : index
          %get3A_1253 = tpu.vector_load %arg9[%get3A_1250, %get3A_1251, %get3A_1252] {strides = array<i32>} : memref<1x16x768xf32, #tpu.memory_space<vmem>>, vector<1x1x16xf32>,
          %get3A_1254 = vector.shape_cast %get3A_1253 : vector<1x1x16xf32> to vector<16xf32>
          %mul3A_1255 = arith.mulf %get3A_1254, %get3A_568 : vector<16xf32>
          %swap3A_1256 = arith.constant 0 : i32
          %swap3A_1257 = arith.index_cast %swap3A_1256 : i32 to index
          %swap3A_1258 = arith.index_cast %scan3A_589 : i32 to index
          %swap3A_1259 = arith.constant 752 : index
          %swap3A_1260 = tpu.vector_load %arg11[%swap3A_1257, %swap3A_1258, %swap3A_1259] {strides = array<i32>} : memref<1x16x768xf32, #tpu.memory_space<vmem>>, vector<1x1x16xf32>,
          %swap3A_1261 = vector.shape_cast %swap3A_1260 : vector<1x1x16xf32> to vector<16xf32>
          %swap3A_1262 = vector.shape_cast %mul3A_1255 : vector<16xf32> to vector<1x1x16xf32>
          tpu.vector_store %arg11[%swap3A_1257, %swap3A_1258, %swap3A_1259], %swap3A_1262 {strides = array<i32>} : memref<1x16x768xf32, #tpu.memory_space<vmem>>, vector<1x1x16xf32>,
          %scan3A_1263 = arith.constant 0 : i32
          scf.yield %scan3A_1263 : i32
        }
        %scan3A_575 = arith.constant 16 : i32
        %eq3A = arith.constant 36 : i32
        %eq3A_576 = arith.cmpi eq, %add3A_496, %eq3A : i32
        %add3A_577 = arith.constant 1152 : i32
        %add3A_578 = arith.addi %add3A_577, %add3A : i32
        %mul3A_579 = arith.constant 36 : i32
        %mul3A_580 = arith.muli %add3A, %mul3A_579 : i32
        %add3A_581 = arith.addi %mul3A_580, %add3A_496 : i32
        %select_n3A_582 = arith.select %eq3A_576, %add3A_578, %add3A_581 : i32
        %dma_start3A_583 = arith.constant 0 : i32
        %dma_start3A_584 = arith.constant 0 : i32
        %dma_start3A_585 = tpu.memref_slice %arg5[%select_n3A_582, %dma_start3A_583, %dma_start3A_584] : memref<1154x16x768xf32, #tpu.memory_space<hbm>> -> memref<1x16x768xf32, #tpu.memory_space<hbm>>
        %dma_start3A_586 = arith.constant 0 : i32
        %dma_start3A_587 = arith.constant 0 : i32
        %dma_start3A_588 = tpu.memref_slice %arg5[%select_n3A_582, %dma_start3A_586, %dma_start3A_587] : memref<1154x16x768xf32, #tpu.memory_space<hbm>> -> memref<1x16x768xf32, #tpu.memory_space<hbm>>
        tpu.enqueue_dma source(%arg11 : memref<1x16x768xf32, #tpu.memory_space<vmem>>) target(%dma_start3A_588 : memref<1x16x768xf32, #tpu.memory_space<hbm>>) target_semaphore(%arg15 : memref<!tpu.dma_semaphore, #tpu.memory_space<semaphore_mem>>)
      } else {
      }
      %add3A_515 = arith.constant 2 : i32
      %add3A_516 = arith.addi %add3A_496, %add3A_515 : i32
      %mul3A_517 = arith.constant 8 : i32
      %mul3A_518 = arith.muli %mul3A_517, %add3A_516 : i32
      %multiple_of3A_519 = tpu.assume_multiple %mul3A_518, 8 : i32
      %dma_start3A_520 = arith.constant 0 : i32
      %dma_start3A_521 = tpu.memref_slice %arg6[%dma_start3A_520, %multiple_of3A_519] : memref<1x512xi32, #tpu.memory_space<vmem>> -> memref<1x1xi32, #tpu.memory_space<vmem>>
      %dma_start3A_522 = tpu.memref_squeeze %dma_start3A_521 : memref<1x1xi32, #tpu.memory_space<vmem>> -> memref<1xi32, #tpu.memory_space<vmem>>
      %dma_start3A_523 = arith.constant 0 : i32
      %dma_start3A_524 = arith.constant 0 : i32
      %dma_start3A_525 = arith.constant 0 : i32
      %dma_start3A_526 = tpu.memref_slice %arg2[%dma_start3A_523, %dma_start3A_524, %dma_start3A_525] : memref<1154x16x768xf32, #tpu.memory_space<hbm>> -> memref<1154x16x768xf32, #tpu.memory_space<hbm>>
      tpu.enqueue_indirect_dma source(%dma_start3A_526 : memref<1154x16x768xf32, #tpu.memory_space<hbm>>) target(%arg9 : memref<1x16x768xf32, #tpu.memory_space<vmem>>) offsets(%dma_start3A_522 : memref<1xi32, #tpu.memory_space<vmem>>) semaphore(%arg13 : memref<!tpu.dma_semaphore, #tpu.memory_space<semaphore_mem>>)
      %mul3A_527 = arith.constant 2 : i32
      %mul3A_528 = arith.muli %scan3A_491, %mul3A_527 : i32
      %add3A_529 = arith.constant 1 : i32
      %add3A_530 = arith.addi %mul3A_528, %add3A_529 : i32
      %dma_wait3A_531 = arith.constant 0 : i32
      %dma_wait3A_532 = arith.constant 0 : i32
      %dma_wait3A_533 = tpu.memref_slice %arg6[%dma_wait3A_531, %dma_wait3A_532] : memref<1x512xi32, #tpu.memory_space<vmem>> -> memref<1x1xi32, #tpu.memory_space<vmem>>
      %dma_wait3A_534 = tpu.memref_squeeze %dma_wait3A_533 : memref<1x1xi32, #tpu.memory_space<vmem>> -> memref<1xi32, #tpu.memory_space<vmem>>
      %dma_wait3A_535 = arith.constant 0 : i32
      %dma_wait3A_536 = arith.constant 0 : i32
      %dma_wait3A_537 = arith.constant 0 : i32
      %dma_wait3A_538 = tpu.memref_slice %arg2[%dma_wait3A_535, %dma_wait3A_536, %dma_wait3A_537] : memref<1154x16x768xf32, #tpu.memory_space<hbm>> -> memref<1154x16x768xf32, #tpu.memory_space<hbm>>
      tpu.wait_indirect_dma semaphore(%arg14 : memref<!tpu.dma_semaphore, #tpu.memory_space<semaphore_mem>>) src(%dma_wait3A_538 : memref<1154x16x768xf32, #tpu.memory_space<hbm>>) dst(%arg10 : memref<1x16x768xf32, #tpu.memory_space<vmem>>)
      %ge3A_539 = arith.constant 2 : i32
      %ge3A_540 = arith.cmpi sge, %add3A_530, %ge3A_539 : i32
      %sub3A_541 = arith.constant 2 : i32
      %sub3A_542 = arith.subi %add3A_530, %sub3A_541 : i32
      %lt3A_543 = arith.cmpi slt, %sub3A_542, %add3A_4 : i32
      %and3A_544 = arith.andi %ge3A_540, %lt3A_543 : i1
      %convert_element_type3A_545 = arith.extui %and3A_544 : i1 to i32
      %cond3A_546 = arith.constant 0 : i32
      %cond3A_547 = arith.cmpi ne, %convert_element_type3A_545, %cond3A_546 : i32
      scf.if %cond3A_547 {
        %dma_wait3A_565 = arith.constant 0 : i32
        %dma_wait3A_566 = arith.constant 0 : i32
        %dma_wait3A_567 = arith.constant 0 : i32
        %dma_wait3A_568 = tpu.memref_slice %arg5[%dma_wait3A_565, %dma_wait3A_566, %dma_wait3A_567] : memref<1154x16x768xf32, #tpu.memory_space<hbm>> -> memref<1x16x768xf32, #tpu.memory_space<hbm>>
        %dma_wait3A_569 = arith.constant 0 : i32
        %dma_wait3A_570 = arith.constant 0 : i32
        %dma_wait3A_571 = arith.constant 0 : i32
        %dma_wait3A_572 = tpu.memref_slice %arg5[%dma_wait3A_569, %dma_wait3A_570, %dma_wait3A_571] : memref<1154x16x768xf32, #tpu.memory_space<hbm>> -> memref<1x16x768xf32, #tpu.memory_space<hbm>>
        tpu.wait_dma2 semaphore(%arg16 : memref<!tpu.dma_semaphore, #tpu.memory_space<semaphore_mem>>) src(%arg12 : memref<1x16x768xf32, #tpu.memory_space<vmem>>) dst(%dma_wait3A_572 : memref<1x16x768xf32, #tpu.memory_space<hbm>>)
      } else {
      }
      %lt3A_548 = arith.cmpi slt, %add3A_530, %add3A_4 : i32
      %convert_element_type3A_549 = arith.extui %lt3A_548 : i1 to i32
      %cond3A_550 = arith.constant 0 : i32
      %cond3A_551 = arith.cmpi ne, %convert_element_type3A_549, %cond3A_550 : i32
      scf.if %cond3A_551 {
        %get3A_565 = arith.index_cast %add3A_530 : i32 to index
        %get3A_566 = arith.constant 0 : index
        %get3A_567 = tpu.vector_load %arg8[%get3A_565, %get3A_566] {strides = array<i32>} : memref<48x16xf32, #tpu.memory_space<vmem>>, vector<1x16xf32>,
        %get3A_568 = vector.shape_cast %get3A_567 : vector<1x16xf32> to vector<16xf32>
        %scan3A_569 = arith.constant 0 : i32
        %scan3A_570 = arith.constant 0 : i32
        %scan3A_571 = arith.constant 16 : i32
        %scan3A_572 = arith.addi %scan3A_570, %scan3A_571 : i32
        %scan3A_573 = arith.constant 1 : i32
        %scan3A_574 = scf.for %scan3A_589 = %scan3A_570 to %scan3A_572 step %scan3A_573 iter_args(%scan3A_590 = %scan3A_569) -> (i32)  : i32 {
          %get3A_591 = arith.constant 0 : i32
          %get3A_592 = arith.index_cast %get3A_591 : i32 to index
          %get3A_593 = arith.index_cast %scan3A_589 : i32 to index
          %get3A_594 = arith.constant 0 : index
          %get3A_595 = tpu.vector_load %arg10[%get3A_592, %get3A_593, %get3A_594] {strides = array<i32>} : memref<1x16x768xf32, #tpu.memory_space<vmem>>, vector<1x1x16xf32>,
          %get3A_596 = vector.shape_cast %get3A_595 : vector<1x1x16xf32> to vector<16xf32>
          %mul3A_597 = arith.mulf %get3A_596, %get3A_568 : vector<16xf32>
          %swap3A_598 = arith.constant 0 : i32
          %swap3A_599 = arith.index_cast %swap3A_598 : i32 to index
          %swap3A_600 = arith.index_cast %scan3A_589 : i32 to index
          %swap3A_601 = arith.constant 0 : index
          %swap3A_602 = tpu.vector_load %arg12[%swap3A_599, %swap3A_600, %swap3A_601] {strides = array<i32>} : memref<1x16x768xf32, #tpu.memory_space<vmem>>, vector<1x1x16xf32>,
          %swap3A_603 = vector.shape_cast %swap3A_602 : vector<1x1x16xf32> to vector<16xf32>
          %swap3A_604 = vector.shape_cast %mul3A_597 : vector<16xf32> to vector<1x1x16xf32>
          tpu.vector_store %arg12[%swap3A_599, %swap3A_600, %swap3A_601], %swap3A_604 {strides = array<i32>} : memref<1x16x768xf32, #tpu.memory_space<vmem>>, vector<1x1x16xf32>,
          %get3A_605 = arith.constant 0 : i32
          %get3A_606 = arith.index_cast %get3A_605 : i32 to index
          %get3A_607 = arith.index_cast %scan3A_589 : i32 to index
          %get3A_608 = arith.constant 16 : index
          %get3A_609 = tpu.vector_load %arg10[%get3A_606, %get3A_607, %get3A_608] {strides = array<i32>} : memref<1x16x768xf32, #tpu.memory_space<vmem>>, vector<1x1x16xf32>,
          %get3A_610 = vector.shape_cast %get3A_609 : vector<1x1x16xf32> to vector<16xf32>
          %mul3A_611 = arith.mulf %get3A_610, %get3A_568 : vector<16xf32>
          %swap3A_612 = arith.constant 0 : i32
          %swap3A_613 = arith.index_cast %swap3A_612 : i32 to index
          %swap3A_614 = arith.index_cast %scan3A_589 : i32 to index
          %swap3A_615 = arith.constant 16 : index
          %swap3A_616 = tpu.vector_load %arg12[%swap3A_613, %swap3A_614, %swap3A_615] {strides = array<i32>} : memref<1x16x768xf32, #tpu.memory_space<vmem>>, vector<1x1x16xf32>,
          %swap3A_617 = vector.shape_cast %swap3A_616 : vector<1x1x16xf32> to vector<16xf32>
          %swap3A_618 = vector.shape_cast %mul3A_611 : vector<16xf32> to vector<1x1x16xf32>
          tpu.vector_store %arg12[%swap3A_613, %swap3A_614, %swap3A_615], %swap3A_618 {strides = array<i32>} : memref<1x16x768xf32, #tpu.memory_space<vmem>>, vector<1x1x16xf32>,
          %get3A_619 = arith.constant 0 : i32
          %get3A_620 = arith.index_cast %get3A_619 : i32 to index
          %get3A_621 = arith.index_cast %scan3A_589 : i32 to index
          %get3A_622 = arith.constant 32 : index
          %get3A_623 = tpu.vector_load %arg10[%get3A_620, %get3A_621, %get3A_622] {strides = array<i32>} : memref<1x16x768xf32, #tpu.memory_space<vmem>>, vector<1x1x16xf32>,
          %get3A_624 = vector.shape_cast %get3A_623 : vector<1x1x16xf32> to vector<16xf32>
          %mul3A_625 = arith.mulf %get3A_624, %get3A_568 : vector<16xf32>
          %swap3A_626 = arith.constant 0 : i32
          %swap3A_627 = arith.index_cast %swap3A_626 : i32 to index
          %swap3A_628 = arith.index_cast %scan3A_589 : i32 to index
          %swap3A_629 = arith.constant 32 : index
          %swap3A_630 = tpu.vector_load %arg12[%swap3A_627, %swap3A_628, %swap3A_629] {strides = array<i32>} : memref<1x16x768xf32, #tpu.memory_space<vmem>>, vector<1x1x16xf32>,
          %swap3A_631 = vector.shape_cast %swap3A_630 : vector<1x1x16xf32> to vector<16xf32>
          %swap3A_632 = vector.shape_cast %mul3A_625 : vector<16xf32> to vector<1x1x16xf32>
          tpu.vector_store %arg12[%swap3A_627, %swap3A_628, %swap3A_629], %swap3A_632 {strides = array<i32>} : memref<1x16x768xf32, #tpu.memory_space<vmem>>, vector<1x1x16xf32>,
          %get3A_633 = arith.constant 0 : i32
          %get3A_634 = arith.index_cast %get3A_633 : i32 to index
          %get3A_635 = arith.index_cast %scan3A_589 : i32 to index
          %get3A_636 = arith.constant 48 : index
          %get3A_637 = tpu.vector_load %arg10[%get3A_634, %get3A_635, %get3A_636] {strides = array<i32>} : memref<1x16x768xf32, #tpu.memory_space<vmem>>, vector<1x1x16xf32>,
          %get3A_638 = vector.shape_cast %get3A_637 : vector<1x1x16xf32> to vector<16xf32>
          %mul3A_639 = arith.mulf %get3A_638, %get3A_568 : vector<16xf32>
          %swap3A_640 = arith.constant 0 : i32
          %swap3A_641 = arith.index_cast %swap3A_640 : i32 to index
          %swap3A_642 = arith.index_cast %scan3A_589 : i32 to index
          %swap3A_643 = arith.constant 48 : index
          %swap3A_644 = tpu.vector_load %arg12[%swap3A_641, %swap3A_642, %swap3A_643] {strides = array<i32>} : memref<1x16x768xf32, #tpu.memory_space<vmem>>, vector<1x1x16xf32>,
          %swap3A_645 = vector.shape_cast %swap3A_644 : vector<1x1x16xf32> to vector<16xf32>
          %swap3A_646 = vector.shape_cast %mul3A_639 : vector<16xf32> to vector<1x1x16xf32>
          tpu.vector_store %arg12[%swap3A_641, %swap3A_642, %swap3A_643], %swap3A_646 {strides = array<i32>} : memref<1x16x768xf32, #tpu.memory_space<vmem>>, vector<1x1x16xf32>,
          %get3A_647 = arith.constant 0 : i32
          %get3A_648 = arith.index_cast %get3A_647 : i32 to index
          %get3A_649 = arith.index_cast %scan3A_589 : i32 to index
          %get3A_650 = arith.constant 64 : index
          %get3A_651 = tpu.vector_load %arg10[%get3A_648, %get3A_649, %get3A_650] {strides = array<i32>} : memref<1x16x768xf32, #tpu.memory_space<vmem>>, vector<1x1x16xf32>,
          %get3A_652 = vector.shape_cast %get3A_651 : vector<1x1x16xf32> to vector<16xf32>
          %mul3A_653 = arith.mulf %get3A_652, %get3A_568 : vector<16xf32>
          %swap3A_654 = arith.constant 0 : i32
          %swap3A_655 = arith.index_cast %swap3A_654 : i32 to index
          %swap3A_656 = arith.index_cast %scan3A_589 : i32 to index
          %swap3A_657 = arith.constant 64 : index
          %swap3A_658 = tpu.vector_load %arg12[%swap3A_655, %swap3A_656, %swap3A_657] {strides = array<i32>} : memref<1x16x768xf32, #tpu.memory_space<vmem>>, vector<1x1x16xf32>,
          %swap3A_659 = vector.shape_cast %swap3A_658 : vector<1x1x16xf32> to vector<16xf32>
          %swap3A_660 = vector.shape_cast %mul3A_653 : vector<16xf32> to vector<1x1x16xf32>
          tpu.vector_store %arg12[%swap3A_655, %swap3A_656, %swap3A_657], %swap3A_660 {strides = array<i32>} : memref<1x16x768xf32, #tpu.memory_space<vmem>>, vector<1x1x16xf32>,
          %get3A_661 = arith.constant 0 : i32
          %get3A_662 = arith.index_cast %get3A_661 : i32 to index
          %get3A_663 = arith.index_cast %scan3A_589 : i32 to index
          %get3A_664 = arith.constant 80 : index
          %get3A_665 = tpu.vector_load %arg10[%get3A_662, %get3A_663, %get3A_664] {strides = array<i32>} : memref<1x16x768xf32, #tpu.memory_space<vmem>>, vector<1x1x16xf32>,
          %get3A_666 = vector.shape_cast %get3A_665 : vector<1x1x16xf32> to vector<16xf32>
          %mul3A_667 = arith.mulf %get3A_666, %get3A_568 : vector<16xf32>
          %swap3A_668 = arith.constant 0 : i32
          %swap3A_669 = arith.index_cast %swap3A_668 : i32 to index
          %swap3A_670 = arith.index_cast %scan3A_589 : i32 to index
          %swap3A_671 = arith.constant 80 : index
          %swap3A_672 = tpu.vector_load %arg12[%swap3A_669, %swap3A_670, %swap3A_671] {strides = array<i32>} : memref<1x16x768xf32, #tpu.memory_space<vmem>>, vector<1x1x16xf32>,
          %swap3A_673 = vector.shape_cast %swap3A_672 : vector<1x1x16xf32> to vector<16xf32>
          %swap3A_674 = vector.shape_cast %mul3A_667 : vector<16xf32> to vector<1x1x16xf32>
          tpu.vector_store %arg12[%swap3A_669, %swap3A_670, %swap3A_671], %swap3A_674 {strides = array<i32>} : memref<1x16x768xf32, #tpu.memory_space<vmem>>, vector<1x1x16xf32>,
          %get3A_675 = arith.constant 0 : i32
          %get3A_676 = arith.index_cast %get3A_675 : i32 to index
          %get3A_677 = arith.index_cast %scan3A_589 : i32 to index
          %get3A_678 = arith.constant 96 : index
          %get3A_679 = tpu.vector_load %arg10[%get3A_676, %get3A_677, %get3A_678] {strides = array<i32>} : memref<1x16x768xf32, #tpu.memory_space<vmem>>, vector<1x1x16xf32>,
          %get3A_680 = vector.shape_cast %get3A_679 : vector<1x1x16xf32> to vector<16xf32>
          %mul3A_681 = arith.mulf %get3A_680, %get3A_568 : vector<16xf32>
          %swap3A_682 = arith.constant 0 : i32
          %swap3A_683 = arith.index_cast %swap3A_682 : i32 to index
          %swap3A_684 = arith.index_cast %scan3A_589 : i32 to index
          %swap3A_685 = arith.constant 96 : index
          %swap3A_686 = tpu.vector_load %arg12[%swap3A_683, %swap3A_684, %swap3A_685] {strides = array<i32>} : memref<1x16x768xf32, #tpu.memory_space<vmem>>, vector<1x1x16xf32>,
          %swap3A_687 = vector.shape_cast %swap3A_686 : vector<1x1x16xf32> to vector<16xf32>
          %swap3A_688 = vector.shape_cast %mul3A_681 : vector<16xf32> to vector<1x1x16xf32>
          tpu.vector_store %arg12[%swap3A_683, %swap3A_684, %swap3A_685], %swap3A_688 {strides = array<i32>} : memref<1x16x768xf32, #tpu.memory_space<vmem>>, vector<1x1x16xf32>,
          %get3A_689 = arith.constant 0 : i32
          %get3A_690 = arith.index_cast %get3A_689 : i32 to index
          %get3A_691 = arith.index_cast %scan3A_589 : i32 to index
          %get3A_692 = arith.constant 112 : index
          %get3A_693 = tpu.vector_load %arg10[%get3A_690, %get3A_691, %get3A_692] {strides = array<i32>} : memref<1x16x768xf32, #tpu.memory_space<vmem>>, vector<1x1x16xf32>,
          %get3A_694 = vector.shape_cast %get3A_693 : vector<1x1x16xf32> to vector<16xf32>
          %mul3A_695 = arith.mulf %get3A_694, %get3A_568 : vector<16xf32>
          %swap3A_696 = arith.constant 0 : i32
          %swap3A_697 = arith.index_cast %swap3A_696 : i32 to index
          %swap3A_698 = arith.index_cast %scan3A_589 : i32 to index
          %swap3A_699 = arith.constant 112 : index
          %swap3A_700 = tpu.vector_load %arg12[%swap3A_697, %swap3A_698, %swap3A_699] {strides = array<i32>} : memref<1x16x768xf32, #tpu.memory_space<vmem>>, vector<1x1x16xf32>,
          %swap3A_701 = vector.shape_cast %swap3A_700 : vector<1x1x16xf32> to vector<16xf32>
          %swap3A_702 = vector.shape_cast %mul3A_695 : vector<16xf32> to vector<1x1x16xf32>
          tpu.vector_store %arg12[%swap3A_697, %swap3A_698, %swap3A_699], %swap3A_702 {strides = array<i32>} : memref<1x16x768xf32, #tpu.memory_space<vmem>>, vector<1x1x16xf32>,
          %get3A_703 = arith.constant 0 : i32
          %get3A_704 = arith.index_cast %get3A_703 : i32 to index
          %get3A_705 = arith.index_cast %scan3A_589 : i32 to index
          %get3A_706 = arith.constant 128 : index
          %get3A_707 = tpu.vector_load %arg10[%get3A_704, %get3A_705, %get3A_706] {strides = array<i32>} : memref<1x16x768xf32, #tpu.memory_space<vmem>>, vector<1x1x16xf32>,
          %get3A_708 = vector.shape_cast %get3A_707 : vector<1x1x16xf32> to vector<16xf32>
          %mul3A_709 = arith.mulf %get3A_708, %get3A_568 : vector<16xf32>
          %swap3A_710 = arith.constant 0 : i32
          %swap3A_711 = arith.index_cast %swap3A_710 : i32 to index
          %swap3A_712 = arith.index_cast %scan3A_589 : i32 to index
          %swap3A_713 = arith.constant 128 : index
          %swap3A_714 = tpu.vector_load %arg12[%swap3A_711, %swap3A_712, %swap3A_713] {strides = array<i32>} : memref<1x16x768xf32, #tpu.memory_space<vmem>>, vector<1x1x16xf32>,
          %swap3A_715 = vector.shape_cast %swap3A_714 : vector<1x1x16xf32> to vector<16xf32>
          %swap3A_716 = vector.shape_cast %mul3A_709 : vector<16xf32> to vector<1x1x16xf32>
          tpu.vector_store %arg12[%swap3A_711, %swap3A_712, %swap3A_713], %swap3A_716 {strides = array<i32>} : memref<1x16x768xf32, #tpu.memory_space<vmem>>, vector<1x1x16xf32>,
          %get3A_717 = arith.constant 0 : i32
          %get3A_718 = arith.index_cast %get3A_717 : i32 to index
          %get3A_719 = arith.index_cast %scan3A_589 : i32 to index
          %get3A_720 = arith.constant 144 : index
          %get3A_721 = tpu.vector_load %arg10[%get3A_718, %get3A_719, %get3A_720] {strides = array<i32>} : memref<1x16x768xf32, #tpu.memory_space<vmem>>, vector<1x1x16xf32>,
          %get3A_722 = vector.shape_cast %get3A_721 : vector<1x1x16xf32> to vector<16xf32>
          %mul3A_723 = arith.mulf %get3A_722, %get3A_568 : vector<16xf32>
          %swap3A_724 = arith.constant 0 : i32
          %swap3A_725 = arith.index_cast %swap3A_724 : i32 to index
          %swap3A_726 = arith.index_cast %scan3A_589 : i32 to index
          %swap3A_727 = arith.constant 144 : index
          %swap3A_728 = tpu.vector_load %arg12[%swap3A_725, %swap3A_726, %swap3A_727] {strides = array<i32>} : memref<1x16x768xf32, #tpu.memory_space<vmem>>, vector<1x1x16xf32>,
          %swap3A_729 = vector.shape_cast %swap3A_728 : vector<1x1x16xf32> to vector<16xf32>
          %swap3A_730 = vector.shape_cast %mul3A_723 : vector<16xf32> to vector<1x1x16xf32>
          tpu.vector_store %arg12[%swap3A_725, %swap3A_726, %swap3A_727], %swap3A_730 {strides = array<i32>} : memref<1x16x768xf32, #tpu.memory_space<vmem>>, vector<1x1x16xf32>,
          %get3A_731 = arith.constant 0 : i32
          %get3A_732 = arith.index_cast %get3A_731 : i32 to index
          %get3A_733 = arith.index_cast %scan3A_589 : i32 to index
          %get3A_734 = arith.constant 160 : index
          %get3A_735 = tpu.vector_load %arg10[%get3A_732, %get3A_733, %get3A_734] {strides = array<i32>} : memref<1x16x768xf32, #tpu.memory_space<vmem>>, vector<1x1x16xf32>,
          %get3A_736 = vector.shape_cast %get3A_735 : vector<1x1x16xf32> to vector<16xf32>
          %mul3A_737 = arith.mulf %get3A_736, %get3A_568 : vector<16xf32>
          %swap3A_738 = arith.constant 0 : i32
          %swap3A_739 = arith.index_cast %swap3A_738 : i32 to index
          %swap3A_740 = arith.index_cast %scan3A_589 : i32 to index
          %swap3A_741 = arith.constant 160 : index
          %swap3A_742 = tpu.vector_load %arg12[%swap3A_739, %swap3A_740, %swap3A_741] {strides = array<i32>} : memref<1x16x768xf32, #tpu.memory_space<vmem>>, vector<1x1x16xf32>,
          %swap3A_743 = vector.shape_cast %swap3A_742 : vector<1x1x16xf32> to vector<16xf32>
          %swap3A_744 = vector.shape_cast %mul3A_737 : vector<16xf32> to vector<1x1x16xf32>
          tpu.vector_store %arg12[%swap3A_739, %swap3A_740, %swap3A_741], %swap3A_744 {strides = array<i32>} : memref<1x16x768xf32, #tpu.memory_space<vmem>>, vector<1x1x16xf32>,
          %get3A_745 = arith.constant 0 : i32
          %get3A_746 = arith.index_cast %get3A_745 : i32 to index
          %get3A_747 = arith.index_cast %scan3A_589 : i32 to index
          %get3A_748 = arith.constant 176 : index
          %get3A_749 = tpu.vector_load %arg10[%get3A_746, %get3A_747, %get3A_748] {strides = array<i32>} : memref<1x16x768xf32, #tpu.memory_space<vmem>>, vector<1x1x16xf32>,
          %get3A_750 = vector.shape_cast %get3A_749 : vector<1x1x16xf32> to vector<16xf32>
          %mul3A_751 = arith.mulf %get3A_750, %get3A_568 : vector<16xf32>
          %swap3A_752 = arith.constant 0 : i32
          %swap3A_753 = arith.index_cast %swap3A_752 : i32 to index
          %swap3A_754 = arith.index_cast %scan3A_589 : i32 to index
          %swap3A_755 = arith.constant 176 : index
          %swap3A_756 = tpu.vector_load %arg12[%swap3A_753, %swap3A_754, %swap3A_755] {strides = array<i32>} : memref<1x16x768xf32, #tpu.memory_space<vmem>>, vector<1x1x16xf32>,
          %swap3A_757 = vector.shape_cast %swap3A_756 : vector<1x1x16xf32> to vector<16xf32>
          %swap3A_758 = vector.shape_cast %mul3A_751 : vector<16xf32> to vector<1x1x16xf32>
          tpu.vector_store %arg12[%swap3A_753, %swap3A_754, %swap3A_755], %swap3A_758 {strides = array<i32>} : memref<1x16x768xf32, #tpu.memory_space<vmem>>, vector<1x1x16xf32>,
          %get3A_759 = arith.constant 0 : i32
          %get3A_760 = arith.index_cast %get3A_759 : i32 to index
          %get3A_761 = arith.index_cast %scan3A_589 : i32 to index
          %get3A_762 = arith.constant 192 : index
          %get3A_763 = tpu.vector_load %arg10[%get3A_760, %get3A_761, %get3A_762] {strides = array<i32>} : memref<1x16x768xf32, #tpu.memory_space<vmem>>, vector<1x1x16xf32>,
          %get3A_764 = vector.shape_cast %get3A_763 : vector<1x1x16xf32> to vector<16xf32>
          %mul3A_765 = arith.mulf %get3A_764, %get3A_568 : vector<16xf32>
          %swap3A_766 = arith.constant 0 : i32
          %swap3A_767 = arith.index_cast %swap3A_766 : i32 to index
          %swap3A_768 = arith.index_cast %scan3A_589 : i32 to index
          %swap3A_769 = arith.constant 192 : index
          %swap3A_770 = tpu.vector_load %arg12[%swap3A_767, %swap3A_768, %swap3A_769] {strides = array<i32>} : memref<1x16x768xf32, #tpu.memory_space<vmem>>, vector<1x1x16xf32>,
          %swap3A_771 = vector.shape_cast %swap3A_770 : vector<1x1x16xf32> to vector<16xf32>
          %swap3A_772 = vector.shape_cast %mul3A_765 : vector<16xf32> to vector<1x1x16xf32>
          tpu.vector_store %arg12[%swap3A_767, %swap3A_768, %swap3A_769], %swap3A_772 {strides = array<i32>} : memref<1x16x768xf32, #tpu.memory_space<vmem>>, vector<1x1x16xf32>,
          %get3A_773 = arith.constant 0 : i32
          %get3A_774 = arith.index_cast %get3A_773 : i32 to index
          %get3A_775 = arith.index_cast %scan3A_589 : i32 to index
          %get3A_776 = arith.constant 208 : index
          %get3A_777 = tpu.vector_load %arg10[%get3A_774, %get3A_775, %get3A_776] {strides = array<i32>} : memref<1x16x768xf32, #tpu.memory_space<vmem>>, vector<1x1x16xf32>,
          %get3A_778 = vector.shape_cast %get3A_777 : vector<1x1x16xf32> to vector<16xf32>
          %mul3A_779 = arith.mulf %get3A_778, %get3A_568 : vector<16xf32>
          %swap3A_780 = arith.constant 0 : i32
          %swap3A_781 = arith.index_cast %swap3A_780 : i32 to index
          %swap3A_782 = arith.index_cast %scan3A_589 : i32 to index
          %swap3A_783 = arith.constant 208 : index
          %swap3A_784 = tpu.vector_load %arg12[%swap3A_781, %swap3A_782, %swap3A_783] {strides = array<i32>} : memref<1x16x768xf32, #tpu.memory_space<vmem>>, vector<1x1x16xf32>,
          %swap3A_785 = vector.shape_cast %swap3A_784 : vector<1x1x16xf32> to vector<16xf32>
          %swap3A_786 = vector.shape_cast %mul3A_779 : vector<16xf32> to vector<1x1x16xf32>
          tpu.vector_store %arg12[%swap3A_781, %swap3A_782, %swap3A_783], %swap3A_786 {strides = array<i32>} : memref<1x16x768xf32, #tpu.memory_space<vmem>>, vector<1x1x16xf32>,
          %get3A_787 = arith.constant 0 : i32
          %get3A_788 = arith.index_cast %get3A_787 : i32 to index
          %get3A_789 = arith.index_cast %scan3A_589 : i32 to index
          %get3A_790 = arith.constant 224 : index
          %get3A_791 = tpu.vector_load %arg10[%get3A_788, %get3A_789, %get3A_790] {strides = array<i32>} : memref<1x16x768xf32, #tpu.memory_space<vmem>>, vector<1x1x16xf32>,
          %get3A_792 = vector.shape_cast %get3A_791 : vector<1x1x16xf32> to vector<16xf32>
          %mul3A_793 = arith.mulf %get3A_792, %get3A_568 : vector<16xf32>
          %swap3A_794 = arith.constant 0 : i32
          %swap3A_795 = arith.index_cast %swap3A_794 : i32 to index
          %swap3A_796 = arith.index_cast %scan3A_589 : i32 to index
          %swap3A_797 = arith.constant 224 : index
          %swap3A_798 = tpu.vector_load %arg12[%swap3A_795, %swap3A_796, %swap3A_797] {strides = array<i32>} : memref<1x16x768xf32, #tpu.memory_space<vmem>>, vector<1x1x16xf32>,
          %swap3A_799 = vector.shape_cast %swap3A_798 : vector<1x1x16xf32> to vector<16xf32>
          %swap3A_800 = vector.shape_cast %mul3A_793 : vector<16xf32> to vector<1x1x16xf32>
          tpu.vector_store %arg12[%swap3A_795, %swap3A_796, %swap3A_797], %swap3A_800 {strides = array<i32>} : memref<1x16x768xf32, #tpu.memory_space<vmem>>, vector<1x1x16xf32>,
          %get3A_801 = arith.constant 0 : i32
          %get3A_802 = arith.index_cast %get3A_801 : i32 to index
          %get3A_803 = arith.index_cast %scan3A_589 : i32 to index
          %get3A_804 = arith.constant 240 : index
          %get3A_805 = tpu.vector_load %arg10[%get3A_802, %get3A_803, %get3A_804] {strides = array<i32>} : memref<1x16x768xf32, #tpu.memory_space<vmem>>, vector<1x1x16xf32>,
          %get3A_806 = vector.shape_cast %get3A_805 : vector<1x1x16xf32> to vector<16xf32>
          %mul3A_807 = arith.mulf %get3A_806, %get3A_568 : vector<16xf32>
          %swap3A_808 = arith.constant 0 : i32
          %swap3A_809 = arith.index_cast %swap3A_808 : i32 to index
          %swap3A_810 = arith.index_cast %scan3A_589 : i32 to index
          %swap3A_811 = arith.constant 240 : index
          %swap3A_812 = tpu.vector_load %arg12[%swap3A_809, %swap3A_810, %swap3A_811] {strides = array<i32>} : memref<1x16x768xf32, #tpu.memory_space<vmem>>, vector<1x1x16xf32>,
          %swap3A_813 = vector.shape_cast %swap3A_812 : vector<1x1x16xf32> to vector<16xf32>
          %swap3A_814 = vector.shape_cast %mul3A_807 : vector<16xf32> to vector<1x1x16xf32>
          tpu.vector_store %arg12[%swap3A_809, %swap3A_810, %swap3A_811], %swap3A_814 {strides = array<i32>} : memref<1x16x768xf32, #tpu.memory_space<vmem>>, vector<1x1x16xf32>,
          %get3A_815 = arith.constant 0 : i32
          %get3A_816 = arith.index_cast %get3A_815 : i32 to index
          %get3A_817 = arith.index_cast %scan3A_589 : i32 to index
          %get3A_818 = arith.constant 256 : index
          %get3A_819 = tpu.vector_load %arg10[%get3A_816, %get3A_817, %get3A_818] {strides = array<i32>} : memref<1x16x768xf32, #tpu.memory_space<vmem>>, vector<1x1x16xf32>,
          %get3A_820 = vector.shape_cast %get3A_819 : vector<1x1x16xf32> to vector<16xf32>
          %mul3A_821 = arith.mulf %get3A_820, %get3A_568 : vector<16xf32>
          %swap3A_822 = arith.constant 0 : i32
          %swap3A_823 = arith.index_cast %swap3A_822 : i32 to index
          %swap3A_824 = arith.index_cast %scan3A_589 : i32 to index
          %swap3A_825 = arith.constant 256 : index
          %swap3A_826 = tpu.vector_load %arg12[%swap3A_823, %swap3A_824, %swap3A_825] {strides = array<i32>} : memref<1x16x768xf32, #tpu.memory_space<vmem>>, vector<1x1x16xf32>,
          %swap3A_827 = vector.shape_cast %swap3A_826 : vector<1x1x16xf32> to vector<16xf32>
          %swap3A_828 = vector.shape_cast %mul3A_821 : vector<16xf32> to vector<1x1x16xf32>
          tpu.vector_store %arg12[%swap3A_823, %swap3A_824, %swap3A_825], %swap3A_828 {strides = array<i32>} : memref<1x16x768xf32, #tpu.memory_space<vmem>>, vector<1x1x16xf32>,
          %get3A_829 = arith.constant 0 : i32
          %get3A_830 = arith.index_cast %get3A_829 : i32 to index
          %get3A_831 = arith.index_cast %scan3A_589 : i32 to index
          %get3A_832 = arith.constant 272 : index
          %get3A_833 = tpu.vector_load %arg10[%get3A_830, %get3A_831, %get3A_832] {strides = array<i32>} : memref<1x16x768xf32, #tpu.memory_space<vmem>>, vector<1x1x16xf32>,
          %get3A_834 = vector.shape_cast %get3A_833 : vector<1x1x16xf32> to vector<16xf32>
          %mul3A_835 = arith.mulf %get3A_834, %get3A_568 : vector<16xf32>
          %swap3A_836 = arith.constant 0 : i32
          %swap3A_837 = arith.index_cast %swap3A_836 : i32 to index
          %swap3A_838 = arith.index_cast %scan3A_589 : i32 to index
          %swap3A_839 = arith.constant 272 : index
          %swap3A_840 = tpu.vector_load %arg12[%swap3A_837, %swap3A_838, %swap3A_839] {strides = array<i32>} : memref<1x16x768xf32, #tpu.memory_space<vmem>>, vector<1x1x16xf32>,
          %swap3A_841 = vector.shape_cast %swap3A_840 : vector<1x1x16xf32> to vector<16xf32>
          %swap3A_842 = vector.shape_cast %mul3A_835 : vector<16xf32> to vector<1x1x16xf32>
          tpu.vector_store %arg12[%swap3A_837, %swap3A_838, %swap3A_839], %swap3A_842 {strides = array<i32>} : memref<1x16x768xf32, #tpu.memory_space<vmem>>, vector<1x1x16xf32>,
          %get3A_843 = arith.constant 0 : i32
          %get3A_844 = arith.index_cast %get3A_843 : i32 to index
          %get3A_845 = arith.index_cast %scan3A_589 : i32 to index
          %get3A_846 = arith.constant 288 : index
          %get3A_847 = tpu.vector_load %arg10[%get3A_844, %get3A_845, %get3A_846] {strides = array<i32>} : memref<1x16x768xf32, #tpu.memory_space<vmem>>, vector<1x1x16xf32>,
          %get3A_848 = vector.shape_cast %get3A_847 : vector<1x1x16xf32> to vector<16xf32>
          %mul3A_849 = arith.mulf %get3A_848, %get3A_568 : vector<16xf32>
          %swap3A_850 = arith.constant 0 : i32
          %swap3A_851 = arith.index_cast %swap3A_850 : i32 to index
          %swap3A_852 = arith.index_cast %scan3A_589 : i32 to index
          %swap3A_853 = arith.constant 288 : index
          %swap3A_854 = tpu.vector_load %arg12[%swap3A_851, %swap3A_852, %swap3A_853] {strides = array<i32>} : memref<1x16x768xf32, #tpu.memory_space<vmem>>, vector<1x1x16xf32>,
          %swap3A_855 = vector.shape_cast %swap3A_854 : vector<1x1x16xf32> to vector<16xf32>
          %swap3A_856 = vector.shape_cast %mul3A_849 : vector<16xf32> to vector<1x1x16xf32>
          tpu.vector_store %arg12[%swap3A_851, %swap3A_852, %swap3A_853], %swap3A_856 {strides = array<i32>} : memref<1x16x768xf32, #tpu.memory_space<vmem>>, vector<1x1x16xf32>,
          %get3A_857 = arith.constant 0 : i32
          %get3A_858 = arith.index_cast %get3A_857 : i32 to index
          %get3A_859 = arith.index_cast %scan3A_589 : i32 to index
          %get3A_860 = arith.constant 304 : index
          %get3A_861 = tpu.vector_load %arg10[%get3A_858, %get3A_859, %get3A_860] {strides = array<i32>} : memref<1x16x768xf32, #tpu.memory_space<vmem>>, vector<1x1x16xf32>,
          %get3A_862 = vector.shape_cast %get3A_861 : vector<1x1x16xf32> to vector<16xf32>
          %mul3A_863 = arith.mulf %get3A_862, %get3A_568 : vector<16xf32>
          %swap3A_864 = arith.constant 0 : i32
          %swap3A_865 = arith.index_cast %swap3A_864 : i32 to index
          %swap3A_866 = arith.index_cast %scan3A_589 : i32 to index
          %swap3A_867 = arith.constant 304 : index
          %swap3A_868 = tpu.vector_load %arg12[%swap3A_865, %swap3A_866, %swap3A_867] {strides = array<i32>} : memref<1x16x768xf32, #tpu.memory_space<vmem>>, vector<1x1x16xf32>,
          %swap3A_869 = vector.shape_cast %swap3A_868 : vector<1x1x16xf32> to vector<16xf32>
          %swap3A_870 = vector.shape_cast %mul3A_863 : vector<16xf32> to vector<1x1x16xf32>
          tpu.vector_store %arg12[%swap3A_865, %swap3A_866, %swap3A_867], %swap3A_870 {strides = array<i32>} : memref<1x16x768xf32, #tpu.memory_space<vmem>>, vector<1x1x16xf32>,
          %get3A_871 = arith.constant 0 : i32
          %get3A_872 = arith.index_cast %get3A_871 : i32 to index
          %get3A_873 = arith.index_cast %scan3A_589 : i32 to index
          %get3A_874 = arith.constant 320 : index
          %get3A_875 = tpu.vector_load %arg10[%get3A_872, %get3A_873, %get3A_874] {strides = array<i32>} : memref<1x16x768xf32, #tpu.memory_space<vmem>>, vector<1x1x16xf32>,
          %get3A_876 = vector.shape_cast %get3A_875 : vector<1x1x16xf32> to vector<16xf32>
          %mul3A_877 = arith.mulf %get3A_876, %get3A_568 : vector<16xf32>
          %swap3A_878 = arith.constant 0 : i32
          %swap3A_879 = arith.index_cast %swap3A_878 : i32 to index
          %swap3A_880 = arith.index_cast %scan3A_589 : i32 to index
          %swap3A_881 = arith.constant 320 : index
          %swap3A_882 = tpu.vector_load %arg12[%swap3A_879, %swap3A_880, %swap3A_881] {strides = array<i32>} : memref<1x16x768xf32, #tpu.memory_space<vmem>>, vector<1x1x16xf32>,
          %swap3A_883 = vector.shape_cast %swap3A_882 : vector<1x1x16xf32> to vector<16xf32>
          %swap3A_884 = vector.shape_cast %mul3A_877 : vector<16xf32> to vector<1x1x16xf32>
          tpu.vector_store %arg12[%swap3A_879, %swap3A_880, %swap3A_881], %swap3A_884 {strides = array<i32>} : memref<1x16x768xf32, #tpu.memory_space<vmem>>, vector<1x1x16xf32>,
          %get3A_885 = arith.constant 0 : i32
          %get3A_886 = arith.index_cast %get3A_885 : i32 to index
          %get3A_887 = arith.index_cast %scan3A_589 : i32 to index
          %get3A_888 = arith.constant 336 : index
          %get3A_889 = tpu.vector_load %arg10[%get3A_886, %get3A_887, %get3A_888] {strides = array<i32>} : memref<1x16x768xf32, #tpu.memory_space<vmem>>, vector<1x1x16xf32>,
          %get3A_890 = vector.shape_cast %get3A_889 : vector<1x1x16xf32> to vector<16xf32>
          %mul3A_891 = arith.mulf %get3A_890, %get3A_568 : vector<16xf32>
          %swap3A_892 = arith.constant 0 : i32
          %swap3A_893 = arith.index_cast %swap3A_892 : i32 to index
          %swap3A_894 = arith.index_cast %scan3A_589 : i32 to index
          %swap3A_895 = arith.constant 336 : index
          %swap3A_896 = tpu.vector_load %arg12[%swap3A_893, %swap3A_894, %swap3A_895] {strides = array<i32>} : memref<1x16x768xf32, #tpu.memory_space<vmem>>, vector<1x1x16xf32>,
          %swap3A_897 = vector.shape_cast %swap3A_896 : vector<1x1x16xf32> to vector<16xf32>
          %swap3A_898 = vector.shape_cast %mul3A_891 : vector<16xf32> to vector<1x1x16xf32>
          tpu.vector_store %arg12[%swap3A_893, %swap3A_894, %swap3A_895], %swap3A_898 {strides = array<i32>} : memref<1x16x768xf32, #tpu.memory_space<vmem>>, vector<1x1x16xf32>,
          %get3A_899 = arith.constant 0 : i32
          %get3A_900 = arith.index_cast %get3A_899 : i32 to index
          %get3A_901 = arith.index_cast %scan3A_589 : i32 to index
          %get3A_902 = arith.constant 352 : index
          %get3A_903 = tpu.vector_load %arg10[%get3A_900, %get3A_901, %get3A_902] {strides = array<i32>} : memref<1x16x768xf32, #tpu.memory_space<vmem>>, vector<1x1x16xf32>,
          %get3A_904 = vector.shape_cast %get3A_903 : vector<1x1x16xf32> to vector<16xf32>
          %mul3A_905 = arith.mulf %get3A_904, %get3A_568 : vector<16xf32>
          %swap3A_906 = arith.constant 0 : i32
          %swap3A_907 = arith.index_cast %swap3A_906 : i32 to index
          %swap3A_908 = arith.index_cast %scan3A_589 : i32 to index
          %swap3A_909 = arith.constant 352 : index
          %swap3A_910 = tpu.vector_load %arg12[%swap3A_907, %swap3A_908, %swap3A_909] {strides = array<i32>} : memref<1x16x768xf32, #tpu.memory_space<vmem>>, vector<1x1x16xf32>,
          %swap3A_911 = vector.shape_cast %swap3A_910 : vector<1x1x16xf32> to vector<16xf32>
          %swap3A_912 = vector.shape_cast %mul3A_905 : vector<16xf32> to vector<1x1x16xf32>
          tpu.vector_store %arg12[%swap3A_907, %swap3A_908, %swap3A_909], %swap3A_912 {strides = array<i32>} : memref<1x16x768xf32, #tpu.memory_space<vmem>>, vector<1x1x16xf32>,
          %get3A_913 = arith.constant 0 : i32
          %get3A_914 = arith.index_cast %get3A_913 : i32 to index
          %get3A_915 = arith.index_cast %scan3A_589 : i32 to index
          %get3A_916 = arith.constant 368 : index
          %get3A_917 = tpu.vector_load %arg10[%get3A_914, %get3A_915, %get3A_916] {strides = array<i32>} : memref<1x16x768xf32, #tpu.memory_space<vmem>>, vector<1x1x16xf32>,
          %get3A_918 = vector.shape_cast %get3A_917 : vector<1x1x16xf32> to vector<16xf32>
          %mul3A_919 = arith.mulf %get3A_918, %get3A_568 : vector<16xf32>
          %swap3A_920 = arith.constant 0 : i32
          %swap3A_921 = arith.index_cast %swap3A_920 : i32 to index
          %swap3A_922 = arith.index_cast %scan3A_589 : i32 to index
          %swap3A_923 = arith.constant 368 : index
          %swap3A_924 = tpu.vector_load %arg12[%swap3A_921, %swap3A_922, %swap3A_923] {strides = array<i32>} : memref<1x16x768xf32, #tpu.memory_space<vmem>>, vector<1x1x16xf32>,
          %swap3A_925 = vector.shape_cast %swap3A_924 : vector<1x1x16xf32> to vector<16xf32>
          %swap3A_926 = vector.shape_cast %mul3A_919 : vector<16xf32> to vector<1x1x16xf32>
          tpu.vector_store %arg12[%swap3A_921, %swap3A_922, %swap3A_923], %swap3A_926 {strides = array<i32>} : memref<1x16x768xf32, #tpu.memory_space<vmem>>, vector<1x1x16xf32>,
          %get3A_927 = arith.constant 0 : i32
          %get3A_928 = arith.index_cast %get3A_927 : i32 to index
          %get3A_929 = arith.index_cast %scan3A_589 : i32 to index
          %get3A_930 = arith.constant 384 : index
          %get3A_931 = tpu.vector_load %arg10[%get3A_928, %get3A_929, %get3A_930] {strides = array<i32>} : memref<1x16x768xf32, #tpu.memory_space<vmem>>, vector<1x1x16xf32>,
          %get3A_932 = vector.shape_cast %get3A_931 : vector<1x1x16xf32> to vector<16xf32>
          %mul3A_933 = arith.mulf %get3A_932, %get3A_568 : vector<16xf32>
          %swap3A_934 = arith.constant 0 : i32
          %swap3A_935 = arith.index_cast %swap3A_934 : i32 to index
          %swap3A_936 = arith.index_cast %scan3A_589 : i32 to index
          %swap3A_937 = arith.constant 384 : index
          %swap3A_938 = tpu.vector_load %arg12[%swap3A_935, %swap3A_936, %swap3A_937] {strides = array<i32>} : memref<1x16x768xf32, #tpu.memory_space<vmem>>, vector<1x1x16xf32>,
          %swap3A_939 = vector.shape_cast %swap3A_938 : vector<1x1x16xf32> to vector<16xf32>
          %swap3A_940 = vector.shape_cast %mul3A_933 : vector<16xf32> to vector<1x1x16xf32>
          tpu.vector_store %arg12[%swap3A_935, %swap3A_936, %swap3A_937], %swap3A_940 {strides = array<i32>} : memref<1x16x768xf32, #tpu.memory_space<vmem>>, vector<1x1x16xf32>,
          %get3A_941 = arith.constant 0 : i32
          %get3A_942 = arith.index_cast %get3A_941 : i32 to index
          %get3A_943 = arith.index_cast %scan3A_589 : i32 to index
          %get3A_944 = arith.constant 400 : index
          %get3A_945 = tpu.vector_load %arg10[%get3A_942, %get3A_943, %get3A_944] {strides = array<i32>} : memref<1x16x768xf32, #tpu.memory_space<vmem>>, vector<1x1x16xf32>,
          %get3A_946 = vector.shape_cast %get3A_945 : vector<1x1x16xf32> to vector<16xf32>
          %mul3A_947 = arith.mulf %get3A_946, %get3A_568 : vector<16xf32>
          %swap3A_948 = arith.constant 0 : i32
          %swap3A_949 = arith.index_cast %swap3A_948 : i32 to index
          %swap3A_950 = arith.index_cast %scan3A_589 : i32 to index
          %swap3A_951 = arith.constant 400 : index
          %swap3A_952 = tpu.vector_load %arg12[%swap3A_949, %swap3A_950, %swap3A_951] {strides = array<i32>} : memref<1x16x768xf32, #tpu.memory_space<vmem>>, vector<1x1x16xf32>,
          %swap3A_953 = vector.shape_cast %swap3A_952 : vector<1x1x16xf32> to vector<16xf32>
          %swap3A_954 = vector.shape_cast %mul3A_947 : vector<16xf32> to vector<1x1x16xf32>
          tpu.vector_store %arg12[%swap3A_949, %swap3A_950, %swap3A_951], %swap3A_954 {strides = array<i32>} : memref<1x16x768xf32, #tpu.memory_space<vmem>>, vector<1x1x16xf32>,
          %get3A_955 = arith.constant 0 : i32
          %get3A_956 = arith.index_cast %get3A_955 : i32 to index
          %get3A_957 = arith.index_cast %scan3A_589 : i32 to index
          %get3A_958 = arith.constant 416 : index
          %get3A_959 = tpu.vector_load %arg10[%get3A_956, %get3A_957, %get3A_958] {strides = array<i32>} : memref<1x16x768xf32, #tpu.memory_space<vmem>>, vector<1x1x16xf32>,
          %get3A_960 = vector.shape_cast %get3A_959 : vector<1x1x16xf32> to vector<16xf32>
          %mul3A_961 = arith.mulf %get3A_960, %get3A_568 : vector<16xf32>
          %swap3A_962 = arith.constant 0 : i32
          %swap3A_963 = arith.index_cast %swap3A_962 : i32 to index
          %swap3A_964 = arith.index_cast %scan3A_589 : i32 to index
          %swap3A_965 = arith.constant 416 : index
          %swap3A_966 = tpu.vector_load %arg12[%swap3A_963, %swap3A_964, %swap3A_965] {strides = array<i32>} : memref<1x16x768xf32, #tpu.memory_space<vmem>>, vector<1x1x16xf32>,
          %swap3A_967 = vector.shape_cast %swap3A_966 : vector<1x1x16xf32> to vector<16xf32>
          %swap3A_968 = vector.shape_cast %mul3A_961 : vector<16xf32> to vector<1x1x16xf32>
          tpu.vector_store %arg12[%swap3A_963, %swap3A_964, %swap3A_965], %swap3A_968 {strides = array<i32>} : memref<1x16x768xf32, #tpu.memory_space<vmem>>, vector<1x1x16xf32>,
          %get3A_969 = arith.constant 0 : i32
          %get3A_970 = arith.index_cast %get3A_969 : i32 to index
          %get3A_971 = arith.index_cast %scan3A_589 : i32 to index
          %get3A_972 = arith.constant 432 : index
          %get3A_973 = tpu.vector_load %arg10[%get3A_970, %get3A_971, %get3A_972] {strides = array<i32>} : memref<1x16x768xf32, #tpu.memory_space<vmem>>, vector<1x1x16xf32>,
          %get3A_974 = vector.shape_cast %get3A_973 : vector<1x1x16xf32> to vector<16xf32>
          %mul3A_975 = arith.mulf %get3A_974, %get3A_568 : vector<16xf32>
          %swap3A_976 = arith.constant 0 : i32
          %swap3A_977 = arith.index_cast %swap3A_976 : i32 to index
          %swap3A_978 = arith.index_cast %scan3A_589 : i32 to index
          %swap3A_979 = arith.constant 432 : index
          %swap3A_980 = tpu.vector_load %arg12[%swap3A_977, %swap3A_978, %swap3A_979] {strides = array<i32>} : memref<1x16x768xf32, #tpu.memory_space<vmem>>, vector<1x1x16xf32>,
          %swap3A_981 = vector.shape_cast %swap3A_980 : vector<1x1x16xf32> to vector<16xf32>
          %swap3A_982 = vector.shape_cast %mul3A_975 : vector<16xf32> to vector<1x1x16xf32>
          tpu.vector_store %arg12[%swap3A_977, %swap3A_978, %swap3A_979], %swap3A_982 {strides = array<i32>} : memref<1x16x768xf32, #tpu.memory_space<vmem>>, vector<1x1x16xf32>,
          %get3A_983 = arith.constant 0 : i32
          %get3A_984 = arith.index_cast %get3A_983 : i32 to index
          %get3A_985 = arith.index_cast %scan3A_589 : i32 to index
          %get3A_986 = arith.constant 448 : index
          %get3A_987 = tpu.vector_load %arg10[%get3A_984, %get3A_985, %get3A_986] {strides = array<i32>} : memref<1x16x768xf32, #tpu.memory_space<vmem>>, vector<1x1x16xf32>,
          %get3A_988 = vector.shape_cast %get3A_987 : vector<1x1x16xf32> to vector<16xf32>
          %mul3A_989 = arith.mulf %get3A_988, %get3A_568 : vector<16xf32>
          %swap3A_990 = arith.constant 0 : i32
          %swap3A_991 = arith.index_cast %swap3A_990 : i32 to index
          %swap3A_992 = arith.index_cast %scan3A_589 : i32 to index
          %swap3A_993 = arith.constant 448 : index
          %swap3A_994 = tpu.vector_load %arg12[%swap3A_991, %swap3A_992, %swap3A_993] {strides = array<i32>} : memref<1x16x768xf32, #tpu.memory_space<vmem>>, vector<1x1x16xf32>,
          %swap3A_995 = vector.shape_cast %swap3A_994 : vector<1x1x16xf32> to vector<16xf32>
          %swap3A_996 = vector.shape_cast %mul3A_989 : vector<16xf32> to vector<1x1x16xf32>
          tpu.vector_store %arg12[%swap3A_991, %swap3A_992, %swap3A_993], %swap3A_996 {strides = array<i32>} : memref<1x16x768xf32, #tpu.memory_space<vmem>>, vector<1x1x16xf32>,
          %get3A_997 = arith.constant 0 : i32
          %get3A_998 = arith.index_cast %get3A_997 : i32 to index
          %get3A_999 = arith.index_cast %scan3A_589 : i32 to index
          %get3A_1000 = arith.constant 464 : index
          %get3A_1001 = tpu.vector_load %arg10[%get3A_998, %get3A_999, %get3A_1000] {strides = array<i32>} : memref<1x16x768xf32, #tpu.memory_space<vmem>>, vector<1x1x16xf32>,
          %get3A_1002 = vector.shape_cast %get3A_1001 : vector<1x1x16xf32> to vector<16xf32>
          %mul3A_1003 = arith.mulf %get3A_1002, %get3A_568 : vector<16xf32>
          %swap3A_1004 = arith.constant 0 : i32
          %swap3A_1005 = arith.index_cast %swap3A_1004 : i32 to index
          %swap3A_1006 = arith.index_cast %scan3A_589 : i32 to index
          %swap3A_1007 = arith.constant 464 : index
          %swap3A_1008 = tpu.vector_load %arg12[%swap3A_1005, %swap3A_1006, %swap3A_1007] {strides = array<i32>} : memref<1x16x768xf32, #tpu.memory_space<vmem>>, vector<1x1x16xf32>,
          %swap3A_1009 = vector.shape_cast %swap3A_1008 : vector<1x1x16xf32> to vector<16xf32>
          %swap3A_1010 = vector.shape_cast %mul3A_1003 : vector<16xf32> to vector<1x1x16xf32>
          tpu.vector_store %arg12[%swap3A_1005, %swap3A_1006, %swap3A_1007], %swap3A_1010 {strides = array<i32>} : memref<1x16x768xf32, #tpu.memory_space<vmem>>, vector<1x1x16xf32>,
          %get3A_1011 = arith.constant 0 : i32
          %get3A_1012 = arith.index_cast %get3A_1011 : i32 to index
          %get3A_1013 = arith.index_cast %scan3A_589 : i32 to index
          %get3A_1014 = arith.constant 480 : index
          %get3A_1015 = tpu.vector_load %arg10[%get3A_1012, %get3A_1013, %get3A_1014] {strides = array<i32>} : memref<1x16x768xf32, #tpu.memory_space<vmem>>, vector<1x1x16xf32>,
          %get3A_1016 = vector.shape_cast %get3A_1015 : vector<1x1x16xf32> to vector<16xf32>
          %mul3A_1017 = arith.mulf %get3A_1016, %get3A_568 : vector<16xf32>
          %swap3A_1018 = arith.constant 0 : i32
          %swap3A_1019 = arith.index_cast %swap3A_1018 : i32 to index
          %swap3A_1020 = arith.index_cast %scan3A_589 : i32 to index
          %swap3A_1021 = arith.constant 480 : index
          %swap3A_1022 = tpu.vector_load %arg12[%swap3A_1019, %swap3A_1020, %swap3A_1021] {strides = array<i32>} : memref<1x16x768xf32, #tpu.memory_space<vmem>>, vector<1x1x16xf32>,
          %swap3A_1023 = vector.shape_cast %swap3A_1022 : vector<1x1x16xf32> to vector<16xf32>
          %swap3A_1024 = vector.shape_cast %mul3A_1017 : vector<16xf32> to vector<1x1x16xf32>
          tpu.vector_store %arg12[%swap3A_1019, %swap3A_1020, %swap3A_1021], %swap3A_1024 {strides = array<i32>} : memref<1x16x768xf32, #tpu.memory_space<vmem>>, vector<1x1x16xf32>,
          %get3A_1025 = arith.constant 0 : i32
          %get3A_1026 = arith.index_cast %get3A_1025 : i32 to index
          %get3A_1027 = arith.index_cast %scan3A_589 : i32 to index
          %get3A_1028 = arith.constant 496 : index
          %get3A_1029 = tpu.vector_load %arg10[%get3A_1026, %get3A_1027, %get3A_1028] {strides = array<i32>} : memref<1x16x768xf32, #tpu.memory_space<vmem>>, vector<1x1x16xf32>,
          %get3A_1030 = vector.shape_cast %get3A_1029 : vector<1x1x16xf32> to vector<16xf32>
          %mul3A_1031 = arith.mulf %get3A_1030, %get3A_568 : vector<16xf32>
          %swap3A_1032 = arith.constant 0 : i32
          %swap3A_1033 = arith.index_cast %swap3A_1032 : i32 to index
          %swap3A_1034 = arith.index_cast %scan3A_589 : i32 to index
          %swap3A_1035 = arith.constant 496 : index
          %swap3A_1036 = tpu.vector_load %arg12[%swap3A_1033, %swap3A_1034, %swap3A_1035] {strides = array<i32>} : memref<1x16x768xf32, #tpu.memory_space<vmem>>, vector<1x1x16xf32>,
          %swap3A_1037 = vector.shape_cast %swap3A_1036 : vector<1x1x16xf32> to vector<16xf32>
          %swap3A_1038 = vector.shape_cast %mul3A_1031 : vector<16xf32> to vector<1x1x16xf32>
          tpu.vector_store %arg12[%swap3A_1033, %swap3A_1034, %swap3A_1035], %swap3A_1038 {strides = array<i32>} : memref<1x16x768xf32, #tpu.memory_space<vmem>>, vector<1x1x16xf32>,
          %get3A_1039 = arith.constant 0 : i32
          %get3A_1040 = arith.index_cast %get3A_1039 : i32 to index
          %get3A_1041 = arith.index_cast %scan3A_589 : i32 to index
          %get3A_1042 = arith.constant 512 : index
          %get3A_1043 = tpu.vector_load %arg10[%get3A_1040, %get3A_1041, %get3A_1042] {strides = array<i32>} : memref<1x16x768xf32, #tpu.memory_space<vmem>>, vector<1x1x16xf32>,
          %get3A_1044 = vector.shape_cast %get3A_1043 : vector<1x1x16xf32> to vector<16xf32>
          %mul3A_1045 = arith.mulf %get3A_1044, %get3A_568 : vector<16xf32>
          %swap3A_1046 = arith.constant 0 : i32
          %swap3A_1047 = arith.index_cast %swap3A_1046 : i32 to index
          %swap3A_1048 = arith.index_cast %scan3A_589 : i32 to index
          %swap3A_1049 = arith.constant 512 : index
          %swap3A_1050 = tpu.vector_load %arg12[%swap3A_1047, %swap3A_1048, %swap3A_1049] {strides = array<i32>} : memref<1x16x768xf32, #tpu.memory_space<vmem>>, vector<1x1x16xf32>,
          %swap3A_1051 = vector.shape_cast %swap3A_1050 : vector<1x1x16xf32> to vector<16xf32>
          %swap3A_1052 = vector.shape_cast %mul3A_1045 : vector<16xf32> to vector<1x1x16xf32>
          tpu.vector_store %arg12[%swap3A_1047, %swap3A_1048, %swap3A_1049], %swap3A_1052 {strides = array<i32>} : memref<1x16x768xf32, #tpu.memory_space<vmem>>, vector<1x1x16xf32>,
          %get3A_1053 = arith.constant 0 : i32
          %get3A_1054 = arith.index_cast %get3A_1053 : i32 to index
          %get3A_1055 = arith.index_cast %scan3A_589 : i32 to index
          %get3A_1056 = arith.constant 528 : index
          %get3A_1057 = tpu.vector_load %arg10[%get3A_1054, %get3A_1055, %get3A_1056] {strides = array<i32>} : memref<1x16x768xf32, #tpu.memory_space<vmem>>, vector<1x1x16xf32>,
          %get3A_1058 = vector.shape_cast %get3A_1057 : vector<1x1x16xf32> to vector<16xf32>
          %mul3A_1059 = arith.mulf %get3A_1058, %get3A_568 : vector<16xf32>
          %swap3A_1060 = arith.constant 0 : i32
          %swap3A_1061 = arith.index_cast %swap3A_1060 : i32 to index
          %swap3A_1062 = arith.index_cast %scan3A_589 : i32 to index
          %swap3A_1063 = arith.constant 528 : index
          %swap3A_1064 = tpu.vector_load %arg12[%swap3A_1061, %swap3A_1062, %swap3A_1063] {strides = array<i32>} : memref<1x16x768xf32, #tpu.memory_space<vmem>>, vector<1x1x16xf32>,
          %swap3A_1065 = vector.shape_cast %swap3A_1064 : vector<1x1x16xf32> to vector<16xf32>
          %swap3A_1066 = vector.shape_cast %mul3A_1059 : vector<16xf32> to vector<1x1x16xf32>
          tpu.vector_store %arg12[%swap3A_1061, %swap3A_1062, %swap3A_1063], %swap3A_1066 {strides = array<i32>} : memref<1x16x768xf32, #tpu.memory_space<vmem>>, vector<1x1x16xf32>,
          %get3A_1067 = arith.constant 0 : i32
          %get3A_1068 = arith.index_cast %get3A_1067 : i32 to index
          %get3A_1069 = arith.index_cast %scan3A_589 : i32 to index
          %get3A_1070 = arith.constant 544 : index
          %get3A_1071 = tpu.vector_load %arg10[%get3A_1068, %get3A_1069, %get3A_1070] {strides = array<i32>} : memref<1x16x768xf32, #tpu.memory_space<vmem>>, vector<1x1x16xf32>,
          %get3A_1072 = vector.shape_cast %get3A_1071 : vector<1x1x16xf32> to vector<16xf32>
          %mul3A_1073 = arith.mulf %get3A_1072, %get3A_568 : vector<16xf32>
          %swap3A_1074 = arith.constant 0 : i32
          %swap3A_1075 = arith.index_cast %swap3A_1074 : i32 to index
          %swap3A_1076 = arith.index_cast %scan3A_589 : i32 to index
          %swap3A_1077 = arith.constant 544 : index
          %swap3A_1078 = tpu.vector_load %arg12[%swap3A_1075, %swap3A_1076, %swap3A_1077] {strides = array<i32>} : memref<1x16x768xf32, #tpu.memory_space<vmem>>, vector<1x1x16xf32>,
          %swap3A_1079 = vector.shape_cast %swap3A_1078 : vector<1x1x16xf32> to vector<16xf32>
          %swap3A_1080 = vector.shape_cast %mul3A_1073 : vector<16xf32> to vector<1x1x16xf32>
          tpu.vector_store %arg12[%swap3A_1075, %swap3A_1076, %swap3A_1077], %swap3A_1080 {strides = array<i32>} : memref<1x16x768xf32, #tpu.memory_space<vmem>>, vector<1x1x16xf32>,
          %get3A_1081 = arith.constant 0 : i32
          %get3A_1082 = arith.index_cast %get3A_1081 : i32 to index
          %get3A_1083 = arith.index_cast %scan3A_589 : i32 to index
          %get3A_1084 = arith.constant 560 : index
          %get3A_1085 = tpu.vector_load %arg10[%get3A_1082, %get3A_1083, %get3A_1084] {strides = array<i32>} : memref<1x16x768xf32, #tpu.memory_space<vmem>>, vector<1x1x16xf32>,
          %get3A_1086 = vector.shape_cast %get3A_1085 : vector<1x1x16xf32> to vector<16xf32>
          %mul3A_1087 = arith.mulf %get3A_1086, %get3A_568 : vector<16xf32>
          %swap3A_1088 = arith.constant 0 : i32
          %swap3A_1089 = arith.index_cast %swap3A_1088 : i32 to index
          %swap3A_1090 = arith.index_cast %scan3A_589 : i32 to index
          %swap3A_1091 = arith.constant 560 : index
          %swap3A_1092 = tpu.vector_load %arg12[%swap3A_1089, %swap3A_1090, %swap3A_1091] {strides = array<i32>} : memref<1x16x768xf32, #tpu.memory_space<vmem>>, vector<1x1x16xf32>,
          %swap3A_1093 = vector.shape_cast %swap3A_1092 : vector<1x1x16xf32> to vector<16xf32>
          %swap3A_1094 = vector.shape_cast %mul3A_1087 : vector<16xf32> to vector<1x1x16xf32>
          tpu.vector_store %arg12[%swap3A_1089, %swap3A_1090, %swap3A_1091], %swap3A_1094 {strides = array<i32>} : memref<1x16x768xf32, #tpu.memory_space<vmem>>, vector<1x1x16xf32>,
          %get3A_1095 = arith.constant 0 : i32
          %get3A_1096 = arith.index_cast %get3A_1095 : i32 to index
          %get3A_1097 = arith.index_cast %scan3A_589 : i32 to index
          %get3A_1098 = arith.constant 576 : index
          %get3A_1099 = tpu.vector_load %arg10[%get3A_1096, %get3A_1097, %get3A_1098] {strides = array<i32>} : memref<1x16x768xf32, #tpu.memory_space<vmem>>, vector<1x1x16xf32>,
          %get3A_1100 = vector.shape_cast %get3A_1099 : vector<1x1x16xf32> to vector<16xf32>
          %mul3A_1101 = arith.mulf %get3A_1100, %get3A_568 : vector<16xf32>
          %swap3A_1102 = arith.constant 0 : i32
          %swap3A_1103 = arith.index_cast %swap3A_1102 : i32 to index
          %swap3A_1104 = arith.index_cast %scan3A_589 : i32 to index
          %swap3A_1105 = arith.constant 576 : index
          %swap3A_1106 = tpu.vector_load %arg12[%swap3A_1103, %swap3A_1104, %swap3A_1105] {strides = array<i32>} : memref<1x16x768xf32, #tpu.memory_space<vmem>>, vector<1x1x16xf32>,
          %swap3A_1107 = vector.shape_cast %swap3A_1106 : vector<1x1x16xf32> to vector<16xf32>
          %swap3A_1108 = vector.shape_cast %mul3A_1101 : vector<16xf32> to vector<1x1x16xf32>
          tpu.vector_store %arg12[%swap3A_1103, %swap3A_1104, %swap3A_1105], %swap3A_1108 {strides = array<i32>} : memref<1x16x768xf32, #tpu.memory_space<vmem>>, vector<1x1x16xf32>,
          %get3A_1109 = arith.constant 0 : i32
          %get3A_1110 = arith.index_cast %get3A_1109 : i32 to index
          %get3A_1111 = arith.index_cast %scan3A_589 : i32 to index
          %get3A_1112 = arith.constant 592 : index
          %get3A_1113 = tpu.vector_load %arg10[%get3A_1110, %get3A_1111, %get3A_1112] {strides = array<i32>} : memref<1x16x768xf32, #tpu.memory_space<vmem>>, vector<1x1x16xf32>,
          %get3A_1114 = vector.shape_cast %get3A_1113 : vector<1x1x16xf32> to vector<16xf32>
          %mul3A_1115 = arith.mulf %get3A_1114, %get3A_568 : vector<16xf32>
          %swap3A_1116 = arith.constant 0 : i32
          %swap3A_1117 = arith.index_cast %swap3A_1116 : i32 to index
          %swap3A_1118 = arith.index_cast %scan3A_589 : i32 to index
          %swap3A_1119 = arith.constant 592 : index
          %swap3A_1120 = tpu.vector_load %arg12[%swap3A_1117, %swap3A_1118, %swap3A_1119] {strides = array<i32>} : memref<1x16x768xf32, #tpu.memory_space<vmem>>, vector<1x1x16xf32>,
          %swap3A_1121 = vector.shape_cast %swap3A_1120 : vector<1x1x16xf32> to vector<16xf32>
          %swap3A_1122 = vector.shape_cast %mul3A_1115 : vector<16xf32> to vector<1x1x16xf32>
          tpu.vector_store %arg12[%swap3A_1117, %swap3A_1118, %swap3A_1119], %swap3A_1122 {strides = array<i32>} : memref<1x16x768xf32, #tpu.memory_space<vmem>>, vector<1x1x16xf32>,
          %get3A_1123 = arith.constant 0 : i32
          %get3A_1124 = arith.index_cast %get3A_1123 : i32 to index
          %get3A_1125 = arith.index_cast %scan3A_589 : i32 to index
          %get3A_1126 = arith.constant 608 : index
          %get3A_1127 = tpu.vector_load %arg10[%get3A_1124, %get3A_1125, %get3A_1126] {strides = array<i32>} : memref<1x16x768xf32, #tpu.memory_space<vmem>>, vector<1x1x16xf32>,
          %get3A_1128 = vector.shape_cast %get3A_1127 : vector<1x1x16xf32> to vector<16xf32>
          %mul3A_1129 = arith.mulf %get3A_1128, %get3A_568 : vector<16xf32>
          %swap3A_1130 = arith.constant 0 : i32
          %swap3A_1131 = arith.index_cast %swap3A_1130 : i32 to index
          %swap3A_1132 = arith.index_cast %scan3A_589 : i32 to index
          %swap3A_1133 = arith.constant 608 : index
          %swap3A_1134 = tpu.vector_load %arg12[%swap3A_1131, %swap3A_1132, %swap3A_1133] {strides = array<i32>} : memref<1x16x768xf32, #tpu.memory_space<vmem>>, vector<1x1x16xf32>,
          %swap3A_1135 = vector.shape_cast %swap3A_1134 : vector<1x1x16xf32> to vector<16xf32>
          %swap3A_1136 = vector.shape_cast %mul3A_1129 : vector<16xf32> to vector<1x1x16xf32>
          tpu.vector_store %arg12[%swap3A_1131, %swap3A_1132, %swap3A_1133], %swap3A_1136 {strides = array<i32>} : memref<1x16x768xf32, #tpu.memory_space<vmem>>, vector<1x1x16xf32>,
          %get3A_1137 = arith.constant 0 : i32
          %get3A_1138 = arith.index_cast %get3A_1137 : i32 to index
          %get3A_1139 = arith.index_cast %scan3A_589 : i32 to index
          %get3A_1140 = arith.constant 624 : index
          %get3A_1141 = tpu.vector_load %arg10[%get3A_1138, %get3A_1139, %get3A_1140] {strides = array<i32>} : memref<1x16x768xf32, #tpu.memory_space<vmem>>, vector<1x1x16xf32>,
          %get3A_1142 = vector.shape_cast %get3A_1141 : vector<1x1x16xf32> to vector<16xf32>
          %mul3A_1143 = arith.mulf %get3A_1142, %get3A_568 : vector<16xf32>
          %swap3A_1144 = arith.constant 0 : i32
          %swap3A_1145 = arith.index_cast %swap3A_1144 : i32 to index
          %swap3A_1146 = arith.index_cast %scan3A_589 : i32 to index
          %swap3A_1147 = arith.constant 624 : index
          %swap3A_1148 = tpu.vector_load %arg12[%swap3A_1145, %swap3A_1146, %swap3A_1147] {strides = array<i32>} : memref<1x16x768xf32, #tpu.memory_space<vmem>>, vector<1x1x16xf32>,
          %swap3A_1149 = vector.shape_cast %swap3A_1148 : vector<1x1x16xf32> to vector<16xf32>
          %swap3A_1150 = vector.shape_cast %mul3A_1143 : vector<16xf32> to vector<1x1x16xf32>
          tpu.vector_store %arg12[%swap3A_1145, %swap3A_1146, %swap3A_1147], %swap3A_1150 {strides = array<i32>} : memref<1x16x768xf32, #tpu.memory_space<vmem>>, vector<1x1x16xf32>,
          %get3A_1151 = arith.constant 0 : i32
          %get3A_1152 = arith.index_cast %get3A_1151 : i32 to index
          %get3A_1153 = arith.index_cast %scan3A_589 : i32 to index
          %get3A_1154 = arith.constant 640 : index
          %get3A_1155 = tpu.vector_load %arg10[%get3A_1152, %get3A_1153, %get3A_1154] {strides = array<i32>} : memref<1x16x768xf32, #tpu.memory_space<vmem>>, vector<1x1x16xf32>,
          %get3A_1156 = vector.shape_cast %get3A_1155 : vector<1x1x16xf32> to vector<16xf32>
          %mul3A_1157 = arith.mulf %get3A_1156, %get3A_568 : vector<16xf32>
          %swap3A_1158 = arith.constant 0 : i32
          %swap3A_1159 = arith.index_cast %swap3A_1158 : i32 to index
          %swap3A_1160 = arith.index_cast %scan3A_589 : i32 to index
          %swap3A_1161 = arith.constant 640 : index
          %swap3A_1162 = tpu.vector_load %arg12[%swap3A_1159, %swap3A_1160, %swap3A_1161] {strides = array<i32>} : memref<1x16x768xf32, #tpu.memory_space<vmem>>, vector<1x1x16xf32>,
          %swap3A_1163 = vector.shape_cast %swap3A_1162 : vector<1x1x16xf32> to vector<16xf32>
          %swap3A_1164 = vector.shape_cast %mul3A_1157 : vector<16xf32> to vector<1x1x16xf32>
          tpu.vector_store %arg12[%swap3A_1159, %swap3A_1160, %swap3A_1161], %swap3A_1164 {strides = array<i32>} : memref<1x16x768xf32, #tpu.memory_space<vmem>>, vector<1x1x16xf32>,
          %get3A_1165 = arith.constant 0 : i32
          %get3A_1166 = arith.index_cast %get3A_1165 : i32 to index
          %get3A_1167 = arith.index_cast %scan3A_589 : i32 to index
          %get3A_1168 = arith.constant 656 : index
          %get3A_1169 = tpu.vector_load %arg10[%get3A_1166, %get3A_1167, %get3A_1168] {strides = array<i32>} : memref<1x16x768xf32, #tpu.memory_space<vmem>>, vector<1x1x16xf32>,
          %get3A_1170 = vector.shape_cast %get3A_1169 : vector<1x1x16xf32> to vector<16xf32>
          %mul3A_1171 = arith.mulf %get3A_1170, %get3A_568 : vector<16xf32>
          %swap3A_1172 = arith.constant 0 : i32
          %swap3A_1173 = arith.index_cast %swap3A_1172 : i32 to index
          %swap3A_1174 = arith.index_cast %scan3A_589 : i32 to index
          %swap3A_1175 = arith.constant 656 : index
          %swap3A_1176 = tpu.vector_load %arg12[%swap3A_1173, %swap3A_1174, %swap3A_1175] {strides = array<i32>} : memref<1x16x768xf32, #tpu.memory_space<vmem>>, vector<1x1x16xf32>,
          %swap3A_1177 = vector.shape_cast %swap3A_1176 : vector<1x1x16xf32> to vector<16xf32>
          %swap3A_1178 = vector.shape_cast %mul3A_1171 : vector<16xf32> to vector<1x1x16xf32>
          tpu.vector_store %arg12[%swap3A_1173, %swap3A_1174, %swap3A_1175], %swap3A_1178 {strides = array<i32>} : memref<1x16x768xf32, #tpu.memory_space<vmem>>, vector<1x1x16xf32>,
          %get3A_1179 = arith.constant 0 : i32
          %get3A_1180 = arith.index_cast %get3A_1179 : i32 to index
          %get3A_1181 = arith.index_cast %scan3A_589 : i32 to index
          %get3A_1182 = arith.constant 672 : index
          %get3A_1183 = tpu.vector_load %arg10[%get3A_1180, %get3A_1181, %get3A_1182] {strides = array<i32>} : memref<1x16x768xf32, #tpu.memory_space<vmem>>, vector<1x1x16xf32>,
          %get3A_1184 = vector.shape_cast %get3A_1183 : vector<1x1x16xf32> to vector<16xf32>
          %mul3A_1185 = arith.mulf %get3A_1184, %get3A_568 : vector<16xf32>
          %swap3A_1186 = arith.constant 0 : i32
          %swap3A_1187 = arith.index_cast %swap3A_1186 : i32 to index
          %swap3A_1188 = arith.index_cast %scan3A_589 : i32 to index
          %swap3A_1189 = arith.constant 672 : index
          %swap3A_1190 = tpu.vector_load %arg12[%swap3A_1187, %swap3A_1188, %swap3A_1189] {strides = array<i32>} : memref<1x16x768xf32, #tpu.memory_space<vmem>>, vector<1x1x16xf32>,
          %swap3A_1191 = vector.shape_cast %swap3A_1190 : vector<1x1x16xf32> to vector<16xf32>
          %swap3A_1192 = vector.shape_cast %mul3A_1185 : vector<16xf32> to vector<1x1x16xf32>
          tpu.vector_store %arg12[%swap3A_1187, %swap3A_1188, %swap3A_1189], %swap3A_1192 {strides = array<i32>} : memref<1x16x768xf32, #tpu.memory_space<vmem>>, vector<1x1x16xf32>,
          %get3A_1193 = arith.constant 0 : i32
          %get3A_1194 = arith.index_cast %get3A_1193 : i32 to index
          %get3A_1195 = arith.index_cast %scan3A_589 : i32 to index
          %get3A_1196 = arith.constant 688 : index
          %get3A_1197 = tpu.vector_load %arg10[%get3A_1194, %get3A_1195, %get3A_1196] {strides = array<i32>} : memref<1x16x768xf32, #tpu.memory_space<vmem>>, vector<1x1x16xf32>,
          %get3A_1198 = vector.shape_cast %get3A_1197 : vector<1x1x16xf32> to vector<16xf32>
          %mul3A_1199 = arith.mulf %get3A_1198, %get3A_568 : vector<16xf32>
          %swap3A_1200 = arith.constant 0 : i32
          %swap3A_1201 = arith.index_cast %swap3A_1200 : i32 to index
          %swap3A_1202 = arith.index_cast %scan3A_589 : i32 to index
          %swap3A_1203 = arith.constant 688 : index
          %swap3A_1204 = tpu.vector_load %arg12[%swap3A_1201, %swap3A_1202, %swap3A_1203] {strides = array<i32>} : memref<1x16x768xf32, #tpu.memory_space<vmem>>, vector<1x1x16xf32>,
          %swap3A_1205 = vector.shape_cast %swap3A_1204 : vector<1x1x16xf32> to vector<16xf32>
          %swap3A_1206 = vector.shape_cast %mul3A_1199 : vector<16xf32> to vector<1x1x16xf32>
          tpu.vector_store %arg12[%swap3A_1201, %swap3A_1202, %swap3A_1203], %swap3A_1206 {strides = array<i32>} : memref<1x16x768xf32, #tpu.memory_space<vmem>>, vector<1x1x16xf32>,
          %get3A_1207 = arith.constant 0 : i32
          %get3A_1208 = arith.index_cast %get3A_1207 : i32 to index
          %get3A_1209 = arith.index_cast %scan3A_589 : i32 to index
          %get3A_1210 = arith.constant 704 : index
          %get3A_1211 = tpu.vector_load %arg10[%get3A_1208, %get3A_1209, %get3A_1210] {strides = array<i32>} : memref<1x16x768xf32, #tpu.memory_space<vmem>>, vector<1x1x16xf32>,
          %get3A_1212 = vector.shape_cast %get3A_1211 : vector<1x1x16xf32> to vector<16xf32>
          %mul3A_1213 = arith.mulf %get3A_1212, %get3A_568 : vector<16xf32>
          %swap3A_1214 = arith.constant 0 : i32
          %swap3A_1215 = arith.index_cast %swap3A_1214 : i32 to index
          %swap3A_1216 = arith.index_cast %scan3A_589 : i32 to index
          %swap3A_1217 = arith.constant 704 : index
          %swap3A_1218 = tpu.vector_load %arg12[%swap3A_1215, %swap3A_1216, %swap3A_1217] {strides = array<i32>} : memref<1x16x768xf32, #tpu.memory_space<vmem>>, vector<1x1x16xf32>,
          %swap3A_1219 = vector.shape_cast %swap3A_1218 : vector<1x1x16xf32> to vector<16xf32>
          %swap3A_1220 = vector.shape_cast %mul3A_1213 : vector<16xf32> to vector<1x1x16xf32>
          tpu.vector_store %arg12[%swap3A_1215, %swap3A_1216, %swap3A_1217], %swap3A_1220 {strides = array<i32>} : memref<1x16x768xf32, #tpu.memory_space<vmem>>, vector<1x1x16xf32>,
          %get3A_1221 = arith.constant 0 : i32
          %get3A_1222 = arith.index_cast %get3A_1221 : i32 to index
          %get3A_1223 = arith.index_cast %scan3A_589 : i32 to index
          %get3A_1224 = arith.constant 720 : index
          %get3A_1225 = tpu.vector_load %arg10[%get3A_1222, %get3A_1223, %get3A_1224] {strides = array<i32>} : memref<1x16x768xf32, #tpu.memory_space<vmem>>, vector<1x1x16xf32>,
          %get3A_1226 = vector.shape_cast %get3A_1225 : vector<1x1x16xf32> to vector<16xf32>
          %mul3A_1227 = arith.mulf %get3A_1226, %get3A_568 : vector<16xf32>
          %swap3A_1228 = arith.constant 0 : i32
          %swap3A_1229 = arith.index_cast %swap3A_1228 : i32 to index
          %swap3A_1230 = arith.index_cast %scan3A_589 : i32 to index
          %swap3A_1231 = arith.constant 720 : index
          %swap3A_1232 = tpu.vector_load %arg12[%swap3A_1229, %swap3A_1230, %swap3A_1231] {strides = array<i32>} : memref<1x16x768xf32, #tpu.memory_space<vmem>>, vector<1x1x16xf32>,
          %swap3A_1233 = vector.shape_cast %swap3A_1232 : vector<1x1x16xf32> to vector<16xf32>
          %swap3A_1234 = vector.shape_cast %mul3A_1227 : vector<16xf32> to vector<1x1x16xf32>
          tpu.vector_store %arg12[%swap3A_1229, %swap3A_1230, %swap3A_1231], %swap3A_1234 {strides = array<i32>} : memref<1x16x768xf32, #tpu.memory_space<vmem>>, vector<1x1x16xf32>,
          %get3A_1235 = arith.constant 0 : i32
          %get3A_1236 = arith.index_cast %get3A_1235 : i32 to index
          %get3A_1237 = arith.index_cast %scan3A_589 : i32 to index
          %get3A_1238 = arith.constant 736 : index
          %get3A_1239 = tpu.vector_load %arg10[%get3A_1236, %get3A_1237, %get3A_1238] {strides = array<i32>} : memref<1x16x768xf32, #tpu.memory_space<vmem>>, vector<1x1x16xf32>,
          %get3A_1240 = vector.shape_cast %get3A_1239 : vector<1x1x16xf32> to vector<16xf32>
          %mul3A_1241 = arith.mulf %get3A_1240, %get3A_568 : vector<16xf32>
          %swap3A_1242 = arith.constant 0 : i32
          %swap3A_1243 = arith.index_cast %swap3A_1242 : i32 to index
          %swap3A_1244 = arith.index_cast %scan3A_589 : i32 to index
          %swap3A_1245 = arith.constant 736 : index
          %swap3A_1246 = tpu.vector_load %arg12[%swap3A_1243, %swap3A_1244, %swap3A_1245] {strides = array<i32>} : memref<1x16x768xf32, #tpu.memory_space<vmem>>, vector<1x1x16xf32>,
          %swap3A_1247 = vector.shape_cast %swap3A_1246 : vector<1x1x16xf32> to vector<16xf32>
          %swap3A_1248 = vector.shape_cast %mul3A_1241 : vector<16xf32> to vector<1x1x16xf32>
          tpu.vector_store %arg12[%swap3A_1243, %swap3A_1244, %swap3A_1245], %swap3A_1248 {strides = array<i32>} : memref<1x16x768xf32, #tpu.memory_space<vmem>>, vector<1x1x16xf32>,
          %get3A_1249 = arith.constant 0 : i32
          %get3A_1250 = arith.index_cast %get3A_1249 : i32 to index
          %get3A_1251 = arith.index_cast %scan3A_589 : i32 to index
          %get3A_1252 = arith.constant 752 : index
          %get3A_1253 = tpu.vector_load %arg10[%get3A_1250, %get3A_1251, %get3A_1252] {strides = array<i32>} : memref<1x16x768xf32, #tpu.memory_space<vmem>>, vector<1x1x16xf32>,
          %get3A_1254 = vector.shape_cast %get3A_1253 : vector<1x1x16xf32> to vector<16xf32>
          %mul3A_1255 = arith.mulf %get3A_1254, %get3A_568 : vector<16xf32>
          %swap3A_1256 = arith.constant 0 : i32
          %swap3A_1257 = arith.index_cast %swap3A_1256 : i32 to index
          %swap3A_1258 = arith.index_cast %scan3A_589 : i32 to index
          %swap3A_1259 = arith.constant 752 : index
          %swap3A_1260 = tpu.vector_load %arg12[%swap3A_1257, %swap3A_1258, %swap3A_1259] {strides = array<i32>} : memref<1x16x768xf32, #tpu.memory_space<vmem>>, vector<1x1x16xf32>,
          %swap3A_1261 = vector.shape_cast %swap3A_1260 : vector<1x1x16xf32> to vector<16xf32>
          %swap3A_1262 = vector.shape_cast %mul3A_1255 : vector<16xf32> to vector<1x1x16xf32>
          tpu.vector_store %arg12[%swap3A_1257, %swap3A_1258, %swap3A_1259], %swap3A_1262 {strides = array<i32>} : memref<1x16x768xf32, #tpu.memory_space<vmem>>, vector<1x1x16xf32>,
          %scan3A_1263 = arith.constant 0 : i32
          scf.yield %scan3A_1263 : i32
        }
        %scan3A_575 = arith.constant 16 : i32
        %eq3A = arith.constant 36 : i32
        %eq3A_576 = arith.cmpi eq, %add3A_530, %eq3A : i32
        %add3A_577 = arith.constant 1152 : i32
        %add3A_578 = arith.addi %add3A_577, %add3A : i32
        %mul3A_579 = arith.constant 36 : i32
        %mul3A_580 = arith.muli %add3A, %mul3A_579 : i32
        %add3A_581 = arith.addi %mul3A_580, %add3A_530 : i32
        %select_n3A_582 = arith.select %eq3A_576, %add3A_578, %add3A_581 : i32
        %dma_start3A_583 = arith.constant 0 : i32
        %dma_start3A_584 = arith.constant 0 : i32
        %dma_start3A_585 = tpu.memref_slice %arg5[%select_n3A_582, %dma_start3A_583, %dma_start3A_584] : memref<1154x16x768xf32, #tpu.memory_space<hbm>> -> memref<1x16x768xf32, #tpu.memory_space<hbm>>
        %dma_start3A_586 = arith.constant 0 : i32
        %dma_start3A_587 = arith.constant 0 : i32
        %dma_start3A_588 = tpu.memref_slice %arg5[%select_n3A_582, %dma_start3A_586, %dma_start3A_587] : memref<1154x16x768xf32, #tpu.memory_space<hbm>> -> memref<1x16x768xf32, #tpu.memory_space<hbm>>
        tpu.enqueue_dma source(%arg12 : memref<1x16x768xf32, #tpu.memory_space<vmem>>) target(%dma_start3A_588 : memref<1x16x768xf32, #tpu.memory_space<hbm>>) target_semaphore(%arg16 : memref<!tpu.dma_semaphore, #tpu.memory_space<semaphore_mem>>)
      } else {
      }
      %add3A_552 = arith.constant 2 : i32
      %add3A_553 = arith.addi %add3A_530, %add3A_552 : i32
      %mul3A_554 = arith.constant 8 : i32
      %mul3A_555 = arith.muli %mul3A_554, %add3A_553 : i32
      %multiple_of3A_556 = tpu.assume_multiple %mul3A_555, 8 : i32
      %dma_start3A_557 = arith.constant 0 : i32
      %dma_start3A_558 = tpu.memref_slice %arg6[%dma_start3A_557, %multiple_of3A_556] : memref<1x512xi32, #tpu.memory_space<vmem>> -> memref<1x1xi32, #tpu.memory_space<vmem>>
      %dma_start3A_559 = tpu.memref_squeeze %dma_start3A_558 : memref<1x1xi32, #tpu.memory_space<vmem>> -> memref<1xi32, #tpu.memory_space<vmem>>
      %dma_start3A_560 = arith.constant 0 : i32
      %dma_start3A_561 = arith.constant 0 : i32
      %dma_start3A_562 = arith.constant 0 : i32
      %dma_start3A_563 = tpu.memref_slice %arg2[%dma_start3A_560, %dma_start3A_561, %dma_start3A_562] : memref<1154x16x768xf32, #tpu.memory_space<hbm>> -> memref<1154x16x768xf32, #tpu.memory_space<hbm>>
      tpu.enqueue_indirect_dma source(%dma_start3A_563 : memref<1154x16x768xf32, #tpu.memory_space<hbm>>) target(%arg10 : memref<1x16x768xf32, #tpu.memory_space<vmem>>) offsets(%dma_start3A_559 : memref<1xi32, #tpu.memory_space<vmem>>) semaphore(%arg14 : memref<!tpu.dma_semaphore, #tpu.memory_space<semaphore_mem>>)
      %scan3A_564 = arith.constant 0 : i32
      scf.yield %scan3A_564 : i32
    }
    %scan3A_468 = arith.constant 19 : i32
    %dma_wait3A = arith.constant 0 : i32
    %dma_wait3A_469 = arith.constant 0 : i32
    %dma_wait3A_470 = tpu.memref_slice %arg6[%dma_wait3A, %dma_wait3A_469] : memref<1x512xi32, #tpu.memory_space<vmem>> -> memref<1x1xi32, #tpu.memory_space<vmem>>
    %dma_wait3A_471 = tpu.memref_squeeze %dma_wait3A_470 : memref<1x1xi32, #tpu.memory_space<vmem>> -> memref<1xi32, #tpu.memory_space<vmem>>
    %dma_wait3A_472 = arith.constant 0 : i32
    %dma_wait3A_473 = arith.constant 0 : i32
    %dma_wait3A_474 = arith.constant 0 : i32
    %dma_wait3A_475 = tpu.memref_slice %arg2[%dma_wait3A_472, %dma_wait3A_473, %dma_wait3A_474] : memref<1154x16x768xf32, #tpu.memory_space<hbm>> -> memref<1154x16x768xf32, #tpu.memory_space<hbm>>
    tpu.wait_indirect_dma semaphore(%arg13 : memref<!tpu.dma_semaphore, #tpu.memory_space<semaphore_mem>>) src(%dma_wait3A_475 : memref<1154x16x768xf32, #tpu.memory_space<hbm>>) dst(%arg9 : memref<1x16x768xf32, #tpu.memory_space<vmem>>)
    %gt3A = arith.constant 36 : i32
    %gt3A_476 = arith.cmpi sgt, %add3A_4, %gt3A : i32
    %convert_element_type3A = arith.extui %gt3A_476 : i1 to i32
    %cond3A = arith.constant 0 : i32
    %cond3A_477 = arith.cmpi ne, %convert_element_type3A, %cond3A : i32
    scf.if %cond3A_477 {
      %dma_wait3A_491 = arith.constant 0 : i32
      %dma_wait3A_492 = arith.constant 0 : i32
      %dma_wait3A_493 = arith.constant 0 : i32
      %dma_wait3A_494 = tpu.memref_slice %arg5[%dma_wait3A_491, %dma_wait3A_492, %dma_wait3A_493] : memref<1154x16x768xf32, #tpu.memory_space<hbm>> -> memref<1x16x768xf32, #tpu.memory_space<hbm>>
      %dma_wait3A_495 = arith.constant 0 : i32
      %dma_wait3A_496 = arith.constant 0 : i32
      %dma_wait3A_497 = arith.constant 0 : i32
      %dma_wait3A_498 = tpu.memref_slice %arg5[%dma_wait3A_495, %dma_wait3A_496, %dma_wait3A_497] : memref<1154x16x768xf32, #tpu.memory_space<hbm>> -> memref<1x16x768xf32, #tpu.memory_space<hbm>>
      tpu.wait_dma2 semaphore(%arg15 : memref<!tpu.dma_semaphore, #tpu.memory_space<semaphore_mem>>) src(%arg11 : memref<1x16x768xf32, #tpu.memory_space<vmem>>) dst(%dma_wait3A_498 : memref<1x16x768xf32, #tpu.memory_space<hbm>>)
    } else {
    }
    %dma_wait3A_478 = arith.constant 0 : i32
    %dma_wait3A_479 = arith.constant 0 : i32
    %dma_wait3A_480 = tpu.memref_slice %arg6[%dma_wait3A_478, %dma_wait3A_479] : memref<1x512xi32, #tpu.memory_space<vmem>> -> memref<1x1xi32, #tpu.memory_space<vmem>>
    %dma_wait3A_481 = tpu.memref_squeeze %dma_wait3A_480 : memref<1x1xi32, #tpu.memory_space<vmem>> -> memref<1xi32, #tpu.memory_space<vmem>>
    %dma_wait3A_482 = arith.constant 0 : i32
    %dma_wait3A_483 = arith.constant 0 : i32
    %dma_wait3A_484 = arith.constant 0 : i32
    %dma_wait3A_485 = tpu.memref_slice %arg2[%dma_wait3A_482, %dma_wait3A_483, %dma_wait3A_484] : memref<1154x16x768xf32, #tpu.memory_space<hbm>> -> memref<1154x16x768xf32, #tpu.memory_space<hbm>>
    tpu.wait_indirect_dma semaphore(%arg14 : memref<!tpu.dma_semaphore, #tpu.memory_space<semaphore_mem>>) src(%dma_wait3A_485 : memref<1154x16x768xf32, #tpu.memory_space<hbm>>) dst(%arg10 : memref<1x16x768xf32, #tpu.memory_space<vmem>>)
    %gt3A_486 = arith.constant 37 : i32
    %gt3A_487 = arith.cmpi sgt, %add3A_4, %gt3A_486 : i32
    %convert_element_type3A_488 = arith.extui %gt3A_487 : i1 to i32
    %cond3A_489 = arith.constant 0 : i32
    %cond3A_490 = arith.cmpi ne, %convert_element_type3A_488, %cond3A_489 : i32
    scf.if %cond3A_490 {
      %dma_wait3A_491 = arith.constant 0 : i32
      %dma_wait3A_492 = arith.constant 0 : i32
      %dma_wait3A_493 = arith.constant 0 : i32
      %dma_wait3A_494 = tpu.memref_slice %arg5[%dma_wait3A_491, %dma_wait3A_492, %dma_wait3A_493] : memref<1154x16x768xf32, #tpu.memory_space<hbm>> -> memref<1x16x768xf32, #tpu.memory_space<hbm>>
      %dma_wait3A_495 = arith.constant 0 : i32
      %dma_wait3A_496 = arith.constant 0 : i32
      %dma_wait3A_497 = arith.constant 0 : i32
      %dma_wait3A_498 = tpu.memref_slice %arg5[%dma_wait3A_495, %dma_wait3A_496, %dma_wait3A_497] : memref<1154x16x768xf32, #tpu.memory_space<hbm>> -> memref<1x16x768xf32, #tpu.memory_space<hbm>>
      tpu.wait_dma2 semaphore(%arg16 : memref<!tpu.dma_semaphore, #tpu.memory_space<semaphore_mem>>) src(%arg12 : memref<1x16x768xf32, #tpu.memory_space<vmem>>) dst(%dma_wait3A_498 : memref<1x16x768xf32, #tpu.memory_space<hbm>>)
    } else {
    }
    return
  }
}

</mosaic_0001>

<sc_bundles>
// kernel: kernel.3.cloned.1.call-start
scs
__scs_entry_jumppad:
0x0: {  	(pc) =	sbr.rel $0x88, $3  }
0x1: {  	(tag) =	ssettag $0x0;
	lr =	simm.s32 $0x1  }
0x2: {  	[smem:$0x3F9D] =	sst lr;
	_ =	strace $0xD0000000  }
0x3: {  	_ = 	snop  }
0x4: {  	_ = 	snop  }
0x5: {  	_ = 	snop  }
0x6: {  	_ = 	snop  }
0x7: {  	_ = 	snop  }
__scs_overlays_trampoline_lowered:
0x8: {  	[smem:$0x3FAC] =	sst s0  }
0x9: {  	[smem:$0x3FAD] =	sst s1  }
0xa: {  	[smem:$0x3FAE] =	sst s2  }
0xb: {  	[smem:$0x3FAF] =	sst s3  }
0xc: {  	[smem:$0x3FB0] =	sst s4  }
0xd: {  	[smem:$0x3FB1] =	sst s5  }
0xe: {  	[smem:$0x3FB2] =	sst s6  }
0xf: {  	[smem:$0x3FB3] =	sst s7  }
0x10: {  	[smem:$0x3FB4] =	sst s8  }
0x11: {  	[smem:$0x3FB5] =	sst s9;
	s0 =	simm.s32 @!p0 $0x0  }
0x12: {  	s1 =	sld [smem:$0x3F9B];
	s0 =	simm.s32 @p0 $0x1  }
0x13: {  	[smem:$0x3FB6] =	sst s0;
	s0 =	simm.s32 @!p1 $0x0  }
0x14: {  	s2 =	sld [smem:$0x3F9A];
	s0 =	simm.s32 @p1 $0x1  }
0x15: {  	[smem:$0x3FB7] =	sst s0;
	s0 =	simm.s32 @!p2 $0x0  }
0x16: {  	s3 =	sld [smem:$0x3FDB];
	s0 =	simm.s32 @p2 $0x1  }
0x17: {  	s4 =	simm.s32 $0x1BF5;
	[smem:$0x3FB9] =	sst s0  }
0x18: {  	s0 =	sld [smem:$0x3F9C];
	_ =	swait.ge [sflag:s4], $0x0  }
0x19: {  	s7 =	sld [smem:$0x3F9D]  }
0x1a: {  	s8 =	sadd.s32 $0xFFFFE003, lr  }
0x1b: {  	s9 =	sadd.s32 $0xFFFFFEF7, lr;
	s5 =	simm.s32 $0xFFFFFFFF;
	p2 =	slt.u32 s8, $0xFFFFF086  }
0x1c: {  	p1 =	slt.u32 s9, $0xF7A;
	s5 =	simm.s32 @!p2 $0x0  }
0x1d: {  	s5 =	simm.s32 @p1 $0x1;
	p0 =	seq.s32 s7, s2  }
0x1e: {  	s7 =	smul.u32 @!p0 $0xF7A, s2;
	p2 =	seq.s32 @!p0 s5, $0x0  }
0x1f: {  	s9 =	smul.u32 $0xF7A, s1;
	s8 =	simm.s32 @!p0 $0x1BF5;
	p2 =	por !p2, p0  }
0x20: {  	[sflag:s8] =	ssyncset.s32 @!p0 $0xFFFFF086;
	s6 =	sadd.s32 @!p0 s3, s7;
	s7 =	simm.s32 @!p0 $0x108  }
0x21: {  	s3 =	sadd.s32 s3, s9;
	s6 =	sadd.s32 @!p0 $0x88, s6;
	s7 =	simm.s32 @p2 $0x1082  }
0x22: {  	[simem:s7], [sflag:s8] =	dma.local @!p0 [hbm:s6], $0xF7A  }
0x23: {  	s9 =	sor.u32 $0xD0000000, s2;
	s6 =	simm.s32 $0x108;
	_ =	swait.ge @!p0 [sflag:s8], $0x0  }
0x24: {  	s3 =	sadd.s32 $0x88, s3;
	s6 =	simm.s32 @!p1 $0x1082;
	[sflag:s4] =	ssyncset.s32 $0xFFFFF086  }
0x25: {  	[simem:s6], [sflag:s4] =	dma.local [hbm:s3], $0xF7A  }
0x26: {  	[smem:$0x3F9D] =	sst s1;
	(tag) =	ssettag s2;
	_ =	strace s9  }
0x27: {  	s1 =	sld [smem:$0x3FAD]  }
0x28: {  	s2 =	sld [smem:$0x3FAE]  }
0x29: {  	s4 =	sld [smem:$0x3FB0]  }
0x2a: {  	p0 =	seq.s32 s5, $0x0;
	s5 =	sld [smem:$0x3FB1]  }
0x2b: {  	s6 =	sld [smem:$0x3FB2]  }
0x2c: {  	s7 =	sld [smem:$0x3FB3]  }
0x2d: {  	s3 =	simm.s32 $0x108;
	s8 =	sld [smem:$0x3FB4]  }
0x2e: {  	s3 =	simm.s32 @!p0 $0x1082;
	s9 =	sld [smem:$0x3FB5]  }
0x2f: {  	lr =	sadd.s32 s0, s3;
	s0 =	sld [smem:$0x3FAC]  }
0x30: {  	s3 =	sld [smem:$0x3FAF]  }
0x31: {  	[smem:$0x3FB8] =	sst s10  }
0x32: {  	s10 =	sld [smem:$0x3FB6];
	_ =	sdelay $0x3  }
0x33: {  	p0 =	seq.s32 s10, $0x1;
	s10 =	sld [smem:$0x3FB8];
	_ =	sdelay $0x3  }
0x34: {  	[smem:$0x3FB8] =	sst s10  }
0x35: {  	s10 =	sld [smem:$0x3FB7];
	_ =	sdelay $0x3  }
0x36: {  	p1 =	seq.s32 s10, $0x1;
	s10 =	sld [smem:$0x3FB8];
	_ =	sdelay $0x3  }
0x37: {  	[smem:$0x3FB8] =	sst s10  }
0x38: {  	s10 =	sld [smem:$0x3FB9]  }
0x39: {  	_ = 	snop;
	(pc) =	sbr.ind lr, $3  }
0x3a: {  	_ = 	snop  }
0x3b: {  	_ = 	snop  }
0x3c: {  	p2 =	seq.s32 s10, $0x1;
	s10 =	sld [smem:$0x3FB8]  }
0x3d: {  	_ =	shalt  }
0x3e: {  	_ =	shalt  }
0x3f: {  	_ =	shalt  }
0x40: {  	_ =	shalt  }
0x41: {  	_ =	shalt  }
0x42: {  	_ =	shalt  }
0x43: {  	_ =	shalt  }
0x44: {  	_ =	shalt  }
0x45: {  	_ =	shalt  }
0x46: {  	_ =	shalt  }
0x47: {  	_ =	shalt  }
0x48: {  	_ =	shalt  }
0x49: {  	_ =	shalt  }
0x4a: {  	_ =	shalt  }
0x4b: {  	_ =	shalt  }
0x4c: {  	_ =	shalt  }
0x4d: {  	_ =	shalt  }
0x4e: {  	_ =	shalt  }
0x4f: {  	_ =	shalt  }
0x50: {  	_ =	shalt  }
0x51: {  	_ =	shalt  }
0x52: {  	_ =	shalt  }
0x53: {  	_ =	shalt  }
0x54: {  	_ =	shalt  }
0x55: {  	_ =	shalt  }
0x56: {  	_ =	shalt  }
0x57: {  	_ =	shalt  }
0x58: {  	_ =	shalt  }
0x59: {  	_ =	shalt  }
0x5a: {  	_ =	shalt  }
0x5b: {  	_ =	shalt  }
0x5c: {  	_ =	shalt  }
0x5d: {  	_ =	shalt  }
0x5e: {  	_ =	shalt  }
0x5f: {  	_ =	shalt  }
0x60: {  	_ =	shalt  }
0x61: {  	_ =	shalt  }
0x62: {  	_ =	shalt  }
0x63: {  	_ =	shalt  }
0x64: {  	_ =	shalt  }
0x65: {  	_ =	shalt  }
0x66: {  	_ =	shalt  }
0x67: {  	_ =	shalt  }
0x68: {  	_ =	shalt  }
0x69: {  	_ =	shalt  }
0x6a: {  	_ =	shalt  }
0x6b: {  	_ =	shalt  }
0x6c: {  	_ =	shalt  }
0x6d: {  	_ =	shalt  }
0x6e: {  	_ =	shalt  }
0x6f: {  	_ =	shalt  }
0x70: {  	_ =	shalt  }
0x71: {  	_ =	shalt  }
0x72: {  	_ =	shalt  }
0x73: {  	_ =	shalt  }
0x74: {  	_ =	shalt  }
0x75: {  	_ =	shalt  }
0x76: {  	_ =	shalt  }
0x77: {  	_ =	shalt  }
0x78: {  	_ =	shalt  }
0x79: {  	_ =	shalt  }
0x7a: {  	_ =	shalt  }
0x7b: {  	_ =	shalt  }
0x7c: {  	_ =	shalt  }
0x7d: {  	_ =	shalt  }
0x7e: {  	_ =	shalt  }
0x7f: {  	_ =	shalt  }
0x80: {  	_ =	shalt  }
0x81: {  	_ =	shalt  }
0x82: {  	_ =	shalt  }
0x83: {  	_ =	shalt  }
0x84: {  	_ =	shalt  }
0x85: {  	_ =	shalt  }
0x86: {  	_ =	shalt  }
0x87: {  	_ =	shalt  }
.Lfunc_end0:
.L_simem_size_0:
called_computation_lowered:
.L_overlay_start_0:
0x88: {  	s2 =	sld [smem:$0x3FD9]  }
0x89: {  	s3 =	sld [smem:$0x3FFE];
	_ =	sdelay $0x1  }
0x8a: {  	s1 =	srdreg.scid  }
0x8b: {  	s0 =	sand.u32 $0x1, s1  }
0x8c: {  	s17 =	sshll.u32 s0, $0xA;
	s2 =	sadd.s32 s3, s2  }
0x8d: {  	s2 =	sadd.s32 s2, s17  }
0x8e: {  	[smem:$0x3FC4] =	sst s2  }
0x8f: {  	_ = 	snop  }
0x90: {  	s2 =	sld [smem:$0x3FC9]  }
0x91: {  	s18 =	sld [smem:$0x3FD0];
	(tm) =	ssettm $0x1  }
0x92: {  	s4 =	sld [smem:$0x3FFB];
	_ =	sdelay $0x3  }
0x93: {  	_ =	strace s4  }
0x94: {  	s4 =	sld [smem:$0x3FFC];
	_ =	sdelay $0x3  }
0x95: {  	_ =	strace s4  }
0x96: {  	s4 =	sld [smem:$0x3FFD];
	_ =	sdelay $0x3  }
0x97: {  	_ =	strace s4  }
0x98: {  	_ =	strace $0x8FFFFFFF  }
0x99: {  	s19 =	sld [smem:$0x3FDB];
	_ =	sdelay $0x1  }
0x9a: {  	s5 =	simm.s32 $_scs_section_size  }
0x9b: {  	s6 =	simm.s32 $_size__tile_overlayer_lowered;
	s7 =	simm.s32 $_tile_overlayer_lowered  }
0x9c: {  	s22 =	simm.s32 $0x1BFF;
	s21 =	sshll.u32 s7, $0x1;
	s4 =	sadd.s32 s5, s19  }
0x9d: {  	s8 =	simm.s32 $0x0;
	s20 =	sshll.u32 s6, $0x1;
	s6 =	sadd.s32 s21, s4  }
0x9e: {  	[timem:s8], [sflag:s22] =	dma.local [hbm:s6], s20  }
0x9f: {  	_ =	swait.ge [sflag:s22], s20  }
0xa0: {  	s5 =	ssub.s32 $0x0, s20;
	[sflag:s22] =	ssyncset.done $0x0  }
0xa1: {  	[sflag:s22] =	ssyncadd.s32 s5;
	_ =	sdelay $0x1  }
0xa2: {  	s23 =	simm.s32 $0x1B8B  }
0xa3: {  	_ =	swait.ge [sflag:s23], $0x1  }
0xa4: {  	[sflag:s23] =	ssyncset.done $0x0  }
0xa5: {  	s25 =	simm.s32 $0x1B8E;
	s24 =	sld [smem:$0x3FFE];
	[sflag:s23] =	ssyncadd.s32 $0xFFFFFFFF  }
0xa6: {  	s26 =	simm.s32 $execute0_lowered;
	[smem:$0x3FD2] =	sst s25  }
0xa7: {  	s6 =	sshll.u32 s26, $0x1;
	_ =	strace $0x80000046;
	[dreg:$0x1] =	wrdreg $0xFFFFFFFF  }
0xa8: {  	s28 =	simm.s32 $_size_execute0_lowered;
	s4 =	sadd.s32 s4, s6;
	[dreg:$0x0] =	wrdreg $0x0  }
0xa9: {  	s6 =	sshll.u32 s28, $0x1;
	[dreg:$0x2] =	wrdreg s4  }
0xaa: {  	[dreg:$0x3] =	wrdreg s6  }
0xab: {  	[dreg:$0x4] =	wrdreg $0xC0  }
0xac: {  	_ =	task [dreg:s8], $0x5FFFF  }
0xad: {  	[dreg:$0x1] =	wrdreg $0xFFFFFFFF  }
0xae: {  	[dreg:$0x0] =	wrdreg $0x60  }
0xaf: {  	[dreg:$0x2] =	wrdreg s2  }
0xb0: {  	[dreg:$0x3] =	wrdreg s24  }
0xb1: {  	[dreg:$0x4] =	wrdreg s18  }
0xb2: {  	[dreg:$0x5] =	wrdreg $0x9  }
0xb3: {  	_ =	task.clear_ibuf [dreg:s8], $0x6FFFF;
	_ =	strace $0x90000046  }
0xb4: {  	s29 =	simm.s32 $0x9;
	_ =	strace $0x80000048  }
0xb5: {  	_ =	swait.ge [sflag:s29], $0x1  }
0xb6: {  	[sflag:s29] =	ssyncadd.s32 $0xFFFFFFFF  }
0xb7: {  	_ =	strace $0x90000048  }
0xb8: {  	_ =	sfence  }
0xb9: {  	s30 =	sld [smem:$0x0];
	_ =	sdelay $0x2  }
0xba: {  	s31 =	sshll.u32 s1, $0xD;
	s1 =	sshrl.u32 s1, $0x2  }
0xbb: {  	s3 =	sand.u32 $0x4000, s31;
	s1 =	sadd.s32 s1, s30  }
0xbc: {  	s0 =	sor.u32 s3, s0;
	s1 =	sshll.u32 s1, $0x11  }
0xbd: {  	s0 =	sor.u32 s1, s0  }
0xbe: {  	s0 =	sadd.s32 $0x8F2B, s0  }
0xbf: {  	[sflag:s0] =	ssyncadd.remote.s32 $0x1  }
0xc0: {  	_ =	sfence.sel $0xFFFF  }
0xc1: {  	[dreg:$0x0] =	wrdreg $0xFFFFFFFF;
	(pc) =	sbr.abs _section_cstart, $3  }
0xc2: {  	[dreg:$0x1] =	wrdreg $0xFFFFFFFF  }
0xc3: {  	_ =	task.clear_ibuf [dreg:s8], $0x2FFFF;
	_ =	strace $0x9FFFFFFF  }
0xc4: {  	(tm) =	ssettm $0x7FFFFFFF  }
0xc5: {  	_ =	shalt  }
tec
execute0_lowered:
.L_overlay_start_1:
0x0: {  	(tag) =	ssettag $0x1  }
0x1: {  	s0 =	rddreg [dreg:$0x0]  }
0x2: {  	s5 =	rddreg [dreg:$0x1]  }
0x3: {  	s1 =	srdreg.scid;
	s18 =	stileid.u32  }
0x4: {  	s2 =	rddreg [dreg:$0x2];
	s3 =	simm.s32 $0x0;
	s10 =	simm.s32 $0x5  }
0x5: {  	s11 =	simm.s32 $0x200;
	s12 =	simm.s32 $0x1A80;
	s13 =	simm.s32 $0x4A80  }
0x6: {  	s14 =	simm.s32 $0x1;
	s15 =	simm.s32 $0x7A80;
	s16 =	simm.s32 $0x2  }
0x7: {  	s17 =	simm.s32 $0xAA80;
	s4 =	sand.u32 $0x1, s1;
	s1 =	rddreg [dreg:$0x3]  }
0x8: {  	s6 =	sshll.u32 s18, $0x1;
	[smem:$0x7FF] =	sst s3;
	p0 =	seq.s32 s18, $0x0  }
0x9: {  	s8 =	sor.u32 s4, s6;
	_ =	strace $0x80000047;
	s7 =	ssub.s32 $0x2, s4  }
.Ltmp0:
0xa: {  	s4 =	simm.s32 $0x25;
	s6 =	sshll.u32 s8, $0x4;
	(pc) =	sbr.rel .LBB2_1-.Ltmp0, $4  }
0xb: {  	s9 =	sshrl.u32 s7, $0x1;
	s4 =	simm.s32 @!p0 $0x24;
	s31 =	sshll.u32 s8, $0x6  }
0xc: {  	p0 =	sne.s32 s18, $0x0;
	s18 =	simm.s32 $0x0;
	s6 =	sadd.s32 s6, s5  }
0xd: {  	s9 =	ssub.s32 s7, s9;
	s5 =	sadd.s32 s5, s31;
	s7 =	sor.u32 $0x480, s8  }
0xe: {  	vm0 =	vmmov $0x1;
	v0 =	vlaneseq.u32;
	s8 =	smul.u32 $0x24, s8;
	s6 =	sadd.s32 $0x800, s6;
	s9 =	smax.u32 s9, $0x1  }
.LBB2_11:
0xf: {  	_ =	swait.ge [sflag:s14], $0x3000  }
0x10: {  	[sflag:s14] =	ssyncset.done $0x0  }
0x11: {  	s19 =	simm.s32 @!p0 $0x3;
	s18 =	sadd.s32 $0x1, s18;
	[sflag:s14] =	ssyncadd.s32 $0xFFFFD000  }
0x12: {  	p1 =	sne.s32 s18, s9;
	_ =	swait.ge @!p0 [sflag:s19], $0x3000  }
.Ltmp1:
0x13: {  	[sflag:s19] =	ssyncset.done @!p0 $0x0;
	(pc) =	sbr.rel @!p1 .LBB2_12-.Ltmp1, $4  }
0x14: {  	[sflag:s19] =	ssyncadd.s32 @!p0 $0xFFFFD000  }
0x15: {  	_ =	swait.ge [sflag:s16], $0x3000  }
0x16: {  	[sflag:s16] =	ssyncset.done $0x0  }
0x17: {  	[sflag:s16] =	ssyncadd.s32 $0xFFFFD000  }
.LBB2_1:
0x18: {  	[tilespmem:s3], [sflag:$0x5] =	stream.linear.gather [hbm4b:s5+s3], $0x200, $0x38;
	[tilespmem:$0xDA80] =	vst v63  }
0x19: {  	_ =	swait.ge [sflag:s10], $0x200  }
0x1a: {  	[sflag:s10] =	ssyncset.done $0x0  }
0x1b: {  	[sflag:s10] =	ssyncadd.s32 $0xFFFFFE00  }
0x1c: {  	[tilespmem:s11], [sflag:$0x5] =	stream.linear.gather [hbm4b:s6+s3], $0x80, $0x38;
	[tilespmem:$0xDA80] =	vst v63  }
0x1d: {  	_ =	swait.ge [sflag:s10], $0x80  }
0x1e: {  	[sflag:s10] =	ssyncset.done $0x0  }
0x1f: {  	[sflag:s10] =	ssyncadd.s32 $0xFFFFFF80  }
0x20: {  	v1 =	vld [tilespmem:$0x200];
	_ =	sdelay $0x4  }
0x21: {  	v2 =	vbroadcast v1, $0x0  }
0x22: {  	v3 =	vbroadcast v1, $0x1  }
0x23: {  	[tilespmem:$0x280] =	vst v2;
	v2 =	vbroadcast v1, $0x2  }
0x24: {  	[tilespmem:$0x300] =	vst v3;
	v3 =	vbroadcast v1, $0x3  }
0x25: {  	[tilespmem:$0x380] =	vst v2;
	v2 =	vbroadcast v1, $0x4  }
0x26: {  	[tilespmem:$0x400] =	vst v3;
	v3 =	vbroadcast v1, $0x5  }
0x27: {  	[tilespmem:$0x480] =	vst v2;
	v2 =	vbroadcast v1, $0x6  }
0x28: {  	[tilespmem:$0x500] =	vst v3;
	v3 =	vbroadcast v1, $0x7  }
0x29: {  	[tilespmem:$0x580] =	vst v2;
	v2 =	vbroadcast v1, $0x8  }
0x2a: {  	[tilespmem:$0x600] =	vst v3;
	v3 =	vbroadcast v1, $0x9  }
0x2b: {  	[tilespmem:$0x680] =	vst v2;
	v2 =	vbroadcast v1, $0xA  }
0x2c: {  	v4 =	vld [tilespmem:$0x210];
	[tilespmem:$0x700] =	vst v3;
	v3 =	vbroadcast v1, $0xB  }
0x2d: {  	[tilespmem:$0x780] =	vst v2;
	v2 =	vbroadcast v1, $0xC  }
0x2e: {  	[tilespmem:$0x800] =	vst v3;
	v3 =	vbroadcast v1, $0xD  }
0x2f: {  	[tilespmem:$0x880] =	vst v2;
	v2 =	vbroadcast v1, $0xE  }
0x30: {  	[tilespmem:$0x900] =	vst v3;
	v1 =	vbroadcast v1, $0xF  }
0x31: {  	[tilespmem:$0x980] =	vst v2;
	v2 =	vbroadcast v4, $0x0  }
0x32: {  	[tilespmem:$0xA00] =	vst v1;
	v1 =	vbroadcast v4, $0x1  }
0x33: {  	[tilespmem:$0xA80] =	vst v2;
	v2 =	vbroadcast v4, $0x2  }
0x34: {  	[tilespmem:$0xB00] =	vst v1;
	v1 =	vbroadcast v4, $0x3  }
0x35: {  	[tilespmem:$0xB80] =	vst v2;
	v2 =	vbroadcast v4, $0x4  }
0x36: {  	[tilespmem:$0xC00] =	vst v1;
	v1 =	vbroadcast v4, $0x5  }
0x37: {  	[tilespmem:$0xC80] =	vst v2;
	v2 =	vbroadcast v4, $0x6  }
0x38: {  	[tilespmem:$0xD00] =	vst v1;
	v1 =	vbroadcast v4, $0x7  }
0x39: {  	[tilespmem:$0xD80] =	vst v2;
	v2 =	vbroadcast v4, $0x8  }
0x3a: {  	[tilespmem:$0xE00] =	vst v1;
	v1 =	vbroadcast v4, $0x9  }
0x3b: {  	[tilespmem:$0xE80] =	vst v2;
	v2 =	vbroadcast v4, $0xA  }
0x3c: {  	v3 =	vld [tilespmem:$0x220];
	[tilespmem:$0xF00] =	vst v1;
	v1 =	vbroadcast v4, $0xB  }
0x3d: {  	[tilespmem:$0xF80] =	vst v2;
	v2 =	vbroadcast v4, $0xC  }
0x3e: {  	[tilespmem:$0x1000] =	vst v1;
	v1 =	vbroadcast v4, $0xD  }
0x3f: {  	[tilespmem:$0x1080] =	vst v2;
	v2 =	vbroadcast v4, $0xE  }
0x40: {  	[tilespmem:$0x1100] =	vst v1;
	v1 =	vbroadcast v4, $0xF  }
0x41: {  	[tilespmem:$0x1180] =	vst v2;
	v2 =	vbroadcast v3, $0x0  }
0x42: {  	[tilespmem:$0x1200] =	vst v1;
	v1 =	vbroadcast v3, $0x1  }
0x43: {  	[tilespmem:$0x1280] =	vst v2;
	v2 =	vbroadcast v3, $0x2  }
0x44: {  	[tilespmem:$0x1300] =	vst v1;
	v1 =	vbroadcast v3, $0x3  }
0x45: {  	[tilespmem:$0x1380] =	vst v2;
	v2 =	vbroadcast v3, $0x4  }
0x46: {  	v63 =	vld.msk [tilespmem:$0x0], $0x1;
	[tilespmem:$0x1400] =	vst v1;
	v1 =	vbroadcast v3, $0x5  }
0x47: {  	[tilespmem:$0x1480] =	vst v2;
	v2 =	vbroadcast v3, $0x6  }
0x48: {  	[tilespmem:$0x1500] =	vst v1;
	v1 =	vbroadcast v3, $0x7  }
0x49: {  	[tilespmem:$0x1580] =	vst v2;
	v2 =	vbroadcast v3, $0x8  }
0x4a: {  	[tilespmem:$0x1600] =	vst v1;
	v1 =	vbroadcast v3, $0x9  }
0x4b: {  	v4 =	vmul.u32 $0x3000, v63;
	[tilespmem:$0x1680] =	vst v2;
	v2 =	vbroadcast v3, $0xA  }
0x4c: {  	[tilespmem:$0x1700] =	vst v1;
	v1 =	vbroadcast v3, $0xB  }
0x4d: {  	v4 =	vperm.xlane v4, v0;
	[tilespmem:$0x1780] =	vst v2;
	v2 =	vbroadcast v3, $0xC  }
0x4e: {  	[tilespmem:$0x1800] =	vst v1;
	v1 =	vbroadcast v3, $0xD  }
0x4f: {  	[tilespmem:$0x1880] =	vst v2;
	v2 =	vbroadcast v3, $0xE  }
0x50: {  	[tilespmem:$0x1900] =	vst v1;
	v1 =	vbroadcast v3, $0xF  }
0x51: {  	[tilespmem:$0x1980] =	vst v2  }
0x52: {  	[tilespmem:$0x1A00] =	vst v1  }
0x53: {  	[tilespmem:s12], [sflag:$0x1] =	stream.indirect_vreg.gather [hbm4b:s0+s3], $0x3000, v4, vm0, $0x38;
	[tilespmem:$0xDA80] =	vst v63  }
0x54: {  	v1 =	vld.msk [tilespmem:$0x8], $0x1;
	_ =	sdelay $0x4  }
0x55: {  	v1 =	vmul.u32 $0x3000, v1;
	_ =	sdelay $0x1  }
0x56: {  	v1 =	vperm.xlane v1, v0;
	_ =	sdelay $0x1  }
.Ltmp2:
0x57: {  	_ = 	snop;
	(pc) =	sbr.rel .LBB2_2-.Ltmp2, $3  }
0x58: {  	_ =	sdelay $0x1  }
0x59: {  	s19 =	simm.s32 $0x0  }
0x5a: {  	[tilespmem:s13], [sflag:$0x2] =	stream.indirect_vreg.gather [hbm4b:s0+s3], $0x3000, v1, vm0, $0x38;
	[tilespmem:$0xDA80] =	vst v63  }
.LBB2_10:
0x5b: {  	v1 =	vld.msk [tilespmem:s21+$0x18], $0x1;
	_ =	sdelay $0x4  }
0x5c: {  	v1 =	vmul.u32 $0x3000, v1;
	_ =	sdelay $0x1  }
0x5d: {  	s19 =	sadd.s32 $0x1, s19;
	v1 =	vperm.xlane v1, v0  }
0x5e: {  	p1 =	sne.s32 s19, $0x13  }
.Ltmp3:
0x5f: {  	_ = 	snop;
	(pc) =	sbr.rel @!p1 .LBB2_11-.Ltmp3, $2  }
0x60: {  	_ =	sdelay $0x2  }
0x61: {  	[tilespmem:s13], [sflag:$0x2] =	stream.indirect_vreg.gather [hbm4b:s0+s3], $0x3000, v1, vm0, $0x38;
	[tilespmem:$0xDA80] =	vst v63  }
.LBB2_2:
0x62: {  	s20 =	sshll.u32 s19, $0x1  }
0x63: {  	_ =	swait.ge [sflag:s14], $0x3000;
	p2 =	sge.u32 s20, s4  }
.Ltmp4:
0x64: {  	p1 =	seq.s32 s19, $0x0;
	[sflag:s14] =	ssyncset.done $0x0;
	(pc) =	sbr.rel @p2 .LBB2_6-.Ltmp4, $4  }
0x65: {  	s21 =	simm.s32 @!p1 $0x3;
	[sflag:s14] =	ssyncadd.s32 $0xFFFFD000  }
0x66: {  	_ =	swait.ge @!p1 [sflag:s21], $0x3000  }
0x67: {  	[sflag:s21] =	ssyncset.done @!p1 $0x0  }
0x68: {  	[sflag:s21] =	ssyncadd.s32 @!p1 $0xFFFFD000  }
0x69: {  	s21 =	simm.s32 $0x0  }
0x6a: {  	s23 =	sshll.u32 s19, $0x8;
	s22 =	simm.s32 $0x0;
	s21 =	smul.u32 $0x1800, s21  }
0x6b: {  	s23 =	sand.u32 $0x3FFFFF00, s23;
	s24 =	sand.u32 $0x380, s22  }
0x6c: {  	v1 =	vld [tilespmem:s23+$0x280];
	s21 =	sor.u32 s24, s21  }
0x6d: {  	v2 =	vld [tilespmem:s21+$0x2EF0]  }
0x6e: {  	v3 =	vld [tilespmem:s21+$0x1A80]  }
0x6f: {  	v4 =	vld [tilespmem:s21+$0x1A90]  }
0x70: {  	v5 =	vld [tilespmem:s21+$0x1AA0]  }
0x71: {  	v6 =	vld [tilespmem:s21+$0x1AB0]  }
0x72: {  	v7 =	vld [tilespmem:s21+$0x1AC0]  }
0x73: {  	v8 =	vld [tilespmem:s21+$0x1AD0];
	v2 =	vmul.f32 v2, v1  }
0x74: {  	v3 =	vmul.f32 v3, v1  }
0x75: {  	v9 =	vld [tilespmem:s21+$0x1AE0];
	[tilespmem:s21+$0x8EF0] =	vst v2;
	v2 =	vmul.f32 v4, v1  }
0x76: {  	[tilespmem:s21+$0x7A80] =	vst v3;
	v3 =	vld [tilespmem:s21+$0x1AF0];
	v4 =	vmul.f32 v5, v1  }
0x77: {  	v5 =	vmul.f32 v6, v1;
	[tilespmem:s21+$0x7A90] =	vst v2;
	v2 =	vld [tilespmem:s21+$0x1E80]  }
0x78: {  	v6 =	vmul.f32 v7, v1;
	v7 =	vmul.f32 v8, v1;
	[tilespmem:s21+$0x7AA0] =	vst v4;
	v4 =	vld [tilespmem:s21+$0x1E90]  }
0x79: {  	[tilespmem:s21+$0x7AB0] =	vst v5;
	v5 =	vld [tilespmem:s21+$0x1EA0]  }
0x7a: {  	v8 =	vmul.f32 v9, v1;
	[tilespmem:s21+$0x7AD0] =	vst v7;
	v7 =	vld [tilespmem:s21+$0x1EC0]  }
0x7b: {  	[tilespmem:s21+$0x7AC0] =	vst v6;
	v6 =	vld [tilespmem:s21+$0x1EB0];
	v3 =	vmul.f32 v3, v1  }
0x7c: {  	[tilespmem:s21+$0x7AE0] =	vst v8;
	v8 =	vld [tilespmem:s21+$0x1ED0];
	v2 =	vmul.f32 v2, v1  }
0x7d: {  	[tilespmem:s21+$0x7AF0] =	vst v3;
	v3 =	vld [tilespmem:s21+$0x1EE0];
	v4 =	vmul.f32 v4, v1  }
0x7e: {  	v5 =	vmul.f32 v5, v1;
	[tilespmem:s21+$0x7E80] =	vst v2;
	v2 =	vld [tilespmem:s21+$0x1EF0]  }
0x7f: {  	v7 =	vmul.f32 v7, v1;
	[tilespmem:s21+$0x7E90] =	vst v4;
	v4 =	vld [tilespmem:s21+$0x2280]  }
0x80: {  	v6 =	vmul.f32 v6, v1;
	[tilespmem:s21+$0x7EA0] =	vst v5;
	v5 =	vld [tilespmem:s21+$0x2290]  }
0x81: {  	v8 =	vmul.f32 v8, v1;
	[tilespmem:s21+$0x7EC0] =	vst v7;
	v7 =	vld [tilespmem:s21+$0x22B0]  }
0x82: {  	[tilespmem:s21+$0x7EB0] =	vst v6;
	v6 =	vld [tilespmem:s21+$0x22A0];
	v3 =	vmul.f32 v3, v1  }
0x83: {  	[tilespmem:s21+$0x7ED0] =	vst v8;
	v8 =	vld [tilespmem:s21+$0x22C0];
	v2 =	vmul.f32 v2, v1  }
0x84: {  	[tilespmem:s21+$0x7EE0] =	vst v3;
	v3 =	vld [tilespmem:s21+$0x22D0];
	v4 =	vmul.f32 v4, v1  }
0x85: {  	v5 =	vmul.f32 v5, v1;
	[tilespmem:s21+$0x7EF0] =	vst v2;
	v2 =	vld [tilespmem:s21+$0x22E0]  }
0x86: {  	v7 =	vmul.f32 v7, v1;
	[tilespmem:s21+$0x8280] =	vst v4;
	v4 =	vld [tilespmem:s21+$0x22F0]  }
0x87: {  	v6 =	vmul.f32 v6, v1;
	[tilespmem:s21+$0x8290] =	vst v5;
	v5 =	vld [tilespmem:s21+$0x2680]  }
0x88: {  	v8 =	vmul.f32 v8, v1;
	[tilespmem:s21+$0x82B0] =	vst v7;
	v7 =	vld [tilespmem:s21+$0x26A0]  }
0x89: {  	[tilespmem:s21+$0x82A0] =	vst v6;
	v6 =	vld [tilespmem:s21+$0x2690];
	v3 =	vmul.f32 v3, v1  }
0x8a: {  	[tilespmem:s21+$0x82C0] =	vst v8;
	v8 =	vld [tilespmem:s21+$0x26B0];
	v2 =	vmul.f32 v2, v1  }
0x8b: {  	[tilespmem:s21+$0x82D0] =	vst v3;
	v3 =	vld [tilespmem:s21+$0x26C0];
	v4 =	vmul.f32 v4, v1  }
0x8c: {  	v5 =	vmul.f32 v5, v1;
	[tilespmem:s21+$0x82E0] =	vst v2;
	v2 =	vld [tilespmem:s21+$0x26D0]  }
0x8d: {  	v7 =	vmul.f32 v7, v1;
	[tilespmem:s21+$0x82F0] =	vst v4;
	v4 =	vld [tilespmem:s21+$0x26E0]  }
0x8e: {  	v6 =	vmul.f32 v6, v1;
	[tilespmem:s21+$0x8680] =	vst v5;
	v5 =	vld [tilespmem:s21+$0x26F0]  }
0x8f: {  	v8 =	vmul.f32 v8, v1;
	[tilespmem:s21+$0x86A0] =	vst v7;
	v7 =	vld [tilespmem:s21+$0x2A90]  }
0x90: {  	[tilespmem:s21+$0x8690] =	vst v6;
	v6 =	vld [tilespmem:s21+$0x2A80];
	v3 =	vmul.f32 v3, v1  }
0x91: {  	[tilespmem:s21+$0x86B0] =	vst v8;
	v8 =	vld [tilespmem:s21+$0x2AA0];
	v2 =	vmul.f32 v2, v1  }
0x92: {  	[tilespmem:s21+$0x86C0] =	vst v3;
	v3 =	vld [tilespmem:s21+$0x2AB0];
	v4 =	vmul.f32 v4, v1  }
0x93: {  	v5 =	vmul.f32 v5, v1;
	[tilespmem:s21+$0x86D0] =	vst v2;
	v2 =	vld [tilespmem:s21+$0x2AC0]  }
0x94: {  	v9 =	vld [tilespmem:s21+$0x2AD0];
	v7 =	vmul.f32 v7, v1;
	[tilespmem:s21+$0x86E0] =	vst v4  }
0x95: {  	v4 =	vmul.f32 v6, v1;
	[tilespmem:s21+$0x86F0] =	vst v5;
	v5 =	vld [tilespmem:s21+$0x2AE0]  }
0x96: {  	v8 =	vmul.f32 v8, v1;
	v6 =	vld [tilespmem:s21+$0x2AF0];
	[tilespmem:s21+$0x8A90] =	vst v7  }
0x97: {  	[tilespmem:s21+$0x8A80] =	vst v4;
	v4 =	vld [tilespmem:s21+$0x2E80];
	v7 =	vmul.f32 v3, v1  }
0x98: {  	[tilespmem:s21+$0x8AA0] =	vst v8;
	v3 =	vld [tilespmem:s21+$0x2E90];
	v8 =	vmul.f32 v2, v1  }
0x99: {  	[tilespmem:s21+$0x8AB0] =	vst v7;
	v2 =	vld [tilespmem:s21+$0x2EA0];
	v7 =	vmul.f32 v9, v1  }
0x9a: {  	s23 =	simm.s32 $0x2;
	s24 =	simm.s32 $0x0;
	[tilespmem:s21+$0x8AC0] =	vst v8;
	v8 =	vmul.f32 v5, v1;
	v5 =	vld [tilespmem:s21+$0x2EB0]  }
.LBB2_4:
0x9b: {  	p2 =	sne.s32 s23, $0xF;
	s24 =	smul.u32 $0x1800, s24;
	[tilespmem:s21+$0x8AD0] =	vst v7;
	v6 =	vmul.f32 v6, v1;
	v7 =	vld [tilespmem:s21+$0x2EC0];
	s22 =	sadd.s32 $0x80, s22  }
0x9c: {  	s25 =	sand.u32 $0x380, s22;
	[tilespmem:s21+$0x8AE0] =	vst v8;
	v4 =	vmul.f32 v4, v1;
	v8 =	vld [tilespmem:s21+$0x2ED0]  }
0x9d: {  	s24 =	sor.u32 s25, s24;
	[tilespmem:s21+$0x8AF0] =	vst v6;
	v3 =	vmul.f32 v3, v1;
	v6 =	vld [tilespmem:s21+$0x2EE0]  }
0x9e: {  	v9 =	vld [tilespmem:s24+$0x2EF0];
	[tilespmem:s21+$0x8E80] =	vst v4;
	v2 =	vmul.f32 v2, v1  }
0x9f: {  	v4 =	vld [tilespmem:s24+$0x1A80];
	[tilespmem:s21+$0x8E90] =	vst v3;
	v3 =	vmul.f32 v5, v1  }
0xa0: {  	v5 =	vld [tilespmem:s24+$0x1A90];
	[tilespmem:s21+$0x8EA0] =	vst v2;
	v2 =	vmul.f32 v7, v1  }
0xa1: {  	v7 =	vld [tilespmem:s24+$0x1AA0];
	[tilespmem:s21+$0x8EB0] =	vst v3;
	v3 =	vmul.f32 v8, v1  }
0xa2: {  	v8 =	vld [tilespmem:s24+$0x1AB0];
	[tilespmem:s21+$0x8EC0] =	vst v2;
	v2 =	vmul.f32 v6, v1  }
0xa3: {  	v6 =	vld [tilespmem:s24+$0x1AC0];
	v9 =	vmul.f32 v9, v1;
	[tilespmem:s21+$0x8ED0] =	vst v3  }
0xa4: {  	v3 =	vmul.f32 v4, v1;
	v4 =	vld [tilespmem:s24+$0x1AD0];
	[tilespmem:s21+$0x8EE0] =	vst v2;
	s21 =	smov.u32 s24  }
0xa5: {  	v2 =	vmul.f32 v5, v1;
	v5 =	vld [tilespmem:s21+$0x1AE0];
	[tilespmem:s21+$0x8EF0] =	vst v9  }
0xa6: {  	[tilespmem:s21+$0x7A80] =	vst v3;
	v3 =	vmul.f32 v7, v1;
	v7 =	vld [tilespmem:s21+$0x1AF0]  }
0xa7: {  	[tilespmem:s21+$0x7A90] =	vst v2;
	v2 =	vmul.f32 v8, v1;
	v8 =	vld [tilespmem:s21+$0x1E80]  }
0xa8: {  	[tilespmem:s21+$0x7AA0] =	vst v3;
	v3 =	vmul.f32 v6, v1;
	v6 =	vld [tilespmem:s21+$0x1E90]  }
0xa9: {  	[tilespmem:s21+$0x7AB0] =	vst v2;
	v2 =	vmul.f32 v4, v1;
	v4 =	vld [tilespmem:s21+$0x1EA0]  }
0xaa: {  	[tilespmem:s21+$0x7AC0] =	vst v3;
	v3 =	vmul.f32 v5, v1;
	v5 =	vld [tilespmem:s21+$0x1EB0]  }
0xab: {  	[tilespmem:s21+$0x7AD0] =	vst v2;
	v2 =	vmul.f32 v7, v1;
	v7 =	vld [tilespmem:s21+$0x1EC0]  }
0xac: {  	[tilespmem:s21+$0x7AE0] =	vst v3;
	v3 =	vmul.f32 v8, v1;
	v8 =	vld [tilespmem:s21+$0x1ED0]  }
0xad: {  	[tilespmem:s21+$0x7AF0] =	vst v2;
	v2 =	vmul.f32 v6, v1;
	v6 =	vld [tilespmem:s21+$0x1EE0]  }
0xae: {  	[tilespmem:s21+$0x7E80] =	vst v3;
	v3 =	vmul.f32 v4, v1;
	v4 =	vld [tilespmem:s21+$0x1EF0]  }
0xaf: {  	[tilespmem:s21+$0x7E90] =	vst v2;
	v2 =	vmul.f32 v5, v1;
	v5 =	vld [tilespmem:s21+$0x2280]  }
0xb0: {  	[tilespmem:s21+$0x7EA0] =	vst v3;
	v3 =	vmul.f32 v7, v1;
	v7 =	vld [tilespmem:s21+$0x2290]  }
0xb1: {  	[tilespmem:s21+$0x7EB0] =	vst v2;
	v2 =	vmul.f32 v8, v1;
	v8 =	vld [tilespmem:s21+$0x22A0]  }
0xb2: {  	[tilespmem:s21+$0x7EC0] =	vst v3;
	v3 =	vmul.f32 v6, v1;
	v6 =	vld [tilespmem:s21+$0x22B0]  }
0xb3: {  	[tilespmem:s21+$0x7ED0] =	vst v2;
	v2 =	vmul.f32 v4, v1;
	v4 =	vld [tilespmem:s21+$0x22C0]  }
0xb4: {  	[tilespmem:s21+$0x7EE0] =	vst v3;
	v3 =	vmul.f32 v5, v1;
	v5 =	vld [tilespmem:s21+$0x22D0]  }
0xb5: {  	[tilespmem:s21+$0x7EF0] =	vst v2;
	v2 =	vmul.f32 v7, v1;
	v7 =	vld [tilespmem:s21+$0x22E0]  }
0xb6: {  	[tilespmem:s21+$0x8280] =	vst v3;
	v3 =	vmul.f32 v8, v1;
	v8 =	vld [tilespmem:s21+$0x22F0]  }
0xb7: {  	[tilespmem:s21+$0x8290] =	vst v2;
	v2 =	vmul.f32 v6, v1;
	v6 =	vld [tilespmem:s21+$0x2680]  }
0xb8: {  	[tilespmem:s21+$0x82A0] =	vst v3;
	v3 =	vmul.f32 v4, v1;
	v4 =	vld [tilespmem:s21+$0x2690]  }
0xb9: {  	[tilespmem:s21+$0x82B0] =	vst v2;
	v2 =	vmul.f32 v5, v1;
	v5 =	vld [tilespmem:s21+$0x26A0]  }
0xba: {  	[tilespmem:s21+$0x82C0] =	vst v3;
	v3 =	vmul.f32 v7, v1;
	v7 =	vld [tilespmem:s21+$0x26B0]  }
0xbb: {  	[tilespmem:s21+$0x82D0] =	vst v2;
	v2 =	vmul.f32 v8, v1;
	v8 =	vld [tilespmem:s21+$0x26C0]  }
0xbc: {  	[tilespmem:s21+$0x82E0] =	vst v3;
	v3 =	vmul.f32 v6, v1;
	v6 =	vld [tilespmem:s21+$0x26D0]  }
0xbd: {  	[tilespmem:s21+$0x82F0] =	vst v2;
	v2 =	vmul.f32 v4, v1;
	v4 =	vld [tilespmem:s21+$0x26E0]  }
0xbe: {  	[tilespmem:s21+$0x8680] =	vst v3;
	v3 =	vmul.f32 v5, v1;
	v5 =	vld [tilespmem:s21+$0x26F0]  }
0xbf: {  	[tilespmem:s21+$0x8690] =	vst v2;
	v2 =	vmul.f32 v7, v1;
	v7 =	vld [tilespmem:s21+$0x2A80]  }
0xc0: {  	[tilespmem:s21+$0x86A0] =	vst v3;
	v3 =	vmul.f32 v8, v1;
	v8 =	vld [tilespmem:s21+$0x2A90]  }
0xc1: {  	[tilespmem:s21+$0x86B0] =	vst v2;
	v2 =	vmul.f32 v6, v1;
	v6 =	vld [tilespmem:s21+$0x2AA0]  }
0xc2: {  	[tilespmem:s21+$0x86C0] =	vst v3;
	v3 =	vmul.f32 v4, v1;
	v4 =	vld [tilespmem:s21+$0x2AB0]  }
0xc3: {  	[tilespmem:s21+$0x86D0] =	vst v2;
	v2 =	vmul.f32 v5, v1;
	v5 =	vld [tilespmem:s21+$0x2AC0]  }
0xc4: {  	[tilespmem:s21+$0x86E0] =	vst v3;
	v3 =	vmul.f32 v7, v1;
	v7 =	vld [tilespmem:s21+$0x2AD0]  }
0xc5: {  	[tilespmem:s21+$0x86F0] =	vst v2;
	v2 =	vmul.f32 v8, v1;
	v8 =	vld [tilespmem:s21+$0x2AE0]  }
.Ltmp5:
0xc6: {  	[tilespmem:s21+$0x8A80] =	vst v3;
	v3 =	vmul.f32 v6, v1;
	v6 =	vld [tilespmem:s21+$0x2AF0];
	(pc) =	sbr.rel @p2 .LBB2_4-.Ltmp5, $4  }
0xc7: {  	[tilespmem:s21+$0x8A90] =	vst v2;
	v2 =	vmul.f32 v4, v1;
	v4 =	vld [tilespmem:s21+$0x2E80]  }
0xc8: {  	[tilespmem:s21+$0x8AA0] =	vst v3;
	v5 =	vmul.f32 v5, v1;
	v3 =	vld [tilespmem:s21+$0x2E90]  }
0xc9: {  	[tilespmem:s21+$0x8AB0] =	vst v2;
	v7 =	vmul.f32 v7, v1;
	v2 =	vld [tilespmem:s21+$0x2EA0]  }
0xca: {  	s24 =	sshrl.u32 s23, $0x3;
	s23 =	sadd.s32 $0x1, s23;
	[tilespmem:s21+$0x8AC0] =	vst v5;
	v8 =	vmul.f32 v8, v1;
	v5 =	vld [tilespmem:s21+$0x2EB0]  }
0xcb: {  	[tilespmem:s21+$0x8AD0] =	vst v7;
	v19 =	vld [tilespmem:s21+$0x2EC0];
	v6 =	vmul.f32 v6, v1;
	s23 =	smul.u32 $0x1800, s24;
	s22 =	sadd.s32 $0x80, s22  }
0xcc: {  	v20 =	vld [tilespmem:s21+$0x2ED0];
	[tilespmem:s21+$0x8AE0] =	vst v8;
	s22 =	sand.u32 $0x380, s22;
	v4 =	vmul.f32 v4, v1  }
0xcd: {  	v21 =	vld [tilespmem:s21+$0x2EE0];
	[tilespmem:s21+$0x8AF0] =	vst v6;
	s22 =	sor.u32 s22, s23;
	v3 =	vmul.f32 v3, v1  }
0xce: {  	v9 =	vld [tilespmem:s22+$0x2EF0];
	[tilespmem:s21+$0x8E80] =	vst v4;
	v2 =	vmul.f32 v2, v1  }
0xcf: {  	v4 =	vld [tilespmem:s22+$0x1A80];
	[tilespmem:s21+$0x8E90] =	vst v3;
	v5 =	vmul.f32 v5, v1  }
0xd0: {  	v3 =	vld [tilespmem:s22+$0x1A90];
	[tilespmem:s21+$0x8EA0] =	vst v2;
	v7 =	vmul.f32 v19, v1  }
0xd1: {  	v8 =	vmul.f32 v20, v1;
	v2 =	vld [tilespmem:s22+$0x1AA0];
	[tilespmem:s21+$0x8EB0] =	vst v5  }
0xd2: {  	v6 =	vmul.f32 v21, v1;
	v5 =	vld [tilespmem:s22+$0x1AB0];
	[tilespmem:s21+$0x8EC0] =	vst v7  }
0xd3: {  	v7 =	vld [tilespmem:s22+$0x1AC0];
	[tilespmem:s21+$0x8ED0] =	vst v8;
	v22 =	vmul.f32 v9, v1  }
0xd4: {  	v23 =	vld [tilespmem:s22+$0x1AD0];
	v4 =	vmul.f32 v4, v1;
	[tilespmem:s21+$0x8EE0] =	vst v6  }
0xd5: {  	v3 =	vmul.f32 v3, v1;
	v6 =	vld [tilespmem:s22+$0x1AE0];
	[tilespmem:s22+$0x8EF0] =	vst v22  }
0xd6: {  	v24 =	vld [tilespmem:s22+$0x1AF0];
	[tilespmem:s22+$0x7A80] =	vst v4;
	v2 =	vmul.f32 v2, v1  }
0xd7: {  	v25 =	vld [tilespmem:s22+$0x1E80];
	[tilespmem:s22+$0x7A90] =	vst v3;
	v3 =	vmul.f32 v5, v1  }
0xd8: {  	v26 =	vld [tilespmem:s22+$0x1E90];
	[tilespmem:s22+$0x7AA0] =	vst v2;
	v2 =	vmul.f32 v7, v1  }
0xd9: {  	v27 =	vld [tilespmem:s22+$0x1EA0];
	[tilespmem:s22+$0x7AB0] =	vst v3;
	v3 =	vmul.f32 v23, v1  }
0xda: {  	v28 =	vld [tilespmem:s22+$0x1EB0];
	[tilespmem:s22+$0x7AC0] =	vst v2;
	v2 =	vmul.f32 v6, v1  }
0xdb: {  	v29 =	vld [tilespmem:s22+$0x1EC0];
	[tilespmem:s22+$0x7AD0] =	vst v3;
	v3 =	vmul.f32 v24, v1  }
0xdc: {  	v30 =	vld [tilespmem:s22+$0x1ED0];
	[tilespmem:s22+$0x7AE0] =	vst v2;
	v2 =	vmul.f32 v25, v1  }
0xdd: {  	v31 =	vld [tilespmem:s22+$0x1EE0];
	[tilespmem:s22+$0x7AF0] =	vst v3;
	v3 =	vmul.f32 v26, v1  }
0xde: {  	v32 =	vld [tilespmem:s22+$0x1EF0];
	[tilespmem:s22+$0x7E80] =	vst v2;
	v2 =	vmul.f32 v27, v1  }
0xdf: {  	v33 =	vld [tilespmem:s22+$0x2280];
	[tilespmem:s22+$0x7E90] =	vst v3;
	v3 =	vmul.f32 v28, v1  }
0xe0: {  	v34 =	vld [tilespmem:s22+$0x2290];
	[tilespmem:s22+$0x7EA0] =	vst v2;
	v2 =	vmul.f32 v29, v1  }
0xe1: {  	v35 =	vld [tilespmem:s22+$0x22A0];
	[tilespmem:s22+$0x7EB0] =	vst v3;
	v3 =	vmul.f32 v30, v1  }
0xe2: {  	v36 =	vld [tilespmem:s22+$0x22B0];
	[tilespmem:s22+$0x7EC0] =	vst v2;
	v2 =	vmul.f32 v31, v1  }
0xe3: {  	v37 =	vld [tilespmem:s22+$0x22C0];
	[tilespmem:s22+$0x7ED0] =	vst v3;
	v3 =	vmul.f32 v32, v1  }
0xe4: {  	v38 =	vld [tilespmem:s22+$0x22D0];
	[tilespmem:s22+$0x7EE0] =	vst v2;
	v2 =	vmul.f32 v33, v1  }
0xe5: {  	v39 =	vld [tilespmem:s22+$0x22E0];
	[tilespmem:s22+$0x7EF0] =	vst v3;
	v3 =	vmul.f32 v34, v1  }
0xe6: {  	v40 =	vld [tilespmem:s22+$0x22F0];
	[tilespmem:s22+$0x8280] =	vst v2;
	v2 =	vmul.f32 v35, v1  }
0xe7: {  	v41 =	vld [tilespmem:s22+$0x2680];
	[tilespmem:s22+$0x8290] =	vst v3;
	v3 =	vmul.f32 v36, v1  }
0xe8: {  	v42 =	vld [tilespmem:s22+$0x2690];
	[tilespmem:s22+$0x82A0] =	vst v2;
	v2 =	vmul.f32 v37, v1  }
0xe9: {  	v43 =	vld [tilespmem:s22+$0x26A0];
	[tilespmem:s22+$0x82B0] =	vst v3;
	v3 =	vmul.f32 v38, v1  }
0xea: {  	v44 =	vld [tilespmem:s22+$0x26B0];
	[tilespmem:s22+$0x82C0] =	vst v2;
	v2 =	vmul.f32 v39, v1  }
0xeb: {  	v45 =	vld [tilespmem:s22+$0x26C0];
	[tilespmem:s22+$0x82D0] =	vst v3;
	v3 =	vmul.f32 v40, v1  }
0xec: {  	v46 =	vld [tilespmem:s22+$0x26D0];
	[tilespmem:s22+$0x82E0] =	vst v2;
	v2 =	vmul.f32 v41, v1  }
0xed: {  	v47 =	vld [tilespmem:s22+$0x26E0];
	[tilespmem:s22+$0x82F0] =	vst v3;
	v3 =	vmul.f32 v42, v1  }
0xee: {  	v48 =	vld [tilespmem:s22+$0x26F0];
	[tilespmem:s22+$0x8680] =	vst v2;
	v2 =	vmul.f32 v43, v1  }
0xef: {  	v49 =	vld [tilespmem:s22+$0x2A80];
	[tilespmem:s22+$0x8690] =	vst v3;
	v3 =	vmul.f32 v44, v1  }
0xf0: {  	v50 =	vld [tilespmem:s22+$0x2A90];
	[tilespmem:s22+$0x86A0] =	vst v2;
	v2 =	vmul.f32 v45, v1  }
0xf1: {  	v51 =	vld [tilespmem:s22+$0x2AA0];
	[tilespmem:s22+$0x86B0] =	vst v3;
	v3 =	vmul.f32 v46, v1  }
0xf2: {  	v52 =	vld [tilespmem:s22+$0x2AB0];
	[tilespmem:s22+$0x86C0] =	vst v2;
	v2 =	vmul.f32 v47, v1  }
0xf3: {  	v53 =	vld [tilespmem:s22+$0x2AC0];
	[tilespmem:s22+$0x86D0] =	vst v3;
	v3 =	vmul.f32 v48, v1  }
0xf4: {  	v54 =	vld [tilespmem:s22+$0x2AD0];
	[tilespmem:s22+$0x86E0] =	vst v2;
	v2 =	vmul.f32 v49, v1  }
0xf5: {  	v55 =	vld [tilespmem:s22+$0x2AE0];
	[tilespmem:s22+$0x86F0] =	vst v3;
	v3 =	vmul.f32 v50, v1  }
0xf6: {  	v56 =	vld [tilespmem:s22+$0x2AF0];
	[tilespmem:s22+$0x8A80] =	vst v2;
	v2 =	vmul.f32 v51, v1  }
0xf7: {  	v57 =	vld [tilespmem:s22+$0x2E80];
	[tilespmem:s22+$0x8A90] =	vst v3;
	v3 =	vmul.f32 v52, v1  }
0xf8: {  	v58 =	vld [tilespmem:s22+$0x2E90];
	[tilespmem:s22+$0x8AA0] =	vst v2;
	v2 =	vmul.f32 v53, v1  }
0xf9: {  	v59 =	vld [tilespmem:s22+$0x2EA0];
	[tilespmem:s22+$0x8AB0] =	vst v3;
	v3 =	vmul.f32 v54, v1  }
0xfa: {  	v60 =	vld [tilespmem:s22+$0x2EB0];
	[tilespmem:s22+$0x8AC0] =	vst v2;
	v2 =	vmul.f32 v55, v1  }
0xfb: {  	v61 =	vld [tilespmem:s22+$0x2EC0];
	[tilespmem:s22+$0x8AD0] =	vst v3;
	v3 =	vmul.f32 v56, v1  }
0xfc: {  	v62 =	vld [tilespmem:s22+$0x2ED0];
	[tilespmem:s22+$0x8AE0] =	vst v2;
	v2 =	vmul.f32 v57, v1  }
0xfd: {  	v63 =	vld [tilespmem:s22+$0x2EE0];
	[tilespmem:s22+$0x8AF0] =	vst v3;
	v3 =	vmul.f32 v58, v1  }
0xfe: {  	[tilespmem:s22+$0x8E80] =	vst v2;
	v2 =	vmul.f32 v59, v1  }
0xff: {  	[tilespmem:s22+$0x8E90] =	vst v3;
	v3 =	vmul.f32 v60, v1  }
0x100: {  	p2 =	seq.s32 s19, $0x12;
	s21 =	sadd.s32 s8, s20;
	[tilespmem:s22+$0x8EA0] =	vst v2;
	v2 =	vmul.f32 v61, v1  }
0x101: {  	s21 =	smov.u32 @p2 s7;
	[tilespmem:s22+$0x8EB0] =	vst v3;
	v3 =	vmul.f32 v62, v1  }
0x102: {  	s21 =	smul.u32 $0x600, s21;
	v1 =	vmul.f32 v63, v1;
	[tilespmem:s22+$0x8EC0] =	vst v2  }
0x103: {  	[tilespmem:s22+$0x8ED0] =	vst v3  }
0x104: {  	s21 =	sadd.s32 s2, s21;
	[tilespmem:s22+$0x8EE0] =	vst v1  }
0x105: {  	[hbm4b:s21+s3] =	stream.linear.scatter [tilespmem:s15], [sflag:$0x3], $0x3000, $0x38;
	[tilespmem:$0xDA80] =	vst v63  }
.LBB2_6:
0x106: {  	s21 =	sshll.u32 s19, $0x4  }
0x107: {  	s21 =	sand.u32 $0x3FFFFFF0, s21  }
0x108: {  	v1 =	vld.msk [tilespmem:s21+$0x10], $0x1;
	_ =	sdelay $0x4  }
0x109: {  	v1 =	vmul.u32 $0x3000, v1;
	_ =	sdelay $0x1  }
0x10a: {  	v1 =	vperm.xlane v1, v0;
	_ =	sdelay $0x4  }
0x10b: {  	s20 =	sor.u32 $0x1, s20  }
0x10c: {  	[tilespmem:s12], [sflag:$0x1] =	stream.indirect_vreg.gather [hbm4b:s0+s3], $0x3000, v1, vm0, $0x38;
	[tilespmem:$0xDA80] =	vst v63  }
0x10d: {  	p2 =	sge.u32 s20, s4;
	_ =	swait.ge [sflag:s16], $0x3000  }
.Ltmp6:
0x10e: {  	[sflag:s16] =	ssyncset.done $0x0;
	(pc) =	sbr.rel @p2 .LBB2_10-.Ltmp6, $4  }
0x10f: {  	s22 =	simm.s32 @!p1 $0x4;
	[sflag:s16] =	ssyncadd.s32 $0xFFFFD000  }
0x110: {  	_ =	swait.ge @!p1 [sflag:s22], $0x3000  }
0x111: {  	[sflag:s22] =	ssyncset.done @!p1 $0x0  }
0x112: {  	[sflag:s22] =	ssyncadd.s32 @!p1 $0xFFFFD000  }
0x113: {  	s22 =	simm.s32 $0x0  }
0x114: {  	s24 =	sshll.u32 s20, $0x7;
	s23 =	simm.s32 $0x0;
	s22 =	smul.u32 $0x1800, s22  }
0x115: {  	s24 =	sand.u32 $0x3FFFFF80, s24;
	s25 =	sand.u32 $0x380, s23  }
0x116: {  	v1 =	vld [tilespmem:s24+$0x280];
	s22 =	sor.u32 s25, s22  }
0x117: {  	v2 =	vld [tilespmem:s22+$0x5EF0]  }
0x118: {  	v3 =	vld [tilespmem:s22+$0x4A80]  }
0x119: {  	v4 =	vld [tilespmem:s22+$0x4A90]  }
0x11a: {  	v5 =	vld [tilespmem:s22+$0x4AA0]  }
0x11b: {  	v6 =	vld [tilespmem:s22+$0x4AB0]  }
0x11c: {  	v7 =	vld [tilespmem:s22+$0x4AC0]  }
0x11d: {  	v8 =	vld [tilespmem:s22+$0x4AD0];
	v2 =	vmul.f32 v2, v1  }
0x11e: {  	v3 =	vmul.f32 v3, v1  }
0x11f: {  	v9 =	vld [tilespmem:s22+$0x4AE0];
	[tilespmem:s22+$0xBEF0] =	vst v2;
	v2 =	vmul.f32 v4, v1  }
0x120: {  	[tilespmem:s22+$0xAA80] =	vst v3;
	v3 =	vld [tilespmem:s22+$0x4AF0];
	v4 =	vmul.f32 v5, v1  }
0x121: {  	v5 =	vmul.f32 v6, v1;
	[tilespmem:s22+$0xAA90] =	vst v2;
	v2 =	vld [tilespmem:s22+$0x4E80]  }
0x122: {  	v6 =	vmul.f32 v7, v1;
	v7 =	vmul.f32 v8, v1;
	[tilespmem:s22+$0xAAA0] =	vst v4;
	v4 =	vld [tilespmem:s22+$0x4E90]  }
0x123: {  	[tilespmem:s22+$0xAAB0] =	vst v5;
	v5 =	vld [tilespmem:s22+$0x4EA0]  }
0x124: {  	v8 =	vmul.f32 v9, v1;
	[tilespmem:s22+$0xAAD0] =	vst v7;
	v7 =	vld [tilespmem:s22+$0x4EC0]  }
0x125: {  	[tilespmem:s22+$0xAAC0] =	vst v6;
	v6 =	vld [tilespmem:s22+$0x4EB0];
	v3 =	vmul.f32 v3, v1  }
0x126: {  	[tilespmem:s22+$0xAAE0] =	vst v8;
	v8 =	vld [tilespmem:s22+$0x4ED0];
	v2 =	vmul.f32 v2, v1  }
0x127: {  	[tilespmem:s22+$0xAAF0] =	vst v3;
	v3 =	vld [tilespmem:s22+$0x4EE0];
	v4 =	vmul.f32 v4, v1  }
0x128: {  	v5 =	vmul.f32 v5, v1;
	[tilespmem:s22+$0xAE80] =	vst v2;
	v2 =	vld [tilespmem:s22+$0x4EF0]  }
0x129: {  	v7 =	vmul.f32 v7, v1;
	[tilespmem:s22+$0xAE90] =	vst v4;
	v4 =	vld [tilespmem:s22+$0x5280]  }
0x12a: {  	v6 =	vmul.f32 v6, v1;
	[tilespmem:s22+$0xAEA0] =	vst v5;
	v5 =	vld [tilespmem:s22+$0x5290]  }
0x12b: {  	v8 =	vmul.f32 v8, v1;
	[tilespmem:s22+$0xAEC0] =	vst v7;
	v7 =	vld [tilespmem:s22+$0x52B0]  }
0x12c: {  	[tilespmem:s22+$0xAEB0] =	vst v6;
	v6 =	vld [tilespmem:s22+$0x52A0];
	v3 =	vmul.f32 v3, v1  }
0x12d: {  	[tilespmem:s22+$0xAED0] =	vst v8;
	v8 =	vld [tilespmem:s22+$0x52C0];
	v2 =	vmul.f32 v2, v1  }
0x12e: {  	[tilespmem:s22+$0xAEE0] =	vst v3;
	v3 =	vld [tilespmem:s22+$0x52D0];
	v4 =	vmul.f32 v4, v1  }
0x12f: {  	v5 =	vmul.f32 v5, v1;
	[tilespmem:s22+$0xAEF0] =	vst v2;
	v2 =	vld [tilespmem:s22+$0x52E0]  }
0x130: {  	v7 =	vmul.f32 v7, v1;
	[tilespmem:s22+$0xB280] =	vst v4;
	v4 =	vld [tilespmem:s22+$0x52F0]  }
0x131: {  	v6 =	vmul.f32 v6, v1;
	[tilespmem:s22+$0xB290] =	vst v5;
	v5 =	vld [tilespmem:s22+$0x5680]  }
0x132: {  	v8 =	vmul.f32 v8, v1;
	[tilespmem:s22+$0xB2B0] =	vst v7;
	v7 =	vld [tilespmem:s22+$0x56A0]  }
0x133: {  	[tilespmem:s22+$0xB2A0] =	vst v6;
	v6 =	vld [tilespmem:s22+$0x5690];
	v3 =	vmul.f32 v3, v1  }
0x134: {  	[tilespmem:s22+$0xB2C0] =	vst v8;
	v8 =	vld [tilespmem:s22+$0x56B0];
	v2 =	vmul.f32 v2, v1  }
0x135: {  	[tilespmem:s22+$0xB2D0] =	vst v3;
	v3 =	vld [tilespmem:s22+$0x56C0];
	v4 =	vmul.f32 v4, v1  }
0x136: {  	v5 =	vmul.f32 v5, v1;
	[tilespmem:s22+$0xB2E0] =	vst v2;
	v2 =	vld [tilespmem:s22+$0x56D0]  }
0x137: {  	v7 =	vmul.f32 v7, v1;
	[tilespmem:s22+$0xB2F0] =	vst v4;
	v4 =	vld [tilespmem:s22+$0x56E0]  }
0x138: {  	v6 =	vmul.f32 v6, v1;
	[tilespmem:s22+$0xB680] =	vst v5;
	v5 =	vld [tilespmem:s22+$0x56F0]  }
0x139: {  	v8 =	vmul.f32 v8, v1;
	[tilespmem:s22+$0xB6A0] =	vst v7;
	v7 =	vld [tilespmem:s22+$0x5A90]  }
0x13a: {  	[tilespmem:s22+$0xB690] =	vst v6;
	v6 =	vld [tilespmem:s22+$0x5A80];
	v3 =	vmul.f32 v3, v1  }
0x13b: {  	[tilespmem:s22+$0xB6B0] =	vst v8;
	v8 =	vld [tilespmem:s22+$0x5AA0];
	v2 =	vmul.f32 v2, v1  }
0x13c: {  	[tilespmem:s22+$0xB6C0] =	vst v3;
	v3 =	vld [tilespmem:s22+$0x5AB0];
	v4 =	vmul.f32 v4, v1  }
0x13d: {  	v5 =	vmul.f32 v5, v1;
	[tilespmem:s22+$0xB6D0] =	vst v2;
	v2 =	vld [tilespmem:s22+$0x5AC0]  }
0x13e: {  	v9 =	vld [tilespmem:s22+$0x5AD0];
	v7 =	vmul.f32 v7, v1;
	[tilespmem:s22+$0xB6E0] =	vst v4  }
0x13f: {  	v4 =	vmul.f32 v6, v1;
	[tilespmem:s22+$0xB6F0] =	vst v5;
	v5 =	vld [tilespmem:s22+$0x5AE0]  }
0x140: {  	v8 =	vmul.f32 v8, v1;
	v6 =	vld [tilespmem:s22+$0x5AF0];
	[tilespmem:s22+$0xBA90] =	vst v7  }
0x141: {  	[tilespmem:s22+$0xBA80] =	vst v4;
	v4 =	vld [tilespmem:s22+$0x5E80];
	v7 =	vmul.f32 v3, v1  }
0x142: {  	[tilespmem:s22+$0xBAA0] =	vst v8;
	v3 =	vld [tilespmem:s22+$0x5E90];
	v8 =	vmul.f32 v2, v1  }
0x143: {  	[tilespmem:s22+$0xBAB0] =	vst v7;
	v2 =	vld [tilespmem:s22+$0x5EA0];
	v7 =	vmul.f32 v9, v1  }
0x144: {  	s24 =	simm.s32 $0x2;
	s25 =	simm.s32 $0x0;
	[tilespmem:s22+$0xBAC0] =	vst v8;
	v8 =	vmul.f32 v5, v1;
	v5 =	vld [tilespmem:s22+$0x5EB0]  }
.LBB2_8:
0x145: {  	p1 =	sne.s32 s24, $0xF;
	s25 =	smul.u32 $0x1800, s25;
	[tilespmem:s22+$0xBAD0] =	vst v7;
	v6 =	vmul.f32 v6, v1;
	v7 =	vld [tilespmem:s22+$0x5EC0];
	s23 =	sadd.s32 $0x80, s23  }
0x146: {  	s26 =	sand.u32 $0x380, s23;
	[tilespmem:s22+$0xBAE0] =	vst v8;
	v4 =	vmul.f32 v4, v1;
	v8 =	vld [tilespmem:s22+$0x5ED0]  }
0x147: {  	s25 =	sor.u32 s26, s25;
	[tilespmem:s22+$0xBAF0] =	vst v6;
	v3 =	vmul.f32 v3, v1;
	v6 =	vld [tilespmem:s22+$0x5EE0]  }
0x148: {  	v9 =	vld [tilespmem:s25+$0x5EF0];
	[tilespmem:s22+$0xBE80] =	vst v4;
	v2 =	vmul.f32 v2, v1  }
0x149: {  	v4 =	vld [tilespmem:s25+$0x4A80];
	[tilespmem:s22+$0xBE90] =	vst v3;
	v3 =	vmul.f32 v5, v1  }
0x14a: {  	v5 =	vld [tilespmem:s25+$0x4A90];
	[tilespmem:s22+$0xBEA0] =	vst v2;
	v2 =	vmul.f32 v7, v1  }
0x14b: {  	v7 =	vld [tilespmem:s25+$0x4AA0];
	[tilespmem:s22+$0xBEB0] =	vst v3;
	v3 =	vmul.f32 v8, v1  }
0x14c: {  	v8 =	vld [tilespmem:s25+$0x4AB0];
	[tilespmem:s22+$0xBEC0] =	vst v2;
	v2 =	vmul.f32 v6, v1  }
0x14d: {  	v6 =	vld [tilespmem:s25+$0x4AC0];
	v9 =	vmul.f32 v9, v1;
	[tilespmem:s22+$0xBED0] =	vst v3  }
0x14e: {  	v3 =	vmul.f32 v4, v1;
	v4 =	vld [tilespmem:s25+$0x4AD0];
	[tilespmem:s22+$0xBEE0] =	vst v2;
	s22 =	smov.u32 s25  }
0x14f: {  	v2 =	vmul.f32 v5, v1;
	v5 =	vld [tilespmem:s22+$0x4AE0];
	[tilespmem:s22+$0xBEF0] =	vst v9  }
0x150: {  	[tilespmem:s22+$0xAA80] =	vst v3;
	v3 =	vmul.f32 v7, v1;
	v7 =	vld [tilespmem:s22+$0x4AF0]  }
0x151: {  	[tilespmem:s22+$0xAA90] =	vst v2;
	v2 =	vmul.f32 v8, v1;
	v8 =	vld [tilespmem:s22+$0x4E80]  }
0x152: {  	[tilespmem:s22+$0xAAA0] =	vst v3;
	v3 =	vmul.f32 v6, v1;
	v6 =	vld [tilespmem:s22+$0x4E90]  }
0x153: {  	[tilespmem:s22+$0xAAB0] =	vst v2;
	v2 =	vmul.f32 v4, v1;
	v4 =	vld [tilespmem:s22+$0x4EA0]  }
0x154: {  	[tilespmem:s22+$0xAAC0] =	vst v3;
	v3 =	vmul.f32 v5, v1;
	v5 =	vld [tilespmem:s22+$0x4EB0]  }
0x155: {  	[tilespmem:s22+$0xAAD0] =	vst v2;
	v2 =	vmul.f32 v7, v1;
	v7 =	vld [tilespmem:s22+$0x4EC0]  }
0x156: {  	[tilespmem:s22+$0xAAE0] =	vst v3;
	v3 =	vmul.f32 v8, v1;
	v8 =	vld [tilespmem:s22+$0x4ED0]  }
0x157: {  	[tilespmem:s22+$0xAAF0] =	vst v2;
	v2 =	vmul.f32 v6, v1;
	v6 =	vld [tilespmem:s22+$0x4EE0]  }
0x158: {  	[tilespmem:s22+$0xAE80] =	vst v3;
	v3 =	vmul.f32 v4, v1;
	v4 =	vld [tilespmem:s22+$0x4EF0]  }
0x159: {  	[tilespmem:s22+$0xAE90] =	vst v2;
	v2 =	vmul.f32 v5, v1;
	v5 =	vld [tilespmem:s22+$0x5280]  }
0x15a: {  	[tilespmem:s22+$0xAEA0] =	vst v3;
	v3 =	vmul.f32 v7, v1;
	v7 =	vld [tilespmem:s22+$0x5290]  }
0x15b: {  	[tilespmem:s22+$0xAEB0] =	vst v2;
	v2 =	vmul.f32 v8, v1;
	v8 =	vld [tilespmem:s22+$0x52A0]  }
0x15c: {  	[tilespmem:s22+$0xAEC0] =	vst v3;
	v3 =	vmul.f32 v6, v1;
	v6 =	vld [tilespmem:s22+$0x52B0]  }
0x15d: {  	[tilespmem:s22+$0xAED0] =	vst v2;
	v2 =	vmul.f32 v4, v1;
	v4 =	vld [tilespmem:s22+$0x52C0]  }
0x15e: {  	[tilespmem:s22+$0xAEE0] =	vst v3;
	v3 =	vmul.f32 v5, v1;
	v5 =	vld [tilespmem:s22+$0x52D0]  }
0x15f: {  	[tilespmem:s22+$0xAEF0] =	vst v2;
	v2 =	vmul.f32 v7, v1;
	v7 =	vld [tilespmem:s22+$0x52E0]  }
0x160: {  	[tilespmem:s22+$0xB280] =	vst v3;
	v3 =	vmul.f32 v8, v1;
	v8 =	vld [tilespmem:s22+$0x52F0]  }
0x161: {  	[tilespmem:s22+$0xB290] =	vst v2;
	v2 =	vmul.f32 v6, v1;
	v6 =	vld [tilespmem:s22+$0x5680]  }
0x162: {  	[tilespmem:s22+$0xB2A0] =	vst v3;
	v3 =	vmul.f32 v4, v1;
	v4 =	vld [tilespmem:s22+$0x5690]  }
0x163: {  	[tilespmem:s22+$0xB2B0] =	vst v2;
	v2 =	vmul.f32 v5, v1;
	v5 =	vld [tilespmem:s22+$0x56A0]  }
0x164: {  	[tilespmem:s22+$0xB2C0] =	vst v3;
	v3 =	vmul.f32 v7, v1;
	v7 =	vld [tilespmem:s22+$0x56B0]  }
0x165: {  	[tilespmem:s22+$0xB2D0] =	vst v2;
	v2 =	vmul.f32 v8, v1;
	v8 =	vld [tilespmem:s22+$0x56C0]  }
0x166: {  	[tilespmem:s22+$0xB2E0] =	vst v3;
	v3 =	vmul.f32 v6, v1;
	v6 =	vld [tilespmem:s22+$0x56D0]  }
0x167: {  	[tilespmem:s22+$0xB2F0] =	vst v2;
	v2 =	vmul.f32 v4, v1;
	v4 =	vld [tilespmem:s22+$0x56E0]  }
0x168: {  	[tilespmem:s22+$0xB680] =	vst v3;
	v3 =	vmul.f32 v5, v1;
	v5 =	vld [tilespmem:s22+$0x56F0]  }
0x169: {  	[tilespmem:s22+$0xB690] =	vst v2;
	v2 =	vmul.f32 v7, v1;
	v7 =	vld [tilespmem:s22+$0x5A80]  }
0x16a: {  	[tilespmem:s22+$0xB6A0] =	vst v3;
	v3 =	vmul.f32 v8, v1;
	v8 =	vld [tilespmem:s22+$0x5A90]  }
0x16b: {  	[tilespmem:s22+$0xB6B0] =	vst v2;
	v2 =	vmul.f32 v6, v1;
	v6 =	vld [tilespmem:s22+$0x5AA0]  }
0x16c: {  	[tilespmem:s22+$0xB6C0] =	vst v3;
	v3 =	vmul.f32 v4, v1;
	v4 =	vld [tilespmem:s22+$0x5AB0]  }
0x16d: {  	[tilespmem:s22+$0xB6D0] =	vst v2;
	v2 =	vmul.f32 v5, v1;
	v5 =	vld [tilespmem:s22+$0x5AC0]  }
0x16e: {  	[tilespmem:s22+$0xB6E0] =	vst v3;
	v3 =	vmul.f32 v7, v1;
	v7 =	vld [tilespmem:s22+$0x5AD0]  }
0x16f: {  	[tilespmem:s22+$0xB6F0] =	vst v2;
	v2 =	vmul.f32 v8, v1;
	v8 =	vld [tilespmem:s22+$0x5AE0]  }
.Ltmp7:
0x170: {  	[tilespmem:s22+$0xBA80] =	vst v3;
	v3 =	vmul.f32 v6, v1;
	v6 =	vld [tilespmem:s22+$0x5AF0];
	(pc) =	sbr.rel @p1 .LBB2_8-.Ltmp7, $4  }
0x171: {  	[tilespmem:s22+$0xBA90] =	vst v2;
	v2 =	vmul.f32 v4, v1;
	v4 =	vld [tilespmem:s22+$0x5E80]  }
0x172: {  	[tilespmem:s22+$0xBAA0] =	vst v3;
	v5 =	vmul.f32 v5, v1;
	v3 =	vld [tilespmem:s22+$0x5E90]  }
0x173: {  	[tilespmem:s22+$0xBAB0] =	vst v2;
	v7 =	vmul.f32 v7, v1;
	v2 =	vld [tilespmem:s22+$0x5EA0]  }
0x174: {  	s25 =	sshrl.u32 s24, $0x3;
	s24 =	sadd.s32 $0x1, s24;
	[tilespmem:s22+$0xBAC0] =	vst v5;
	v8 =	vmul.f32 v8, v1;
	v5 =	vld [tilespmem:s22+$0x5EB0]  }
0x175: {  	[tilespmem:s22+$0xBAD0] =	vst v7;
	v19 =	vld [tilespmem:s22+$0x5EC0];
	v6 =	vmul.f32 v6, v1;
	s24 =	smul.u32 $0x1800, s25;
	s23 =	sadd.s32 $0x80, s23  }
0x176: {  	v20 =	vld [tilespmem:s22+$0x5ED0];
	[tilespmem:s22+$0xBAE0] =	vst v8;
	s23 =	sand.u32 $0x380, s23;
	v4 =	vmul.f32 v4, v1  }
0x177: {  	v21 =	vld [tilespmem:s22+$0x5EE0];
	[tilespmem:s22+$0xBAF0] =	vst v6;
	s23 =	sor.u32 s23, s24;
	v3 =	vmul.f32 v3, v1  }
0x178: {  	v9 =	vld [tilespmem:s23+$0x5EF0];
	[tilespmem:s22+$0xBE80] =	vst v4;
	v2 =	vmul.f32 v2, v1  }
0x179: {  	v4 =	vld [tilespmem:s23+$0x4A80];
	[tilespmem:s22+$0xBE90] =	vst v3;
	v5 =	vmul.f32 v5, v1  }
0x17a: {  	v3 =	vld [tilespmem:s23+$0x4A90];
	[tilespmem:s22+$0xBEA0] =	vst v2;
	v7 =	vmul.f32 v19, v1  }
0x17b: {  	v8 =	vmul.f32 v20, v1;
	v2 =	vld [tilespmem:s23+$0x4AA0];
	[tilespmem:s22+$0xBEB0] =	vst v5  }
0x17c: {  	v6 =	vmul.f32 v21, v1;
	v5 =	vld [tilespmem:s23+$0x4AB0];
	[tilespmem:s22+$0xBEC0] =	vst v7  }
0x17d: {  	v7 =	vld [tilespmem:s23+$0x4AC0];
	[tilespmem:s22+$0xBED0] =	vst v8;
	v22 =	vmul.f32 v9, v1  }
0x17e: {  	v23 =	vld [tilespmem:s23+$0x4AD0];
	v4 =	vmul.f32 v4, v1;
	[tilespmem:s22+$0xBEE0] =	vst v6  }
0x17f: {  	v3 =	vmul.f32 v3, v1;
	v6 =	vld [tilespmem:s23+$0x4AE0];
	[tilespmem:s23+$0xBEF0] =	vst v22  }
0x180: {  	v24 =	vld [tilespmem:s23+$0x4AF0];
	[tilespmem:s23+$0xAA80] =	vst v4;
	v2 =	vmul.f32 v2, v1  }
0x181: {  	v25 =	vld [tilespmem:s23+$0x4E80];
	[tilespmem:s23+$0xAA90] =	vst v3;
	v3 =	vmul.f32 v5, v1  }
0x182: {  	v26 =	vld [tilespmem:s23+$0x4E90];
	[tilespmem:s23+$0xAAA0] =	vst v2;
	v2 =	vmul.f32 v7, v1  }
0x183: {  	v27 =	vld [tilespmem:s23+$0x4EA0];
	[tilespmem:s23+$0xAAB0] =	vst v3;
	v3 =	vmul.f32 v23, v1  }
0x184: {  	v28 =	vld [tilespmem:s23+$0x4EB0];
	[tilespmem:s23+$0xAAC0] =	vst v2;
	v2 =	vmul.f32 v6, v1  }
0x185: {  	v29 =	vld [tilespmem:s23+$0x4EC0];
	[tilespmem:s23+$0xAAD0] =	vst v3;
	v3 =	vmul.f32 v24, v1  }
0x186: {  	v30 =	vld [tilespmem:s23+$0x4ED0];
	[tilespmem:s23+$0xAAE0] =	vst v2;
	v2 =	vmul.f32 v25, v1  }
0x187: {  	v31 =	vld [tilespmem:s23+$0x4EE0];
	[tilespmem:s23+$0xAAF0] =	vst v3;
	v3 =	vmul.f32 v26, v1  }
0x188: {  	v32 =	vld [tilespmem:s23+$0x4EF0];
	[tilespmem:s23+$0xAE80] =	vst v2;
	v2 =	vmul.f32 v27, v1  }
0x189: {  	v33 =	vld [tilespmem:s23+$0x5280];
	[tilespmem:s23+$0xAE90] =	vst v3;
	v3 =	vmul.f32 v28, v1  }
0x18a: {  	v34 =	vld [tilespmem:s23+$0x5290];
	[tilespmem:s23+$0xAEA0] =	vst v2;
	v2 =	vmul.f32 v29, v1  }
0x18b: {  	v35 =	vld [tilespmem:s23+$0x52A0];
	[tilespmem:s23+$0xAEB0] =	vst v3;
	v3 =	vmul.f32 v30, v1  }
0x18c: {  	v36 =	vld [tilespmem:s23+$0x52B0];
	[tilespmem:s23+$0xAEC0] =	vst v2;
	v2 =	vmul.f32 v31, v1  }
0x18d: {  	v37 =	vld [tilespmem:s23+$0x52C0];
	[tilespmem:s23+$0xAED0] =	vst v3;
	v3 =	vmul.f32 v32, v1  }
0x18e: {  	v38 =	vld [tilespmem:s23+$0x52D0];
	[tilespmem:s23+$0xAEE0] =	vst v2;
	v2 =	vmul.f32 v33, v1  }
0x18f: {  	v39 =	vld [tilespmem:s23+$0x52E0];
	[tilespmem:s23+$0xAEF0] =	vst v3;
	v3 =	vmul.f32 v34, v1  }
0x190: {  	v40 =	vld [tilespmem:s23+$0x52F0];
	[tilespmem:s23+$0xB280] =	vst v2;
	v2 =	vmul.f32 v35, v1  }
0x191: {  	v41 =	vld [tilespmem:s23+$0x5680];
	[tilespmem:s23+$0xB290] =	vst v3;
	v3 =	vmul.f32 v36, v1  }
0x192: {  	v42 =	vld [tilespmem:s23+$0x5690];
	[tilespmem:s23+$0xB2A0] =	vst v2;
	v2 =	vmul.f32 v37, v1  }
0x193: {  	v43 =	vld [tilespmem:s23+$0x56A0];
	[tilespmem:s23+$0xB2B0] =	vst v3;
	v3 =	vmul.f32 v38, v1  }
0x194: {  	v44 =	vld [tilespmem:s23+$0x56B0];
	[tilespmem:s23+$0xB2C0] =	vst v2;
	v2 =	vmul.f32 v39, v1  }
0x195: {  	v45 =	vld [tilespmem:s23+$0x56C0];
	[tilespmem:s23+$0xB2D0] =	vst v3;
	v3 =	vmul.f32 v40, v1  }
0x196: {  	v46 =	vld [tilespmem:s23+$0x56D0];
	[tilespmem:s23+$0xB2E0] =	vst v2;
	v2 =	vmul.f32 v41, v1  }
0x197: {  	v47 =	vld [tilespmem:s23+$0x56E0];
	[tilespmem:s23+$0xB2F0] =	vst v3;
	v3 =	vmul.f32 v42, v1  }
0x198: {  	v48 =	vld [tilespmem:s23+$0x56F0];
	[tilespmem:s23+$0xB680] =	vst v2;
	v2 =	vmul.f32 v43, v1  }
0x199: {  	v49 =	vld [tilespmem:s23+$0x5A80];
	[tilespmem:s23+$0xB690] =	vst v3;
	v3 =	vmul.f32 v44, v1  }
0x19a: {  	v50 =	vld [tilespmem:s23+$0x5A90];
	[tilespmem:s23+$0xB6A0] =	vst v2;
	v2 =	vmul.f32 v45, v1  }
0x19b: {  	v51 =	vld [tilespmem:s23+$0x5AA0];
	[tilespmem:s23+$0xB6B0] =	vst v3;
	v3 =	vmul.f32 v46, v1  }
0x19c: {  	v52 =	vld [tilespmem:s23+$0x5AB0];
	[tilespmem:s23+$0xB6C0] =	vst v2;
	v2 =	vmul.f32 v47, v1  }
0x19d: {  	v53 =	vld [tilespmem:s23+$0x5AC0];
	[tilespmem:s23+$0xB6D0] =	vst v3;
	v3 =	vmul.f32 v48, v1  }
0x19e: {  	v54 =	vld [tilespmem:s23+$0x5AD0];
	[tilespmem:s23+$0xB6E0] =	vst v2;
	v2 =	vmul.f32 v49, v1  }
0x19f: {  	v55 =	vld [tilespmem:s23+$0x5AE0];
	[tilespmem:s23+$0xB6F0] =	vst v3;
	v3 =	vmul.f32 v50, v1  }
0x1a0: {  	v56 =	vld [tilespmem:s23+$0x5AF0];
	[tilespmem:s23+$0xBA80] =	vst v2;
	v2 =	vmul.f32 v51, v1  }
0x1a1: {  	v57 =	vld [tilespmem:s23+$0x5E80];
	[tilespmem:s23+$0xBA90] =	vst v3;
	v3 =	vmul.f32 v52, v1  }
0x1a2: {  	v58 =	vld [tilespmem:s23+$0x5E90];
	[tilespmem:s23+$0xBAA0] =	vst v2;
	v2 =	vmul.f32 v53, v1  }
0x1a3: {  	v59 =	vld [tilespmem:s23+$0x5EA0];
	[tilespmem:s23+$0xBAB0] =	vst v3;
	v3 =	vmul.f32 v54, v1  }
0x1a4: {  	v60 =	vld [tilespmem:s23+$0x5EB0];
	[tilespmem:s23+$0xBAC0] =	vst v2;
	v2 =	vmul.f32 v55, v1  }
0x1a5: {  	v61 =	vld [tilespmem:s23+$0x5EC0];
	[tilespmem:s23+$0xBAD0] =	vst v3;
	v3 =	vmul.f32 v56, v1  }
0x1a6: {  	v62 =	vld [tilespmem:s23+$0x5ED0];
	[tilespmem:s23+$0xBAE0] =	vst v2;
	v2 =	vmul.f32 v57, v1  }
0x1a7: {  	v63 =	vld [tilespmem:s23+$0x5EE0];
	[tilespmem:s23+$0xBAF0] =	vst v3;
	v3 =	vmul.f32 v58, v1  }
0x1a8: {  	[tilespmem:s23+$0xBE80] =	vst v2;
	v2 =	vmul.f32 v59, v1  }
0x1a9: {  	[tilespmem:s23+$0xBE90] =	vst v3;
	v3 =	vmul.f32 v60, v1  }
0x1aa: {  	[tilespmem:s23+$0xBEA0] =	vst v2;
	v2 =	vmul.f32 v61, v1  }
.Ltmp8:
0x1ab: {  	s20 =	sadd.s32 s8, s20;
	[tilespmem:s23+$0xBEB0] =	vst v3;
	v3 =	vmul.f32 v62, v1;
	(pc) =	sbr.rel .LBB2_10-.Ltmp8, $4  }
0x1ac: {  	s20 =	smul.u32 $0x600, s20;
	v1 =	vmul.f32 v63, v1;
	[tilespmem:s23+$0xBEC0] =	vst v2  }
0x1ad: {  	[tilespmem:s23+$0xBED0] =	vst v3  }
0x1ae: {  	s20 =	sadd.s32 s2, s20;
	[tilespmem:s23+$0xBEE0] =	vst v1  }
0x1af: {  	[hbm4b:s20+s3] =	stream.linear.scatter [tilespmem:s17], [sflag:$0x4], $0x3000, $0x38;
	[tilespmem:$0xDA80] =	vst v63  }
.LBB2_12:
0x1b0: {  	_ =	sfence.sel $0x180000  }
0x1b1: {  	[bflag:$0x0] =	sbarrier.arrive $0xFFFF  }
0x1b2: {  	_ =	strace $0x90000047  }
0x1b3: {  	s0 =	sadd.s32 @!p0 $0x100000, s1;
	[bflag:$0x2] =	sbarrier.arrive $0xFFFF  }
0x1b4: {  	[sflag:s0] =	ssyncadd.tile.s32 @!p0 $0x1;
	_ =	shalt  }
.Lfunc_end2:
_tile_overlayer_lowered:
.L_overlay_start_2:
0x1b5: {  	(tag) =	ssettag $0x2  }
0x1b6: {  	s0 =	rddreg [dreg:$0x0];
	s2 =	stileid.u32  }
0x1b7: {  	s1 =	rddreg [dreg:$0x1];
	p0 =	sne.s32 s2, $0x0  }
0x1b8: {  	s3 =	rddreg [dreg:$0x2];
	[bflag:$0x3] =	sbarrier.arrive $0xFFFF;
	s2 =	simm.s32 @!p0 $0x1C05  }
0x1b9: {  	[timem:s3], [sflag:s2] =	dma.local @!p0 [hbm:s0], s1  }
0x1ba: {  	s0 =	simm.s32 @!p0 $0x5  }
0x1bb: {  	_ =	swait.ge @!p0 [sflag:s0], s1  }
0x1bc: {  	s1 =	ssub.s32 @!p0 $0x0, s1;
	[sflag:s0] =	ssyncset.done @!p0 $0x0  }
0x1bd: {  	[sflag:s0] =	ssyncadd.s32 @!p0 s1  }
0x1be: {  	[bflag:$0x3] =	sbarrier.arrive $0xFFFF  }
0x1bf: {  	_ =	shalt  }

</sc_bundles>
